<compile_context>
chip_gen: v7x
topology: tpu7x:2x2x1
jax: 0.10.2.dev20260603
libtpu: 0.0.44.dev20260713+nightly
codegen_flags: <defaults>
</compile_context>

<pallas_src>
import functools
import math

import jax
import jax.numpy as jnp
from jax import lax
from jax.experimental import pallas as pl
from jax.experimental.pallas import tpu as pltpu
from jax.experimental.pallas import tpu_sc as plsc

_BN_EPS = 1e-5
_NBT = 6

_NC = 2
_NS = 16
_NW = _NC * _NS
_CHUNK = 128


def _sc_message_agg(N, E, D):
    n_chunks = E // _CHUNK
    assert n_chunks * _CHUNK == E
    iters = (n_chunks + _NW - 1) // _NW
    rpt = (N // (8 * _NS)) * 8
    rem = N - rpt * _NS
    full, tail = divmod(rpt, _CHUNK)

    mesh = plsc.VectorSubcoreMesh(core_axis_name="c", subcore_axis_name="s")

    @functools.partial(
        pl.kernel,
        out_type=jax.ShapeDtypeStruct((_NC, N, D), jnp.float32),
        mesh=mesh,
        scratch_types=[
            pltpu.VMEM((1, _CHUNK), jnp.int32),
            pltpu.VMEM((1, _CHUNK), jnp.int32),
            pltpu.VMEM((1, _CHUNK), jnp.int32),
            pltpu.VMEM((_CHUNK, D), jnp.float32),
            pltpu.VMEM((_CHUNK, D), jnp.float32),
            pltpu.VMEM_SHARED((N, D), jnp.float32),
            pltpu.SemaphoreType.DMA,
            pltpu.SemaphoreType.DMA,
        ],
    )
    def sc_kernel(h_hbm, ei_hbm, cidx_hbm, ctab_hbm, out_hbm,
                  srcv, dstv, cv, buf_a, buf_b, agg, sem_a, sem_b):
        c = lax.axis_index("c")
        s = lax.axis_index("s")
        wid = s * _NC + c

        def zrow(i, carry):
            for j in range(D // 16):
                buf_a[i, pl.ds(j * 16, 16)] = jnp.zeros((16,), jnp.float32)
            return carry

        lax.fori_loop(0, _CHUNK, zrow, 0)
        base = s * rpt
        for t in range(full):
            pltpu.sync_copy(buf_a, agg.at[pl.ds(base + t * _CHUNK, _CHUNK)])
        if tail:
            pltpu.sync_copy(buf_a.at[pl.ds(0, tail)],
                            agg.at[pl.ds(base + full * _CHUNK, tail)])
        if rem:

            @pl.when(s == _NS - 1)
            def _():
                pltpu.sync_copy(buf_a.at[pl.ds(0, rem)],
                                agg.at[pl.ds(rpt * _NS, rem)])

        plsc.subcore_barrier()

        def chunk(it, carry):
            ci = it * _NW + wid

            @pl.when(ci < n_chunks)
            def _():
                e0 = ci * _CHUNK
                pltpu.sync_copy(ei_hbm.at[0, pl.ds(e0, _CHUNK)], srcv.at[0])
                pltpu.sync_copy(ei_hbm.at[1, pl.ds(e0, _CHUNK)], dstv.at[0])
                pltpu.sync_copy(cidx_hbm.at[pl.ds(e0, _CHUNK)], cv.at[0])
                ga = pltpu.async_copy(ctab_hbm.at[cv.at[0]], buf_a, sem_a)
                gb = pltpu.async_copy(h_hbm.at[srcv.at[0]], buf_b, sem_b)
                ga.wait()
                gb.wait()

                def row(i, cc):
                    for j in range(D // 16):
                        sl = pl.ds(j * 16, 16)
                        buf_a[i, sl] = jnp.maximum(buf_a[i, sl] + buf_b[i, sl], 0.0)
                    return cc

                lax.fori_loop(0, _CHUNK, row, 0)
                pltpu.sync_copy(buf_a, agg.at[dstv.at[0]], add=True)

            return carry

        lax.fori_loop(0, iters, chunk, 0)
        plsc.subcore_barrier()

        for t in range(full):
            sl = pl.ds(base + t * _CHUNK, _CHUNK)
            pltpu.sync_copy(agg.at[sl], out_hbm.at[c, sl])
        if tail:
            sl = pl.ds(base + full * _CHUNK, tail)
            pltpu.sync_copy(agg.at[sl], out_hbm.at[c, sl])
        if rem:

            @pl.when(s == _NS - 1)
            def _():
                sl = pl.ds(rpt * _NS, rem)
                pltpu.sync_copy(agg.at[sl], out_hbm.at[c, sl])

    return sc_kernel


def _tc_mlp(N, D, relu_out):
    blk = 2000
    assert N % blk == 0

    def body(h, a0, a1, ep, w1, b1, w2, b2, o):
        z = h[...] * ep[...] + a0[...] + a1[...]
        u = jnp.dot(z, w1[...], preferred_element_type=jnp.float32) + b1[...]
        u = jnp.maximum(u, 0.0)
        y = jnp.dot(u, w2[...], preferred_element_type=jnp.float32) + b2[...]
        if relu_out:
            y = jnp.maximum(y, 0.0)
        o[...] = y

    row_spec = pl.BlockSpec((blk, D), lambda i: (i, 0))
    return pl.pallas_call(
        body,
        grid=(N // blk,),
        in_specs=[
            row_spec,
            row_spec,
            row_spec,
            pl.BlockSpec((1, D), lambda i: (0, 0)),
            pl.BlockSpec((D, 2 * D), lambda i: (0, 0)),
            pl.BlockSpec((1, 2 * D), lambda i: (0, 0)),
            pl.BlockSpec((2 * D, D), lambda i: (0, 0)),
            pl.BlockSpec((1, D), lambda i: (0, 0)),
        ],
        out_specs=row_spec,
        out_shape=jax.ShapeDtypeStruct((N, D), jnp.float32),
    )


def kernel(x, edge_index, edge_attr, bond_w, W1, b1, g1, be1, W2, b2, eps, bng, bnb):
    N, D = x.shape
    E = edge_index.shape[1]
    L = bond_w.shape[0]
    kbn = 1.0 / math.sqrt(1.0 + _BN_EPS)

    cidx = (edge_attr[:, 0] * 3 + edge_attr[:, 1]).astype(jnp.int32)
    sc = _sc_message_agg(N, E, D)

    h = x
    for l in range(L):
        emb = bond_w[l].T
        ctab = (emb[:_NBT, None, :] + emb[None, _NBT:, :]).reshape(-1, D)
        agg2 = sc(h, edge_index, cidx, ctab)
        s1 = kbn * g1[l]
        w1t = W1[l].T * s1[None, :]
        bias1 = (b1[l] * s1 + be1[l])[None, :]
        s2 = kbn * bng[l]
        w2t = W2[l].T * s2[None, :]
        bias2 = (b2[l] * s2 + bnb[l])[None, :]
        ep = jnp.full((1, D), 1.0 + eps[l], jnp.float32)
        h = _tc_mlp(N, D, l < L - 1)(h, agg2[0], agg2[1], ep, w1t, bias1, w2t, bias2)
    return h

# --- scband reference (transcript-rebuilt; emitter-appended) ---
"""Pipeline reference for scband-gnn-node-50955491999994 (READ-ONLY COPY).

The authoritative reference and input builder live on the scoring server;
editing this copy changes nothing except your own understanding.
"""

import jax, jax.numpy as jnp
import numpy as np

L = 3
N = 10000
E = 320000
D = 128
NUM_BOND_TYPE = 6
NUM_BOND_DIR = 3
BN_EPS = 1e-5


def setup_inputs(seed: int = 0) -> dict:
    key = jax.random.key(seed)
    ks = jax.random.split(key, 16)
    x = jax.random.normal(ks[0], (N, D), dtype=jnp.float32)
    edge_index = jax.random.randint(ks[1], (2, E), 0, N, dtype=jnp.int32)
    edge_attr = jnp.stack([
        jax.random.randint(ks[2], (E,), 0, 3, dtype=jnp.int32),
        jax.random.randint(ks[3], (E,), 0, 3, dtype=jnp.int32),
    ], axis=1)
    # learned params per layer (stacked over L)
    bond_w = jax.random.normal(ks[4], (L, D, NUM_BOND_TYPE + NUM_BOND_DIR), dtype=jnp.float32) * 0.1
    W1 = jax.random.normal(ks[5], (L, 2 * D, D), dtype=jnp.float32) * (1.0 / np.sqrt(D))
    b1 = jnp.zeros((L, 2 * D), dtype=jnp.float32)
    g1 = jnp.ones((L, 2 * D), dtype=jnp.float32) + 0.01 * jax.random.normal(ks[6], (L, 2 * D), dtype=jnp.float32)
    be1 = 0.01 * jax.random.normal(ks[7], (L, 2 * D), dtype=jnp.float32)
    W2 = jax.random.normal(ks[8], (L, D, 2 * D), dtype=jnp.float32) * (1.0 / np.sqrt(2 * D))
    b2 = jnp.zeros((L, D), dtype=jnp.float32)
    eps = jnp.zeros((L,), dtype=jnp.float32)
    bng = jnp.ones((L, D), dtype=jnp.float32) + 0.01 * jax.random.normal(ks[9], (L, D), dtype=jnp.float32)
    bnb = 0.01 * jax.random.normal(ks[10], (L, D), dtype=jnp.float32)
    return {
        'x': x, 'edge_index': edge_index, 'edge_attr': edge_attr,
        'bond_w': bond_w, 'W1': W1, 'b1': b1, 'g1': g1, 'be1': be1,
        'W2': W2, 'b2': b2, 'eps': eps, 'bng': bng, 'bnb': bnb,
    }


def _bn_eval(z, gamma, beta):
    # BatchNorm1d in eval mode with running_mean=0, running_var=1
    return z / jnp.sqrt(1.0 + BN_EPS) * gamma + beta


def reference(x, edge_index, edge_attr, bond_w, W1, b1, g1, be1, W2, b2, eps, bng, bnb):
    src = edge_index[0]
    dst = edge_index[1]
    h = x
    for l in range(L):
        # MixedBondEncoder: edge_attr has 2 cols -> categorical embedding path
        emb = bond_w[l].T  # [9, D] = edge_embedding.weight.T
        eemb = jnp.take(emb[:NUM_BOND_TYPE], edge_attr[:, 0], axis=0) + \
               jnp.take(emb[NUM_BOND_TYPE:], edge_attr[:, 1], axis=0)
        # message: relu(x_j + edge_attr), aggr='add' at dst
        msg = jax.nn.relu(jnp.take(h, src, axis=0) + eemb)
        agg = jax.ops.segment_sum(msg, dst, num_segments=N)
        z = (1.0 + eps[l]) * h + agg
        # mlp: Linear(D,2D) -> BN(2D) -> ReLU -> Linear(2D,D)
        z = z @ W1[l].T + b1[l]
        z = _bn_eval(z, g1[l], be1[l])
        z = jax.nn.relu(z)
        z = z @ W2[l].T + b2[l]
        # outer batch norm
        hn = _bn_eval(z, bng[l], bnb[l])
        # dropout is identity in eval; relu on all but last layer
        if l < L - 1:
            hn = jax.nn.relu(hn)
        h = hn
    # JK == 'last'
    return h

if __name__ == "__main__":
    import jax
    _d = setup_inputs()
    print(jax.jit(kernel)(*tuple(_d.values())))

</pallas_src>

<mosaic_0001>
#map = affine_map<(d0, d1) -> (0, 0)>
#map1 = affine_map<(d0, d1) -> (0)>
#map2 = affine_map<(d0, d1) -> (0, 0, 0)>
module attributes {stable_mosaic.version = 14 : i64} {
  func.func @sc_kernel(%arg0: i32, %arg1: i32, %arg2: memref<10000x128xf32, #tpu.memory_space<hbm>>, %arg3: memref<2x320000xi32, #tpu.memory_space<hbm>>, %arg4: memref<320000xi32, #tpu.memory_space<hbm>>, %arg5: memref<18x128xf32, #tpu.memory_space<hbm>>, %arg6: memref<2x10000x128xf32, #tpu.memory_space<hbm>>, %arg7: memref<1x128xi32, #tpu.memory_space<vmem>>, %arg8: memref<1x128xi32, #tpu.memory_space<vmem>>, %arg9: memref<1x128xi32, #tpu.memory_space<vmem>>, %arg10: memref<128x128xf32, #tpu.memory_space<vmem>>, %arg11: memref<128x128xf32, #tpu.memory_space<vmem>>, %arg12: memref<10000x128xf32, #tpu.memory_space<vmem_shared>>, %arg13: memref<!tpu.dma_semaphore, #tpu.memory_space<semaphore_mem>>, %arg14: memref<!tpu.dma_semaphore, #tpu.memory_space<semaphore_mem>>) attributes {dimension_semantics = [#tpu.dimension_semantics<core_parallel>, #tpu.dimension_semantics<subcore_parallel>], iteration_bounds = array<i64: 2, 16>, scalar_prefetch = 0 : i64, scratch_operands = 8 : i64, tpu.core_type = #tpu.core_type<sc_vector_subcore>, window_params = [{transform_indices = #map}, {transform_indices = #map}, {transform_indices = #map1}, {transform_indices = #map}, {transform_indices = #map2}]} {
    %mul3A = arith.constant 2 : i32
    %mul3A_0 = arith.muli %arg1, %mul3A : i32
    %add3A = arith.addi %mul3A_0, %arg0 : i32
    %scan3A = arith.constant 0 : i32
    %scan3A_1 = arith.constant 0 : i32
    %scan3A_2 = arith.constant 128 : i32
    %scan3A_3 = arith.addi %scan3A_1, %scan3A_2 : i32
    %scan3A_4 = arith.constant 1 : i32
    scf.for %scan3A_42 = %scan3A_1 to %scan3A_3 step %scan3A_4  : i32 {
      %broadcast_in_dim3A = arith.constant 0.000000e+00 : f32
      %broadcast_in_dim3A_43 = vector.broadcast %broadcast_in_dim3A : f32 to vector<16xf32>
      %swap3A = arith.index_cast %scan3A_42 : i32 to index
      %swap3A_44 = arith.constant 0 : index
      %swap3A_45 = tpu.vector_load %arg10[%swap3A, %swap3A_44] {strides = array<i32>} : memref<128x128xf32, #tpu.memory_space<vmem>>, vector<1x16xf32>,
      %swap3A_46 = vector.shape_cast %swap3A_45 : vector<1x16xf32> to vector<16xf32>
      %swap3A_47 = vector.shape_cast %broadcast_in_dim3A_43 : vector<16xf32> to vector<1x16xf32>
      tpu.vector_store %arg10[%swap3A, %swap3A_44], %swap3A_47 {strides = array<i32>} : memref<128x128xf32, #tpu.memory_space<vmem>>, vector<1x16xf32>,
      %broadcast_in_dim3A_48 = arith.constant 0.000000e+00 : f32
      %broadcast_in_dim3A_49 = vector.broadcast %broadcast_in_dim3A_48 : f32 to vector<16xf32>
      %swap3A_50 = arith.index_cast %scan3A_42 : i32 to index
      %swap3A_51 = arith.constant 16 : index
      %swap3A_52 = tpu.vector_load %arg10[%swap3A_50, %swap3A_51] {strides = array<i32>} : memref<128x128xf32, #tpu.memory_space<vmem>>, vector<1x16xf32>,
      %swap3A_53 = vector.shape_cast %swap3A_52 : vector<1x16xf32> to vector<16xf32>
      %swap3A_54 = vector.shape_cast %broadcast_in_dim3A_49 : vector<16xf32> to vector<1x16xf32>
      tpu.vector_store %arg10[%swap3A_50, %swap3A_51], %swap3A_54 {strides = array<i32>} : memref<128x128xf32, #tpu.memory_space<vmem>>, vector<1x16xf32>,
      %broadcast_in_dim3A_55 = arith.constant 0.000000e+00 : f32
      %broadcast_in_dim3A_56 = vector.broadcast %broadcast_in_dim3A_55 : f32 to vector<16xf32>
      %swap3A_57 = arith.index_cast %scan3A_42 : i32 to index
      %swap3A_58 = arith.constant 32 : index
      %swap3A_59 = tpu.vector_load %arg10[%swap3A_57, %swap3A_58] {strides = array<i32>} : memref<128x128xf32, #tpu.memory_space<vmem>>, vector<1x16xf32>,
      %swap3A_60 = vector.shape_cast %swap3A_59 : vector<1x16xf32> to vector<16xf32>
      %swap3A_61 = vector.shape_cast %broadcast_in_dim3A_56 : vector<16xf32> to vector<1x16xf32>
      tpu.vector_store %arg10[%swap3A_57, %swap3A_58], %swap3A_61 {strides = array<i32>} : memref<128x128xf32, #tpu.memory_space<vmem>>, vector<1x16xf32>,
      %broadcast_in_dim3A_62 = arith.constant 0.000000e+00 : f32
      %broadcast_in_dim3A_63 = vector.broadcast %broadcast_in_dim3A_62 : f32 to vector<16xf32>
      %swap3A_64 = arith.index_cast %scan3A_42 : i32 to index
      %swap3A_65 = arith.constant 48 : index
      %swap3A_66 = tpu.vector_load %arg10[%swap3A_64, %swap3A_65] {strides = array<i32>} : memref<128x128xf32, #tpu.memory_space<vmem>>, vector<1x16xf32>,
      %swap3A_67 = vector.shape_cast %swap3A_66 : vector<1x16xf32> to vector<16xf32>
      %swap3A_68 = vector.shape_cast %broadcast_in_dim3A_63 : vector<16xf32> to vector<1x16xf32>
      tpu.vector_store %arg10[%swap3A_64, %swap3A_65], %swap3A_68 {strides = array<i32>} : memref<128x128xf32, #tpu.memory_space<vmem>>, vector<1x16xf32>,
      %broadcast_in_dim3A_69 = arith.constant 0.000000e+00 : f32
      %broadcast_in_dim3A_70 = vector.broadcast %broadcast_in_dim3A_69 : f32 to vector<16xf32>
      %swap3A_71 = arith.index_cast %scan3A_42 : i32 to index
      %swap3A_72 = arith.constant 64 : index
      %swap3A_73 = tpu.vector_load %arg10[%swap3A_71, %swap3A_72] {strides = array<i32>} : memref<128x128xf32, #tpu.memory_space<vmem>>, vector<1x16xf32>,
      %swap3A_74 = vector.shape_cast %swap3A_73 : vector<1x16xf32> to vector<16xf32>
      %swap3A_75 = vector.shape_cast %broadcast_in_dim3A_70 : vector<16xf32> to vector<1x16xf32>
      tpu.vector_store %arg10[%swap3A_71, %swap3A_72], %swap3A_75 {strides = array<i32>} : memref<128x128xf32, #tpu.memory_space<vmem>>, vector<1x16xf32>,
      %broadcast_in_dim3A_76 = arith.constant 0.000000e+00 : f32
      %broadcast_in_dim3A_77 = vector.broadcast %broadcast_in_dim3A_76 : f32 to vector<16xf32>
      %swap3A_78 = arith.index_cast %scan3A_42 : i32 to index
      %swap3A_79 = arith.constant 80 : index
      %swap3A_80 = tpu.vector_load %arg10[%swap3A_78, %swap3A_79] {strides = array<i32>} : memref<128x128xf32, #tpu.memory_space<vmem>>, vector<1x16xf32>,
      %swap3A_81 = vector.shape_cast %swap3A_80 : vector<1x16xf32> to vector<16xf32>
      %swap3A_82 = vector.shape_cast %broadcast_in_dim3A_77 : vector<16xf32> to vector<1x16xf32>
      tpu.vector_store %arg10[%swap3A_78, %swap3A_79], %swap3A_82 {strides = array<i32>} : memref<128x128xf32, #tpu.memory_space<vmem>>, vector<1x16xf32>,
      %broadcast_in_dim3A_83 = arith.constant 0.000000e+00 : f32
      %broadcast_in_dim3A_84 = vector.broadcast %broadcast_in_dim3A_83 : f32 to vector<16xf32>
      %swap3A_85 = arith.index_cast %scan3A_42 : i32 to index
      %swap3A_86 = arith.constant 96 : index
      %swap3A_87 = tpu.vector_load %arg10[%swap3A_85, %swap3A_86] {strides = array<i32>} : memref<128x128xf32, #tpu.memory_space<vmem>>, vector<1x16xf32>,
      %swap3A_88 = vector.shape_cast %swap3A_87 : vector<1x16xf32> to vector<16xf32>
      %swap3A_89 = vector.shape_cast %broadcast_in_dim3A_84 : vector<16xf32> to vector<1x16xf32>
      tpu.vector_store %arg10[%swap3A_85, %swap3A_86], %swap3A_89 {strides = array<i32>} : memref<128x128xf32, #tpu.memory_space<vmem>>, vector<1x16xf32>,
      %broadcast_in_dim3A_90 = arith.constant 0.000000e+00 : f32
      %broadcast_in_dim3A_91 = vector.broadcast %broadcast_in_dim3A_90 : f32 to vector<16xf32>
      %swap3A_92 = arith.index_cast %scan3A_42 : i32 to index
      %swap3A_93 = arith.constant 112 : index
      %swap3A_94 = tpu.vector_load %arg10[%swap3A_92, %swap3A_93] {strides = array<i32>} : memref<128x128xf32, #tpu.memory_space<vmem>>, vector<1x16xf32>,
      %swap3A_95 = vector.shape_cast %swap3A_94 : vector<1x16xf32> to vector<16xf32>
      %swap3A_96 = vector.shape_cast %broadcast_in_dim3A_91 : vector<16xf32> to vector<1x16xf32>
      tpu.vector_store %arg10[%swap3A_92, %swap3A_93], %swap3A_96 {strides = array<i32>} : memref<128x128xf32, #tpu.memory_space<vmem>>, vector<1x16xf32>,
    }
    %scan3A_5 = arith.constant 128 : i32
    %mul3A_6 = arith.constant 624 : i32
    %mul3A_7 = arith.muli %arg1, %mul3A_6 : i32
    %add3A_8 = arith.constant 0 : i32
    %add3A_9 = arith.addi %mul3A_7, %add3A_8 : i32
    "tpu.region"() ({
      %run_scoped3A = tpu.sem_alloc : memref<!tpu.dma_semaphore, #tpu.memory_space<semaphore_mem>>
      %dma_start3A = arith.constant 0 : i32
      %dma_start3A_42 = tpu.memref_slice %arg12[%add3A_9, %dma_start3A] : memref<10000x128xf32, #tpu.memory_space<vmem_shared>> -> memref<128x128xf32, #tpu.memory_space<vmem_shared>>
      %dma_start3A_43 = arith.constant 0 : i32
      %dma_start3A_44 = tpu.memref_slice %arg12[%add3A_9, %dma_start3A_43] : memref<10000x128xf32, #tpu.memory_space<vmem_shared>> -> memref<128x128xf32, #tpu.memory_space<vmem_shared>>
      tpu.enqueue_dma source(%arg10 : memref<128x128xf32, #tpu.memory_space<vmem>>) target(%dma_start3A_44 : memref<128x128xf32, #tpu.memory_space<vmem_shared>>) target_semaphore(%run_scoped3A : memref<!tpu.dma_semaphore, #tpu.memory_space<semaphore_mem>>)
      %dma_wait3A = arith.constant 0 : i32
      %dma_wait3A_45 = tpu.memref_slice %arg12[%add3A_9, %dma_wait3A] : memref<10000x128xf32, #tpu.memory_space<vmem_shared>> -> memref<128x128xf32, #tpu.memory_space<vmem_shared>>
      %dma_wait3A_46 = arith.constant 0 : i32
      %dma_wait3A_47 = tpu.memref_slice %arg12[%add3A_9, %dma_wait3A_46] : memref<10000x128xf32, #tpu.memory_space<vmem_shared>> -> memref<128x128xf32, #tpu.memory_space<vmem_shared>>
      tpu.wait_dma2 semaphore(%run_scoped3A : memref<!tpu.dma_semaphore, #tpu.memory_space<semaphore_mem>>) src(%arg10 : memref<128x128xf32, #tpu.memory_space<vmem>>) dst(%dma_wait3A_47 : memref<128x128xf32, #tpu.memory_space<vmem_shared>>)
      tpu.yield
    }) : () -> ()
    %add3A_10 = arith.constant 128 : i32
    %add3A_11 = arith.addi %mul3A_7, %add3A_10 : i32
    "tpu.region"() ({
      %run_scoped3A = tpu.sem_alloc : memref<!tpu.dma_semaphore, #tpu.memory_space<semaphore_mem>>
      %dma_start3A = arith.constant 0 : i32
      %dma_start3A_42 = tpu.memref_slice %arg12[%add3A_11, %dma_start3A] : memref<10000x128xf32, #tpu.memory_space<vmem_shared>> -> memref<128x128xf32, #tpu.memory_space<vmem_shared>>
      %dma_start3A_43 = arith.constant 0 : i32
      %dma_start3A_44 = tpu.memref_slice %arg12[%add3A_11, %dma_start3A_43] : memref<10000x128xf32, #tpu.memory_space<vmem_shared>> -> memref<128x128xf32, #tpu.memory_space<vmem_shared>>
      tpu.enqueue_dma source(%arg10 : memref<128x128xf32, #tpu.memory_space<vmem>>) target(%dma_start3A_44 : memref<128x128xf32, #tpu.memory_space<vmem_shared>>) target_semaphore(%run_scoped3A : memref<!tpu.dma_semaphore, #tpu.memory_space<semaphore_mem>>)
      %dma_wait3A = arith.constant 0 : i32
      %dma_wait3A_45 = tpu.memref_slice %arg12[%add3A_11, %dma_wait3A] : memref<10000x128xf32, #tpu.memory_space<vmem_shared>> -> memref<128x128xf32, #tpu.memory_space<vmem_shared>>
      %dma_wait3A_46 = arith.constant 0 : i32
      %dma_wait3A_47 = tpu.memref_slice %arg12[%add3A_11, %dma_wait3A_46] : memref<10000x128xf32, #tpu.memory_space<vmem_shared>> -> memref<128x128xf32, #tpu.memory_space<vmem_shared>>
      tpu.wait_dma2 semaphore(%run_scoped3A : memref<!tpu.dma_semaphore, #tpu.memory_space<semaphore_mem>>) src(%arg10 : memref<128x128xf32, #tpu.memory_space<vmem>>) dst(%dma_wait3A_47 : memref<128x128xf32, #tpu.memory_space<vmem_shared>>)
      tpu.yield
    }) : () -> ()
    %add3A_12 = arith.constant 256 : i32
    %add3A_13 = arith.addi %mul3A_7, %add3A_12 : i32
    "tpu.region"() ({
      %run_scoped3A = tpu.sem_alloc : memref<!tpu.dma_semaphore, #tpu.memory_space<semaphore_mem>>
      %dma_start3A = arith.constant 0 : i32
      %dma_start3A_42 = tpu.memref_slice %arg12[%add3A_13, %dma_start3A] : memref<10000x128xf32, #tpu.memory_space<vmem_shared>> -> memref<128x128xf32, #tpu.memory_space<vmem_shared>>
      %dma_start3A_43 = arith.constant 0 : i32
      %dma_start3A_44 = tpu.memref_slice %arg12[%add3A_13, %dma_start3A_43] : memref<10000x128xf32, #tpu.memory_space<vmem_shared>> -> memref<128x128xf32, #tpu.memory_space<vmem_shared>>
      tpu.enqueue_dma source(%arg10 : memref<128x128xf32, #tpu.memory_space<vmem>>) target(%dma_start3A_44 : memref<128x128xf32, #tpu.memory_space<vmem_shared>>) target_semaphore(%run_scoped3A : memref<!tpu.dma_semaphore, #tpu.memory_space<semaphore_mem>>)
      %dma_wait3A = arith.constant 0 : i32
      %dma_wait3A_45 = tpu.memref_slice %arg12[%add3A_13, %dma_wait3A] : memref<10000x128xf32, #tpu.memory_space<vmem_shared>> -> memref<128x128xf32, #tpu.memory_space<vmem_shared>>
      %dma_wait3A_46 = arith.constant 0 : i32
      %dma_wait3A_47 = tpu.memref_slice %arg12[%add3A_13, %dma_wait3A_46] : memref<10000x128xf32, #tpu.memory_space<vmem_shared>> -> memref<128x128xf32, #tpu.memory_space<vmem_shared>>
      tpu.wait_dma2 semaphore(%run_scoped3A : memref<!tpu.dma_semaphore, #tpu.memory_space<semaphore_mem>>) src(%arg10 : memref<128x128xf32, #tpu.memory_space<vmem>>) dst(%dma_wait3A_47 : memref<128x128xf32, #tpu.memory_space<vmem_shared>>)
      tpu.yield
    }) : () -> ()
    %add3A_14 = arith.constant 384 : i32
    %add3A_15 = arith.addi %mul3A_7, %add3A_14 : i32
    "tpu.region"() ({
      %run_scoped3A = tpu.sem_alloc : memref<!tpu.dma_semaphore, #tpu.memory_space<semaphore_mem>>
      %dma_start3A = arith.constant 0 : i32
      %dma_start3A_42 = tpu.memref_slice %arg12[%add3A_15, %dma_start3A] : memref<10000x128xf32, #tpu.memory_space<vmem_shared>> -> memref<128x128xf32, #tpu.memory_space<vmem_shared>>
      %dma_start3A_43 = arith.constant 0 : i32
      %dma_start3A_44 = tpu.memref_slice %arg12[%add3A_15, %dma_start3A_43] : memref<10000x128xf32, #tpu.memory_space<vmem_shared>> -> memref<128x128xf32, #tpu.memory_space<vmem_shared>>
      tpu.enqueue_dma source(%arg10 : memref<128x128xf32, #tpu.memory_space<vmem>>) target(%dma_start3A_44 : memref<128x128xf32, #tpu.memory_space<vmem_shared>>) target_semaphore(%run_scoped3A : memref<!tpu.dma_semaphore, #tpu.memory_space<semaphore_mem>>)
      %dma_wait3A = arith.constant 0 : i32
      %dma_wait3A_45 = tpu.memref_slice %arg12[%add3A_15, %dma_wait3A] : memref<10000x128xf32, #tpu.memory_space<vmem_shared>> -> memref<128x128xf32, #tpu.memory_space<vmem_shared>>
      %dma_wait3A_46 = arith.constant 0 : i32
      %dma_wait3A_47 = tpu.memref_slice %arg12[%add3A_15, %dma_wait3A_46] : memref<10000x128xf32, #tpu.memory_space<vmem_shared>> -> memref<128x128xf32, #tpu.memory_space<vmem_shared>>
      tpu.wait_dma2 semaphore(%run_scoped3A : memref<!tpu.dma_semaphore, #tpu.memory_space<semaphore_mem>>) src(%arg10 : memref<128x128xf32, #tpu.memory_space<vmem>>) dst(%dma_wait3A_47 : memref<128x128xf32, #tpu.memory_space<vmem_shared>>)
      tpu.yield
    }) : () -> ()
    %add3A_16 = arith.constant 512 : i32
    %add3A_17 = arith.addi %mul3A_7, %add3A_16 : i32
    "tpu.region"() ({
      %run_scoped3A = tpu.sem_alloc : memref<!tpu.dma_semaphore, #tpu.memory_space<semaphore_mem>>
      %dma_start3A = arith.constant 0 : i32
      %dma_start3A_42 = arith.constant 0 : i32
      %dma_start3A_43 = tpu.memref_slice %arg10[%dma_start3A, %dma_start3A_42] : memref<128x128xf32, #tpu.memory_space<vmem>> -> memref<112x128xf32, #tpu.memory_space<vmem>>
      %dma_start3A_44 = arith.constant 0 : i32
      %dma_start3A_45 = tpu.memref_slice %arg12[%add3A_17, %dma_start3A_44] : memref<10000x128xf32, #tpu.memory_space<vmem_shared>> -> memref<112x128xf32, #tpu.memory_space<vmem_shared>>
      %dma_start3A_46 = arith.constant 0 : i32
      %dma_start3A_47 = tpu.memref_slice %arg12[%add3A_17, %dma_start3A_46] : memref<10000x128xf32, #tpu.memory_space<vmem_shared>> -> memref<112x128xf32, #tpu.memory_space<vmem_shared>>
      %dma_start3A_48 = arith.constant 0 : i32
      %dma_start3A_49 = arith.constant 0 : i32
      %dma_start3A_50 = tpu.memref_slice %arg10[%dma_start3A_48, %dma_start3A_49] : memref<128x128xf32, #tpu.memory_space<vmem>> -> memref<112x128xf32, #tpu.memory_space<vmem>>
      tpu.enqueue_dma source(%dma_start3A_50 : memref<112x128xf32, #tpu.memory_space<vmem>>) target(%dma_start3A_47 : memref<112x128xf32, #tpu.memory_space<vmem_shared>>) target_semaphore(%run_scoped3A : memref<!tpu.dma_semaphore, #tpu.memory_space<semaphore_mem>>)
      %dma_wait3A = arith.constant 0 : i32
      %dma_wait3A_51 = arith.constant 0 : i32
      %dma_wait3A_52 = tpu.memref_slice %arg10[%dma_wait3A, %dma_wait3A_51] : memref<128x128xf32, #tpu.memory_space<vmem>> -> memref<112x128xf32, #tpu.memory_space<vmem>>
      %dma_wait3A_53 = arith.constant 0 : i32
      %dma_wait3A_54 = tpu.memref_slice %arg12[%add3A_17, %dma_wait3A_53] : memref<10000x128xf32, #tpu.memory_space<vmem_shared>> -> memref<112x128xf32, #tpu.memory_space<vmem_shared>>
      %dma_wait3A_55 = arith.constant 0 : i32
      %dma_wait3A_56 = tpu.memref_slice %arg12[%add3A_17, %dma_wait3A_55] : memref<10000x128xf32, #tpu.memory_space<vmem_shared>> -> memref<112x128xf32, #tpu.memory_space<vmem_shared>>
      %dma_wait3A_57 = arith.constant 0 : i32
      %dma_wait3A_58 = arith.constant 0 : i32
      %dma_wait3A_59 = tpu.memref_slice %arg10[%dma_wait3A_57, %dma_wait3A_58] : memref<128x128xf32, #tpu.memory_space<vmem>> -> memref<112x128xf32, #tpu.memory_space<vmem>>
      tpu.wait_dma2 semaphore(%run_scoped3A : memref<!tpu.dma_semaphore, #tpu.memory_space<semaphore_mem>>) src(%dma_wait3A_59 : memref<112x128xf32, #tpu.memory_space<vmem>>) dst(%dma_wait3A_56 : memref<112x128xf32, #tpu.memory_space<vmem_shared>>)
      tpu.yield
    }) : () -> ()
    %eq3A = arith.constant 15 : i32
    %eq3A_18 = arith.cmpi eq, %arg1, %eq3A : i32
    %convert_element_type3A = arith.extui %eq3A_18 : i1 to i32
    %cond3A = arith.constant 0 : i32
    %cond3A_19 = arith.cmpi ne, %convert_element_type3A, %cond3A : i32
    scf.if %cond3A_19 {
      "tpu.region"() ({
        %run_scoped3A = tpu.sem_alloc : memref<!tpu.dma_semaphore, #tpu.memory_space<semaphore_mem>>
        %dma_start3A = arith.constant 0 : i32
        %dma_start3A_42 = arith.constant 0 : i32
        %dma_start3A_43 = tpu.memref_slice %arg10[%dma_start3A, %dma_start3A_42] : memref<128x128xf32, #tpu.memory_space<vmem>> -> memref<16x128xf32, #tpu.memory_space<vmem>>
        %dma_start3A_44 = arith.constant 9984 : i32
        %dma_start3A_45 = arith.constant 0 : i32
        %dma_start3A_46 = tpu.memref_slice %arg12[%dma_start3A_44, %dma_start3A_45] : memref<10000x128xf32, #tpu.memory_space<vmem_shared>> -> memref<16x128xf32, #tpu.memory_space<vmem_shared>>
        %dma_start3A_47 = arith.constant 9984 : i32
        %dma_start3A_48 = arith.constant 0 : i32
        %dma_start3A_49 = tpu.memref_slice %arg12[%dma_start3A_47, %dma_start3A_48] : memref<10000x128xf32, #tpu.memory_space<vmem_shared>> -> memref<16x128xf32, #tpu.memory_space<vmem_shared>>
        %dma_start3A_50 = arith.constant 0 : i32
        %dma_start3A_51 = arith.constant 0 : i32
        %dma_start3A_52 = tpu.memref_slice %arg10[%dma_start3A_50, %dma_start3A_51] : memref<128x128xf32, #tpu.memory_space<vmem>> -> memref<16x128xf32, #tpu.memory_space<vmem>>
        tpu.enqueue_dma source(%dma_start3A_52 : memref<16x128xf32, #tpu.memory_space<vmem>>) target(%dma_start3A_49 : memref<16x128xf32, #tpu.memory_space<vmem_shared>>) target_semaphore(%run_scoped3A : memref<!tpu.dma_semaphore, #tpu.memory_space<semaphore_mem>>)
        %dma_wait3A = arith.constant 0 : i32
        %dma_wait3A_53 = arith.constant 0 : i32
        %dma_wait3A_54 = tpu.memref_slice %arg10[%dma_wait3A, %dma_wait3A_53] : memref<128x128xf32, #tpu.memory_space<vmem>> -> memref<16x128xf32, #tpu.memory_space<vmem>>
        %dma_wait3A_55 = arith.constant 9984 : i32
        %dma_wait3A_56 = arith.constant 0 : i32
        %dma_wait3A_57 = tpu.memref_slice %arg12[%dma_wait3A_55, %dma_wait3A_56] : memref<10000x128xf32, #tpu.memory_space<vmem_shared>> -> memref<16x128xf32, #tpu.memory_space<vmem_shared>>
        %dma_wait3A_58 = arith.constant 9984 : i32
        %dma_wait3A_59 = arith.constant 0 : i32
        %dma_wait3A_60 = tpu.memref_slice %arg12[%dma_wait3A_58, %dma_wait3A_59] : memref<10000x128xf32, #tpu.memory_space<vmem_shared>> -> memref<16x128xf32, #tpu.memory_space<vmem_shared>>
        %dma_wait3A_61 = arith.constant 0 : i32
        %dma_wait3A_62 = arith.constant 0 : i32
        %dma_wait3A_63 = tpu.memref_slice %arg10[%dma_wait3A_61, %dma_wait3A_62] : memref<128x128xf32, #tpu.memory_space<vmem>> -> memref<16x128xf32, #tpu.memory_space<vmem>>
        tpu.wait_dma2 semaphore(%run_scoped3A : memref<!tpu.dma_semaphore, #tpu.memory_space<semaphore_mem>>) src(%dma_wait3A_63 : memref<16x128xf32, #tpu.memory_space<vmem>>) dst(%dma_wait3A_60 : memref<16x128xf32, #tpu.memory_space<vmem_shared>>)
        tpu.yield
      }) : () -> ()
    } else {
    }
    %barrier3A = arith.constant 0 : index
    tpu.barrier barrier_id(%barrier3A)
    %scan3A_20 = arith.constant 0 : i32
    %scan3A_21 = arith.constant 0 : i32
    %scan3A_22 = arith.constant 79 : i32
    %scan3A_23 = arith.addi %scan3A_21, %scan3A_22 : i32
    %scan3A_24 = arith.constant 1 : i32
    scf.for %scan3A_42 = %scan3A_21 to %scan3A_23 step %scan3A_24  : i32 {
      %mul3A_43 = arith.constant 32 : i32
      %mul3A_44 = arith.muli %scan3A_42, %mul3A_43 : i32
      %add3A_45 = arith.addi %mul3A_44, %add3A : i32
      %lt3A = arith.constant 2500 : i32
      %lt3A_46 = arith.cmpi slt, %add3A_45, %lt3A : i32
      %convert_element_type3A_47 = arith.extui %lt3A_46 : i1 to i32
      %cond3A_48 = arith.constant 0 : i32
      %cond3A_49 = arith.cmpi ne, %convert_element_type3A_47, %cond3A_48 : i32
      scf.if %cond3A_49 {
        %mul3A_50 = arith.constant 128 : i32
        %mul3A_51 = arith.muli %add3A_45, %mul3A_50 : i32
        %run_scoped3A = arith.constant 0 : i32
        %run_scoped3A_52 = arith.constant 0 : i32
        "tpu.region"() ({
          %run_scoped3A_89 = tpu.sem_alloc : memref<!tpu.dma_semaphore, #tpu.memory_space<semaphore_mem>>
          %dma_start3A_90 = arith.constant 0 : i32
          %dma_start3A_91 = tpu.memref_slice %arg7[%run_scoped3A_52, %dma_start3A_90] : memref<1x128xi32, #tpu.memory_space<vmem>> -> memref<1x128xi32, #tpu.memory_space<vmem>>
          %dma_start3A_92 = tpu.memref_squeeze %dma_start3A_91 : memref<1x128xi32, #tpu.memory_space<vmem>> -> memref<128xi32, #tpu.memory_space<vmem>>
          %dma_start3A_93 = tpu.memref_slice %arg3[%run_scoped3A, %mul3A_51] : memref<2x320000xi32, #tpu.memory_space<hbm>> -> memref<1x128xi32, #tpu.memory_space<hbm>>
          %dma_start3A_94 = tpu.memref_squeeze %dma_start3A_93 : memref<1x128xi32, #tpu.memory_space<hbm>> -> memref<128xi32, #tpu.memory_space<hbm>>
          %dma_start3A_95 = arith.constant 0 : i32
          %dma_start3A_96 = tpu.memref_slice %arg7[%run_scoped3A_52, %dma_start3A_95] : memref<1x128xi32, #tpu.memory_space<vmem>> -> memref<1x128xi32, #tpu.memory_space<vmem>>
          %dma_start3A_97 = tpu.memref_squeeze %dma_start3A_96 : memref<1x128xi32, #tpu.memory_space<vmem>> -> memref<128xi32, #tpu.memory_space<vmem>>
          %dma_start3A_98 = tpu.memref_slice %arg3[%run_scoped3A, %mul3A_51] : memref<2x320000xi32, #tpu.memory_space<hbm>> -> memref<1x128xi32, #tpu.memory_space<hbm>>
          %dma_start3A_99 = tpu.memref_squeeze %dma_start3A_98 : memref<1x128xi32, #tpu.memory_space<hbm>> -> memref<128xi32, #tpu.memory_space<hbm>>
          tpu.enqueue_dma source(%dma_start3A_99 : memref<128xi32, #tpu.memory_space<hbm>>) target(%dma_start3A_97 : memref<128xi32, #tpu.memory_space<vmem>>) target_semaphore(%run_scoped3A_89 : memref<!tpu.dma_semaphore, #tpu.memory_space<semaphore_mem>>)
          %dma_wait3A_100 = arith.constant 0 : i32
          %dma_wait3A_101 = tpu.memref_slice %arg7[%run_scoped3A_52, %dma_wait3A_100] : memref<1x128xi32, #tpu.memory_space<vmem>> -> memref<1x128xi32, #tpu.memory_space<vmem>>
          %dma_wait3A_102 = tpu.memref_squeeze %dma_wait3A_101 : memref<1x128xi32, #tpu.memory_space<vmem>> -> memref<128xi32, #tpu.memory_space<vmem>>
          %dma_wait3A_103 = tpu.memref_slice %arg3[%run_scoped3A, %mul3A_51] : memref<2x320000xi32, #tpu.memory_space<hbm>> -> memref<1x128xi32, #tpu.memory_space<hbm>>
          %dma_wait3A_104 = tpu.memref_squeeze %dma_wait3A_103 : memref<1x128xi32, #tpu.memory_space<hbm>> -> memref<128xi32, #tpu.memory_space<hbm>>
          %dma_wait3A_105 = arith.constant 0 : i32
          %dma_wait3A_106 = tpu.memref_slice %arg7[%run_scoped3A_52, %dma_wait3A_105] : memref<1x128xi32, #tpu.memory_space<vmem>> -> memref<1x128xi32, #tpu.memory_space<vmem>>
          %dma_wait3A_107 = tpu.memref_squeeze %dma_wait3A_106 : memref<1x128xi32, #tpu.memory_space<vmem>> -> memref<128xi32, #tpu.memory_space<vmem>>
          %dma_wait3A_108 = tpu.memref_slice %arg3[%run_scoped3A, %mul3A_51] : memref<2x320000xi32, #tpu.memory_space<hbm>> -> memref<1x128xi32, #tpu.memory_space<hbm>>
          %dma_wait3A_109 = tpu.memref_squeeze %dma_wait3A_108 : memref<1x128xi32, #tpu.memory_space<hbm>> -> memref<128xi32, #tpu.memory_space<hbm>>
          tpu.wait_dma2 semaphore(%run_scoped3A_89 : memref<!tpu.dma_semaphore, #tpu.memory_space<semaphore_mem>>) src(%dma_wait3A_109 : memref<128xi32, #tpu.memory_space<hbm>>) dst(%dma_wait3A_107 : memref<128xi32, #tpu.memory_space<vmem>>)
          tpu.yield
        }) : () -> ()
        %run_scoped3A_53 = arith.constant 1 : i32
        %run_scoped3A_54 = arith.constant 0 : i32
        "tpu.region"() ({
          %run_scoped3A_89 = tpu.sem_alloc : memref<!tpu.dma_semaphore, #tpu.memory_space<semaphore_mem>>
          %dma_start3A_90 = arith.constant 0 : i32
          %dma_start3A_91 = tpu.memref_slice %arg8[%run_scoped3A_54, %dma_start3A_90] : memref<1x128xi32, #tpu.memory_space<vmem>> -> memref<1x128xi32, #tpu.memory_space<vmem>>
          %dma_start3A_92 = tpu.memref_squeeze %dma_start3A_91 : memref<1x128xi32, #tpu.memory_space<vmem>> -> memref<128xi32, #tpu.memory_space<vmem>>
          %dma_start3A_93 = tpu.memref_slice %arg3[%run_scoped3A_53, %mul3A_51] : memref<2x320000xi32, #tpu.memory_space<hbm>> -> memref<1x128xi32, #tpu.memory_space<hbm>>
          %dma_start3A_94 = tpu.memref_squeeze %dma_start3A_93 : memref<1x128xi32, #tpu.memory_space<hbm>> -> memref<128xi32, #tpu.memory_space<hbm>>
          %dma_start3A_95 = arith.constant 0 : i32
          %dma_start3A_96 = tpu.memref_slice %arg8[%run_scoped3A_54, %dma_start3A_95] : memref<1x128xi32, #tpu.memory_space<vmem>> -> memref<1x128xi32, #tpu.memory_space<vmem>>
          %dma_start3A_97 = tpu.memref_squeeze %dma_start3A_96 : memref<1x128xi32, #tpu.memory_space<vmem>> -> memref<128xi32, #tpu.memory_space<vmem>>
          %dma_start3A_98 = tpu.memref_slice %arg3[%run_scoped3A_53, %mul3A_51] : memref<2x320000xi32, #tpu.memory_space<hbm>> -> memref<1x128xi32, #tpu.memory_space<hbm>>
          %dma_start3A_99 = tpu.memref_squeeze %dma_start3A_98 : memref<1x128xi32, #tpu.memory_space<hbm>> -> memref<128xi32, #tpu.memory_space<hbm>>
          tpu.enqueue_dma source(%dma_start3A_99 : memref<128xi32, #tpu.memory_space<hbm>>) target(%dma_start3A_97 : memref<128xi32, #tpu.memory_space<vmem>>) target_semaphore(%run_scoped3A_89 : memref<!tpu.dma_semaphore, #tpu.memory_space<semaphore_mem>>)
          %dma_wait3A_100 = arith.constant 0 : i32
          %dma_wait3A_101 = tpu.memref_slice %arg8[%run_scoped3A_54, %dma_wait3A_100] : memref<1x128xi32, #tpu.memory_space<vmem>> -> memref<1x128xi32, #tpu.memory_space<vmem>>
          %dma_wait3A_102 = tpu.memref_squeeze %dma_wait3A_101 : memref<1x128xi32, #tpu.memory_space<vmem>> -> memref<128xi32, #tpu.memory_space<vmem>>
          %dma_wait3A_103 = tpu.memref_slice %arg3[%run_scoped3A_53, %mul3A_51] : memref<2x320000xi32, #tpu.memory_space<hbm>> -> memref<1x128xi32, #tpu.memory_space<hbm>>
          %dma_wait3A_104 = tpu.memref_squeeze %dma_wait3A_103 : memref<1x128xi32, #tpu.memory_space<hbm>> -> memref<128xi32, #tpu.memory_space<hbm>>
          %dma_wait3A_105 = arith.constant 0 : i32
          %dma_wait3A_106 = tpu.memref_slice %arg8[%run_scoped3A_54, %dma_wait3A_105] : memref<1x128xi32, #tpu.memory_space<vmem>> -> memref<1x128xi32, #tpu.memory_space<vmem>>
          %dma_wait3A_107 = tpu.memref_squeeze %dma_wait3A_106 : memref<1x128xi32, #tpu.memory_space<vmem>> -> memref<128xi32, #tpu.memory_space<vmem>>
          %dma_wait3A_108 = tpu.memref_slice %arg3[%run_scoped3A_53, %mul3A_51] : memref<2x320000xi32, #tpu.memory_space<hbm>> -> memref<1x128xi32, #tpu.memory_space<hbm>>
          %dma_wait3A_109 = tpu.memref_squeeze %dma_wait3A_108 : memref<1x128xi32, #tpu.memory_space<hbm>> -> memref<128xi32, #tpu.memory_space<hbm>>
          tpu.wait_dma2 semaphore(%run_scoped3A_89 : memref<!tpu.dma_semaphore, #tpu.memory_space<semaphore_mem>>) src(%dma_wait3A_109 : memref<128xi32, #tpu.memory_space<hbm>>) dst(%dma_wait3A_107 : memref<128xi32, #tpu.memory_space<vmem>>)
          tpu.yield
        }) : () -> ()
        %run_scoped3A_55 = arith.constant 0 : i32
        "tpu.region"() ({
          %run_scoped3A_89 = tpu.sem_alloc : memref<!tpu.dma_semaphore, #tpu.memory_space<semaphore_mem>>
          %dma_start3A_90 = arith.constant 0 : i32
          %dma_start3A_91 = tpu.memref_slice %arg9[%run_scoped3A_55, %dma_start3A_90] : memref<1x128xi32, #tpu.memory_space<vmem>> -> memref<1x128xi32, #tpu.memory_space<vmem>>
          %dma_start3A_92 = tpu.memref_squeeze %dma_start3A_91 : memref<1x128xi32, #tpu.memory_space<vmem>> -> memref<128xi32, #tpu.memory_space<vmem>>
          %dma_start3A_93 = tpu.memref_slice %arg4[%mul3A_51] : memref<320000xi32, #tpu.memory_space<hbm>> -> memref<128xi32, #tpu.memory_space<hbm>>
          %dma_start3A_94 = arith.constant 0 : i32
          %dma_start3A_95 = tpu.memref_slice %arg9[%run_scoped3A_55, %dma_start3A_94] : memref<1x128xi32, #tpu.memory_space<vmem>> -> memref<1x128xi32, #tpu.memory_space<vmem>>
          %dma_start3A_96 = tpu.memref_squeeze %dma_start3A_95 : memref<1x128xi32, #tpu.memory_space<vmem>> -> memref<128xi32, #tpu.memory_space<vmem>>
          %dma_start3A_97 = tpu.memref_slice %arg4[%mul3A_51] : memref<320000xi32, #tpu.memory_space<hbm>> -> memref<128xi32, #tpu.memory_space<hbm>>
          tpu.enqueue_dma source(%dma_start3A_97 : memref<128xi32, #tpu.memory_space<hbm>>) target(%dma_start3A_96 : memref<128xi32, #tpu.memory_space<vmem>>) target_semaphore(%run_scoped3A_89 : memref<!tpu.dma_semaphore, #tpu.memory_space<semaphore_mem>>)
          %dma_wait3A_98 = arith.constant 0 : i32
          %dma_wait3A_99 = tpu.memref_slice %arg9[%run_scoped3A_55, %dma_wait3A_98] : memref<1x128xi32, #tpu.memory_space<vmem>> -> memref<1x128xi32, #tpu.memory_space<vmem>>
          %dma_wait3A_100 = tpu.memref_squeeze %dma_wait3A_99 : memref<1x128xi32, #tpu.memory_space<vmem>> -> memref<128xi32, #tpu.memory_space<vmem>>
          %dma_wait3A_101 = tpu.memref_slice %arg4[%mul3A_51] : memref<320000xi32, #tpu.memory_space<hbm>> -> memref<128xi32, #tpu.memory_space<hbm>>
          %dma_wait3A_102 = arith.constant 0 : i32
          %dma_wait3A_103 = tpu.memref_slice %arg9[%run_scoped3A_55, %dma_wait3A_102] : memref<1x128xi32, #tpu.memory_space<vmem>> -> memref<1x128xi32, #tpu.memory_space<vmem>>
          %dma_wait3A_104 = tpu.memref_squeeze %dma_wait3A_103 : memref<1x128xi32, #tpu.memory_space<vmem>> -> memref<128xi32, #tpu.memory_space<vmem>>
          %dma_wait3A_105 = tpu.memref_slice %arg4[%mul3A_51] : memref<320000xi32, #tpu.memory_space<hbm>> -> memref<128xi32, #tpu.memory_space<hbm>>
          tpu.wait_dma2 semaphore(%run_scoped3A_89 : memref<!tpu.dma_semaphore, #tpu.memory_space<semaphore_mem>>) src(%dma_wait3A_105 : memref<128xi32, #tpu.memory_space<hbm>>) dst(%dma_wait3A_104 : memref<128xi32, #tpu.memory_space<vmem>>)
          tpu.yield
        }) : () -> ()
        %dma_start3A = arith.constant 0 : i32
        %dma_start3A_56 = arith.constant 0 : i32
        %dma_start3A_57 = tpu.memref_slice %arg9[%dma_start3A, %dma_start3A_56] : memref<1x128xi32, #tpu.memory_space<vmem>> -> memref<1x128xi32, #tpu.memory_space<vmem>>
        %dma_start3A_58 = tpu.memref_squeeze %dma_start3A_57 : memref<1x128xi32, #tpu.memory_space<vmem>> -> memref<128xi32, #tpu.memory_space<vmem>>
        %dma_start3A_59 = arith.constant 0 : i32
        %dma_start3A_60 = arith.constant 0 : i32
        %dma_start3A_61 = tpu.memref_slice %arg5[%dma_start3A_59, %dma_start3A_60] : memref<18x128xf32, #tpu.memory_space<hbm>> -> memref<18x128xf32, #tpu.memory_space<hbm>>
        tpu.enqueue_indirect_dma source(%dma_start3A_61 : memref<18x128xf32, #tpu.memory_space<hbm>>) target(%arg10 : memref<128x128xf32, #tpu.memory_space<vmem>>) offsets(%dma_start3A_58 : memref<128xi32, #tpu.memory_space<vmem>>) semaphore(%arg13 : memref<!tpu.dma_semaphore, #tpu.memory_space<semaphore_mem>>)
        %dma_start3A_62 = arith.constant 0 : i32
        %dma_start3A_63 = arith.constant 0 : i32
        %dma_start3A_64 = tpu.memref_slice %arg7[%dma_start3A_62, %dma_start3A_63] : memref<1x128xi32, #tpu.memory_space<vmem>> -> memref<1x128xi32, #tpu.memory_space<vmem>>
        %dma_start3A_65 = tpu.memref_squeeze %dma_start3A_64 : memref<1x128xi32, #tpu.memory_space<vmem>> -> memref<128xi32, #tpu.memory_space<vmem>>
        %dma_start3A_66 = arith.constant 0 : i32
        %dma_start3A_67 = arith.constant 0 : i32
        %dma_start3A_68 = tpu.memref_slice %arg2[%dma_start3A_66, %dma_start3A_67] : memref<10000x128xf32, #tpu.memory_space<hbm>> -> memref<10000x128xf32, #tpu.memory_space<hbm>>
        tpu.enqueue_indirect_dma source(%dma_start3A_68 : memref<10000x128xf32, #tpu.memory_space<hbm>>) target(%arg11 : memref<128x128xf32, #tpu.memory_space<vmem>>) offsets(%dma_start3A_65 : memref<128xi32, #tpu.memory_space<vmem>>) semaphore(%arg14 : memref<!tpu.dma_semaphore, #tpu.memory_space<semaphore_mem>>)
        %dma_wait3A = arith.constant 0 : i32
        %dma_wait3A_69 = arith.constant 0 : i32
        %dma_wait3A_70 = tpu.memref_slice %arg9[%dma_wait3A, %dma_wait3A_69] : memref<1x128xi32, #tpu.memory_space<vmem>> -> memref<1x128xi32, #tpu.memory_space<vmem>>
        %dma_wait3A_71 = tpu.memref_squeeze %dma_wait3A_70 : memref<1x128xi32, #tpu.memory_space<vmem>> -> memref<128xi32, #tpu.memory_space<vmem>>
        %dma_wait3A_72 = arith.constant 0 : i32
        %dma_wait3A_73 = arith.constant 0 : i32
        %dma_wait3A_74 = tpu.memref_slice %arg5[%dma_wait3A_72, %dma_wait3A_73] : memref<18x128xf32, #tpu.memory_space<hbm>> -> memref<18x128xf32, #tpu.memory_space<hbm>>
        tpu.wait_indirect_dma semaphore(%arg13 : memref<!tpu.dma_semaphore, #tpu.memory_space<semaphore_mem>>) src(%dma_wait3A_74 : memref<18x128xf32, #tpu.memory_space<hbm>>) dst(%arg10 : memref<128x128xf32, #tpu.memory_space<vmem>>)
        %dma_wait3A_75 = arith.constant 0 : i32
        %dma_wait3A_76 = arith.constant 0 : i32
        %dma_wait3A_77 = tpu.memref_slice %arg7[%dma_wait3A_75, %dma_wait3A_76] : memref<1x128xi32, #tpu.memory_space<vmem>> -> memref<1x128xi32, #tpu.memory_space<vmem>>
        %dma_wait3A_78 = tpu.memref_squeeze %dma_wait3A_77 : memref<1x128xi32, #tpu.memory_space<vmem>> -> memref<128xi32, #tpu.memory_space<vmem>>
        %dma_wait3A_79 = arith.constant 0 : i32
        %dma_wait3A_80 = arith.constant 0 : i32
        %dma_wait3A_81 = tpu.memref_slice %arg2[%dma_wait3A_79, %dma_wait3A_80] : memref<10000x128xf32, #tpu.memory_space<hbm>> -> memref<10000x128xf32, #tpu.memory_space<hbm>>
        tpu.wait_indirect_dma semaphore(%arg14 : memref<!tpu.dma_semaphore, #tpu.memory_space<semaphore_mem>>) src(%dma_wait3A_81 : memref<10000x128xf32, #tpu.memory_space<hbm>>) dst(%arg11 : memref<128x128xf32, #tpu.memory_space<vmem>>)
        %scan3A_82 = arith.constant 0 : i32
        %scan3A_83 = arith.constant 0 : i32
        %scan3A_84 = arith.constant 128 : i32
        %scan3A_85 = arith.addi %scan3A_83, %scan3A_84 : i32
        %scan3A_86 = arith.constant 1 : i32
        scf.for %scan3A_89 = %scan3A_83 to %scan3A_85 step %scan3A_86  : i32 {
          %get3A = arith.index_cast %scan3A_89 : i32 to index
          %get3A_90 = arith.constant 0 : index
          %get3A_91 = tpu.vector_load %arg10[%get3A, %get3A_90] {strides = array<i32>} : memref<128x128xf32, #tpu.memory_space<vmem>>, vector<1x16xf32>,
          %get3A_92 = vector.shape_cast %get3A_91 : vector<1x16xf32> to vector<16xf32>
          %get3A_93 = arith.index_cast %scan3A_89 : i32 to index
          %get3A_94 = arith.constant 0 : index
          %get3A_95 = tpu.vector_load %arg11[%get3A_93, %get3A_94] {strides = array<i32>} : memref<128x128xf32, #tpu.memory_space<vmem>>, vector<1x16xf32>,
          %get3A_96 = vector.shape_cast %get3A_95 : vector<1x16xf32> to vector<16xf32>
          %add3A_97 = arith.addf %get3A_92, %get3A_96 : vector<16xf32>
          %max3A = arith.constant 0.000000e+00 : f32
          %max3A_98 = vector.broadcast %max3A : f32 to vector<16xf32>
          %max3A_99 = arith.maximumf %add3A_97, %max3A_98 : vector<16xf32>
          %swap3A = arith.index_cast %scan3A_89 : i32 to index
          %swap3A_100 = arith.constant 0 : index
          %swap3A_101 = tpu.vector_load %arg10[%swap3A, %swap3A_100] {strides = array<i32>} : memref<128x128xf32, #tpu.memory_space<vmem>>, vector<1x16xf32>,
          %swap3A_102 = vector.shape_cast %swap3A_101 : vector<1x16xf32> to vector<16xf32>
          %swap3A_103 = vector.shape_cast %max3A_99 : vector<16xf32> to vector<1x16xf32>
          tpu.vector_store %arg10[%swap3A, %swap3A_100], %swap3A_103 {strides = array<i32>} : memref<128x128xf32, #tpu.memory_space<vmem>>, vector<1x16xf32>,
          %get3A_104 = arith.index_cast %scan3A_89 : i32 to index
          %get3A_105 = arith.constant 16 : index
          %get3A_106 = tpu.vector_load %arg10[%get3A_104, %get3A_105] {strides = array<i32>} : memref<128x128xf32, #tpu.memory_space<vmem>>, vector<1x16xf32>,
          %get3A_107 = vector.shape_cast %get3A_106 : vector<1x16xf32> to vector<16xf32>
          %get3A_108 = arith.index_cast %scan3A_89 : i32 to index
          %get3A_109 = arith.constant 16 : index
          %get3A_110 = tpu.vector_load %arg11[%get3A_108, %get3A_109] {strides = array<i32>} : memref<128x128xf32, #tpu.memory_space<vmem>>, vector<1x16xf32>,
          %get3A_111 = vector.shape_cast %get3A_110 : vector<1x16xf32> to vector<16xf32>
          %add3A_112 = arith.addf %get3A_107, %get3A_111 : vector<16xf32>
          %max3A_113 = arith.constant 0.000000e+00 : f32
          %max3A_114 = vector.broadcast %max3A_113 : f32 to vector<16xf32>
          %max3A_115 = arith.maximumf %add3A_112, %max3A_114 : vector<16xf32>
          %swap3A_116 = arith.index_cast %scan3A_89 : i32 to index
          %swap3A_117 = arith.constant 16 : index
          %swap3A_118 = tpu.vector_load %arg10[%swap3A_116, %swap3A_117] {strides = array<i32>} : memref<128x128xf32, #tpu.memory_space<vmem>>, vector<1x16xf32>,
          %swap3A_119 = vector.shape_cast %swap3A_118 : vector<1x16xf32> to vector<16xf32>
          %swap3A_120 = vector.shape_cast %max3A_115 : vector<16xf32> to vector<1x16xf32>
          tpu.vector_store %arg10[%swap3A_116, %swap3A_117], %swap3A_120 {strides = array<i32>} : memref<128x128xf32, #tpu.memory_space<vmem>>, vector<1x16xf32>,
          %get3A_121 = arith.index_cast %scan3A_89 : i32 to index
          %get3A_122 = arith.constant 32 : index
          %get3A_123 = tpu.vector_load %arg10[%get3A_121, %get3A_122] {strides = array<i32>} : memref<128x128xf32, #tpu.memory_space<vmem>>, vector<1x16xf32>,
          %get3A_124 = vector.shape_cast %get3A_123 : vector<1x16xf32> to vector<16xf32>
          %get3A_125 = arith.index_cast %scan3A_89 : i32 to index
          %get3A_126 = arith.constant 32 : index
          %get3A_127 = tpu.vector_load %arg11[%get3A_125, %get3A_126] {strides = array<i32>} : memref<128x128xf32, #tpu.memory_space<vmem>>, vector<1x16xf32>,
          %get3A_128 = vector.shape_cast %get3A_127 : vector<1x16xf32> to vector<16xf32>
          %add3A_129 = arith.addf %get3A_124, %get3A_128 : vector<16xf32>
          %max3A_130 = arith.constant 0.000000e+00 : f32
          %max3A_131 = vector.broadcast %max3A_130 : f32 to vector<16xf32>
          %max3A_132 = arith.maximumf %add3A_129, %max3A_131 : vector<16xf32>
          %swap3A_133 = arith.index_cast %scan3A_89 : i32 to index
          %swap3A_134 = arith.constant 32 : index
          %swap3A_135 = tpu.vector_load %arg10[%swap3A_133, %swap3A_134] {strides = array<i32>} : memref<128x128xf32, #tpu.memory_space<vmem>>, vector<1x16xf32>,
          %swap3A_136 = vector.shape_cast %swap3A_135 : vector<1x16xf32> to vector<16xf32>
          %swap3A_137 = vector.shape_cast %max3A_132 : vector<16xf32> to vector<1x16xf32>
          tpu.vector_store %arg10[%swap3A_133, %swap3A_134], %swap3A_137 {strides = array<i32>} : memref<128x128xf32, #tpu.memory_space<vmem>>, vector<1x16xf32>,
          %get3A_138 = arith.index_cast %scan3A_89 : i32 to index
          %get3A_139 = arith.constant 48 : index
          %get3A_140 = tpu.vector_load %arg10[%get3A_138, %get3A_139] {strides = array<i32>} : memref<128x128xf32, #tpu.memory_space<vmem>>, vector<1x16xf32>,
          %get3A_141 = vector.shape_cast %get3A_140 : vector<1x16xf32> to vector<16xf32>
          %get3A_142 = arith.index_cast %scan3A_89 : i32 to index
          %get3A_143 = arith.constant 48 : index
          %get3A_144 = tpu.vector_load %arg11[%get3A_142, %get3A_143] {strides = array<i32>} : memref<128x128xf32, #tpu.memory_space<vmem>>, vector<1x16xf32>,
          %get3A_145 = vector.shape_cast %get3A_144 : vector<1x16xf32> to vector<16xf32>
          %add3A_146 = arith.addf %get3A_141, %get3A_145 : vector<16xf32>
          %max3A_147 = arith.constant 0.000000e+00 : f32
          %max3A_148 = vector.broadcast %max3A_147 : f32 to vector<16xf32>
          %max3A_149 = arith.maximumf %add3A_146, %max3A_148 : vector<16xf32>
          %swap3A_150 = arith.index_cast %scan3A_89 : i32 to index
          %swap3A_151 = arith.constant 48 : index
          %swap3A_152 = tpu.vector_load %arg10[%swap3A_150, %swap3A_151] {strides = array<i32>} : memref<128x128xf32, #tpu.memory_space<vmem>>, vector<1x16xf32>,
          %swap3A_153 = vector.shape_cast %swap3A_152 : vector<1x16xf32> to vector<16xf32>
          %swap3A_154 = vector.shape_cast %max3A_149 : vector<16xf32> to vector<1x16xf32>
          tpu.vector_store %arg10[%swap3A_150, %swap3A_151], %swap3A_154 {strides = array<i32>} : memref<128x128xf32, #tpu.memory_space<vmem>>, vector<1x16xf32>,
          %get3A_155 = arith.index_cast %scan3A_89 : i32 to index
          %get3A_156 = arith.constant 64 : index
          %get3A_157 = tpu.vector_load %arg10[%get3A_155, %get3A_156] {strides = array<i32>} : memref<128x128xf32, #tpu.memory_space<vmem>>, vector<1x16xf32>,
          %get3A_158 = vector.shape_cast %get3A_157 : vector<1x16xf32> to vector<16xf32>
          %get3A_159 = arith.index_cast %scan3A_89 : i32 to index
          %get3A_160 = arith.constant 64 : index
          %get3A_161 = tpu.vector_load %arg11[%get3A_159, %get3A_160] {strides = array<i32>} : memref<128x128xf32, #tpu.memory_space<vmem>>, vector<1x16xf32>,
          %get3A_162 = vector.shape_cast %get3A_161 : vector<1x16xf32> to vector<16xf32>
          %add3A_163 = arith.addf %get3A_158, %get3A_162 : vector<16xf32>
          %max3A_164 = arith.constant 0.000000e+00 : f32
          %max3A_165 = vector.broadcast %max3A_164 : f32 to vector<16xf32>
          %max3A_166 = arith.maximumf %add3A_163, %max3A_165 : vector<16xf32>
          %swap3A_167 = arith.index_cast %scan3A_89 : i32 to index
          %swap3A_168 = arith.constant 64 : index
          %swap3A_169 = tpu.vector_load %arg10[%swap3A_167, %swap3A_168] {strides = array<i32>} : memref<128x128xf32, #tpu.memory_space<vmem>>, vector<1x16xf32>,
          %swap3A_170 = vector.shape_cast %swap3A_169 : vector<1x16xf32> to vector<16xf32>
          %swap3A_171 = vector.shape_cast %max3A_166 : vector<16xf32> to vector<1x16xf32>
          tpu.vector_store %arg10[%swap3A_167, %swap3A_168], %swap3A_171 {strides = array<i32>} : memref<128x128xf32, #tpu.memory_space<vmem>>, vector<1x16xf32>,
          %get3A_172 = arith.index_cast %scan3A_89 : i32 to index
          %get3A_173 = arith.constant 80 : index
          %get3A_174 = tpu.vector_load %arg10[%get3A_172, %get3A_173] {strides = array<i32>} : memref<128x128xf32, #tpu.memory_space<vmem>>, vector<1x16xf32>,
          %get3A_175 = vector.shape_cast %get3A_174 : vector<1x16xf32> to vector<16xf32>
          %get3A_176 = arith.index_cast %scan3A_89 : i32 to index
          %get3A_177 = arith.constant 80 : index
          %get3A_178 = tpu.vector_load %arg11[%get3A_176, %get3A_177] {strides = array<i32>} : memref<128x128xf32, #tpu.memory_space<vmem>>, vector<1x16xf32>,
          %get3A_179 = vector.shape_cast %get3A_178 : vector<1x16xf32> to vector<16xf32>
          %add3A_180 = arith.addf %get3A_175, %get3A_179 : vector<16xf32>
          %max3A_181 = arith.constant 0.000000e+00 : f32
          %max3A_182 = vector.broadcast %max3A_181 : f32 to vector<16xf32>
          %max3A_183 = arith.maximumf %add3A_180, %max3A_182 : vector<16xf32>
          %swap3A_184 = arith.index_cast %scan3A_89 : i32 to index
          %swap3A_185 = arith.constant 80 : index
          %swap3A_186 = tpu.vector_load %arg10[%swap3A_184, %swap3A_185] {strides = array<i32>} : memref<128x128xf32, #tpu.memory_space<vmem>>, vector<1x16xf32>,
          %swap3A_187 = vector.shape_cast %swap3A_186 : vector<1x16xf32> to vector<16xf32>
          %swap3A_188 = vector.shape_cast %max3A_183 : vector<16xf32> to vector<1x16xf32>
          tpu.vector_store %arg10[%swap3A_184, %swap3A_185], %swap3A_188 {strides = array<i32>} : memref<128x128xf32, #tpu.memory_space<vmem>>, vector<1x16xf32>,
          %get3A_189 = arith.index_cast %scan3A_89 : i32 to index
          %get3A_190 = arith.constant 96 : index
          %get3A_191 = tpu.vector_load %arg10[%get3A_189, %get3A_190] {strides = array<i32>} : memref<128x128xf32, #tpu.memory_space<vmem>>, vector<1x16xf32>,
          %get3A_192 = vector.shape_cast %get3A_191 : vector<1x16xf32> to vector<16xf32>
          %get3A_193 = arith.index_cast %scan3A_89 : i32 to index
          %get3A_194 = arith.constant 96 : index
          %get3A_195 = tpu.vector_load %arg11[%get3A_193, %get3A_194] {strides = array<i32>} : memref<128x128xf32, #tpu.memory_space<vmem>>, vector<1x16xf32>,
          %get3A_196 = vector.shape_cast %get3A_195 : vector<1x16xf32> to vector<16xf32>
          %add3A_197 = arith.addf %get3A_192, %get3A_196 : vector<16xf32>
          %max3A_198 = arith.constant 0.000000e+00 : f32
          %max3A_199 = vector.broadcast %max3A_198 : f32 to vector<16xf32>
          %max3A_200 = arith.maximumf %add3A_197, %max3A_199 : vector<16xf32>
          %swap3A_201 = arith.index_cast %scan3A_89 : i32 to index
          %swap3A_202 = arith.constant 96 : index
          %swap3A_203 = tpu.vector_load %arg10[%swap3A_201, %swap3A_202] {strides = array<i32>} : memref<128x128xf32, #tpu.memory_space<vmem>>, vector<1x16xf32>,
          %swap3A_204 = vector.shape_cast %swap3A_203 : vector<1x16xf32> to vector<16xf32>
          %swap3A_205 = vector.shape_cast %max3A_200 : vector<16xf32> to vector<1x16xf32>
          tpu.vector_store %arg10[%swap3A_201, %swap3A_202], %swap3A_205 {strides = array<i32>} : memref<128x128xf32, #tpu.memory_space<vmem>>, vector<1x16xf32>,
          %get3A_206 = arith.index_cast %scan3A_89 : i32 to index
          %get3A_207 = arith.constant 112 : index
          %get3A_208 = tpu.vector_load %arg10[%get3A_206, %get3A_207] {strides = array<i32>} : memref<128x128xf32, #tpu.memory_space<vmem>>, vector<1x16xf32>,
          %get3A_209 = vector.shape_cast %get3A_208 : vector<1x16xf32> to vector<16xf32>
          %get3A_210 = arith.index_cast %scan3A_89 : i32 to index
          %get3A_211 = arith.constant 112 : index
          %get3A_212 = tpu.vector_load %arg11[%get3A_210, %get3A_211] {strides = array<i32>} : memref<128x128xf32, #tpu.memory_space<vmem>>, vector<1x16xf32>,
          %get3A_213 = vector.shape_cast %get3A_212 : vector<1x16xf32> to vector<16xf32>
          %add3A_214 = arith.addf %get3A_209, %get3A_213 : vector<16xf32>
          %max3A_215 = arith.constant 0.000000e+00 : f32
          %max3A_216 = vector.broadcast %max3A_215 : f32 to vector<16xf32>
          %max3A_217 = arith.maximumf %add3A_214, %max3A_216 : vector<16xf32>
          %swap3A_218 = arith.index_cast %scan3A_89 : i32 to index
          %swap3A_219 = arith.constant 112 : index
          %swap3A_220 = tpu.vector_load %arg10[%swap3A_218, %swap3A_219] {strides = array<i32>} : memref<128x128xf32, #tpu.memory_space<vmem>>, vector<1x16xf32>,
          %swap3A_221 = vector.shape_cast %swap3A_220 : vector<1x16xf32> to vector<16xf32>
          %swap3A_222 = vector.shape_cast %max3A_217 : vector<16xf32> to vector<1x16xf32>
          tpu.vector_store %arg10[%swap3A_218, %swap3A_219], %swap3A_222 {strides = array<i32>} : memref<128x128xf32, #tpu.memory_space<vmem>>, vector<1x16xf32>,
        }
        %scan3A_87 = arith.constant 128 : i32
        %run_scoped3A_88 = arith.constant 0 : i32
        "tpu.region"() ({
          %run_scoped3A_89 = tpu.sem_alloc : memref<!tpu.dma_semaphore, #tpu.memory_space<semaphore_mem>>
          %dma_start3A_90 = arith.constant 0 : i32
          %dma_start3A_91 = tpu.memref_slice %arg8[%run_scoped3A_88, %dma_start3A_90] : memref<1x128xi32, #tpu.memory_space<vmem>> -> memref<1x128xi32, #tpu.memory_space<vmem>>
          %dma_start3A_92 = tpu.memref_squeeze %dma_start3A_91 : memref<1x128xi32, #tpu.memory_space<vmem>> -> memref<128xi32, #tpu.memory_space<vmem>>
          %dma_start3A_93 = arith.constant 0 : i32
          %dma_start3A_94 = arith.constant 0 : i32
          %dma_start3A_95 = tpu.memref_slice %arg12[%dma_start3A_93, %dma_start3A_94] : memref<10000x128xf32, #tpu.memory_space<vmem_shared>> -> memref<10000x128xf32, #tpu.memory_space<vmem_shared>>
          tpu.enqueue_indirect_dma source(%arg10 : memref<128x128xf32, #tpu.memory_space<vmem>>) target(%dma_start3A_95 : memref<10000x128xf32, #tpu.memory_space<vmem_shared>>) offsets(%dma_start3A_92 : memref<128xi32, #tpu.memory_space<vmem>>) semaphore(%run_scoped3A_89 : memref<!tpu.dma_semaphore, #tpu.memory_space<semaphore_mem>>) {add = true}
          %dma_wait3A_96 = arith.constant 0 : i32
          %dma_wait3A_97 = tpu.memref_slice %arg8[%run_scoped3A_88, %dma_wait3A_96] : memref<1x128xi32, #tpu.memory_space<vmem>> -> memref<1x128xi32, #tpu.memory_space<vmem>>
          %dma_wait3A_98 = tpu.memref_squeeze %dma_wait3A_97 : memref<1x128xi32, #tpu.memory_space<vmem>> -> memref<128xi32, #tpu.memory_space<vmem>>
          %dma_wait3A_99 = arith.constant 0 : i32
          %dma_wait3A_100 = arith.constant 0 : i32
          %dma_wait3A_101 = tpu.memref_slice %arg12[%dma_wait3A_99, %dma_wait3A_100] : memref<10000x128xf32, #tpu.memory_space<vmem_shared>> -> memref<10000x128xf32, #tpu.memory_space<vmem_shared>>
          tpu.wait_indirect_dma semaphore(%run_scoped3A_89 : memref<!tpu.dma_semaphore, #tpu.memory_space<semaphore_mem>>) src(%arg10 : memref<128x128xf32, #tpu.memory_space<vmem>>) dst(%dma_wait3A_101 : memref<10000x128xf32, #tpu.memory_space<vmem_shared>>)
          tpu.yield
        }) : () -> ()
      } else {
      }
    }
    %scan3A_25 = arith.constant 79 : i32
    %barrier3A_26 = arith.constant 0 : index
    tpu.barrier barrier_id(%barrier3A_26)
    %add3A_27 = arith.constant 0 : i32
    %add3A_28 = arith.addi %mul3A_7, %add3A_27 : i32
    "tpu.region"() ({
      %run_scoped3A = tpu.sem_alloc : memref<!tpu.dma_semaphore, #tpu.memory_space<semaphore_mem>>
      %dma_start3A = arith.constant 0 : i32
      %dma_start3A_42 = tpu.memref_slice %arg6[%arg0, %add3A_28, %dma_start3A] : memref<2x10000x128xf32, #tpu.memory_space<hbm>> -> memref<1x128x128xf32, #tpu.memory_space<hbm>>
      %dma_start3A_43 = tpu.memref_squeeze %dma_start3A_42 : memref<1x128x128xf32, #tpu.memory_space<hbm>> -> memref<128x128xf32, #tpu.memory_space<hbm>>
      %dma_start3A_44 = arith.constant 0 : i32
      %dma_start3A_45 = tpu.memref_slice %arg12[%add3A_28, %dma_start3A_44] : memref<10000x128xf32, #tpu.memory_space<vmem_shared>> -> memref<128x128xf32, #tpu.memory_space<vmem_shared>>
      tpu.enqueue_dma source(%dma_start3A_45 : memref<128x128xf32, #tpu.memory_space<vmem_shared>>) target(%dma_start3A_43 : memref<128x128xf32, #tpu.memory_space<hbm>>) target_semaphore(%run_scoped3A : memref<!tpu.dma_semaphore, #tpu.memory_space<semaphore_mem>>)
      %dma_wait3A = arith.constant 0 : i32
      %dma_wait3A_46 = tpu.memref_slice %arg6[%arg0, %add3A_28, %dma_wait3A] : memref<2x10000x128xf32, #tpu.memory_space<hbm>> -> memref<1x128x128xf32, #tpu.memory_space<hbm>>
      %dma_wait3A_47 = tpu.memref_squeeze %dma_wait3A_46 : memref<1x128x128xf32, #tpu.memory_space<hbm>> -> memref<128x128xf32, #tpu.memory_space<hbm>>
      %dma_wait3A_48 = arith.constant 0 : i32
      %dma_wait3A_49 = tpu.memref_slice %arg12[%add3A_28, %dma_wait3A_48] : memref<10000x128xf32, #tpu.memory_space<vmem_shared>> -> memref<128x128xf32, #tpu.memory_space<vmem_shared>>
      tpu.wait_dma2 semaphore(%run_scoped3A : memref<!tpu.dma_semaphore, #tpu.memory_space<semaphore_mem>>) src(%dma_wait3A_49 : memref<128x128xf32, #tpu.memory_space<vmem_shared>>) dst(%dma_wait3A_47 : memref<128x128xf32, #tpu.memory_space<hbm>>)
      tpu.yield
    }) : () -> ()
    %add3A_29 = arith.constant 128 : i32
    %add3A_30 = arith.addi %mul3A_7, %add3A_29 : i32
    "tpu.region"() ({
      %run_scoped3A = tpu.sem_alloc : memref<!tpu.dma_semaphore, #tpu.memory_space<semaphore_mem>>
      %dma_start3A = arith.constant 0 : i32
      %dma_start3A_42 = tpu.memref_slice %arg6[%arg0, %add3A_30, %dma_start3A] : memref<2x10000x128xf32, #tpu.memory_space<hbm>> -> memref<1x128x128xf32, #tpu.memory_space<hbm>>
      %dma_start3A_43 = tpu.memref_squeeze %dma_start3A_42 : memref<1x128x128xf32, #tpu.memory_space<hbm>> -> memref<128x128xf32, #tpu.memory_space<hbm>>
      %dma_start3A_44 = arith.constant 0 : i32
      %dma_start3A_45 = tpu.memref_slice %arg12[%add3A_30, %dma_start3A_44] : memref<10000x128xf32, #tpu.memory_space<vmem_shared>> -> memref<128x128xf32, #tpu.memory_space<vmem_shared>>
      tpu.enqueue_dma source(%dma_start3A_45 : memref<128x128xf32, #tpu.memory_space<vmem_shared>>) target(%dma_start3A_43 : memref<128x128xf32, #tpu.memory_space<hbm>>) target_semaphore(%run_scoped3A : memref<!tpu.dma_semaphore, #tpu.memory_space<semaphore_mem>>)
      %dma_wait3A = arith.constant 0 : i32
      %dma_wait3A_46 = tpu.memref_slice %arg6[%arg0, %add3A_30, %dma_wait3A] : memref<2x10000x128xf32, #tpu.memory_space<hbm>> -> memref<1x128x128xf32, #tpu.memory_space<hbm>>
      %dma_wait3A_47 = tpu.memref_squeeze %dma_wait3A_46 : memref<1x128x128xf32, #tpu.memory_space<hbm>> -> memref<128x128xf32, #tpu.memory_space<hbm>>
      %dma_wait3A_48 = arith.constant 0 : i32
      %dma_wait3A_49 = tpu.memref_slice %arg12[%add3A_30, %dma_wait3A_48] : memref<10000x128xf32, #tpu.memory_space<vmem_shared>> -> memref<128x128xf32, #tpu.memory_space<vmem_shared>>
      tpu.wait_dma2 semaphore(%run_scoped3A : memref<!tpu.dma_semaphore, #tpu.memory_space<semaphore_mem>>) src(%dma_wait3A_49 : memref<128x128xf32, #tpu.memory_space<vmem_shared>>) dst(%dma_wait3A_47 : memref<128x128xf32, #tpu.memory_space<hbm>>)
      tpu.yield
    }) : () -> ()
    %add3A_31 = arith.constant 256 : i32
    %add3A_32 = arith.addi %mul3A_7, %add3A_31 : i32
    "tpu.region"() ({
      %run_scoped3A = tpu.sem_alloc : memref<!tpu.dma_semaphore, #tpu.memory_space<semaphore_mem>>
      %dma_start3A = arith.constant 0 : i32
      %dma_start3A_42 = tpu.memref_slice %arg6[%arg0, %add3A_32, %dma_start3A] : memref<2x10000x128xf32, #tpu.memory_space<hbm>> -> memref<1x128x128xf32, #tpu.memory_space<hbm>>
      %dma_start3A_43 = tpu.memref_squeeze %dma_start3A_42 : memref<1x128x128xf32, #tpu.memory_space<hbm>> -> memref<128x128xf32, #tpu.memory_space<hbm>>
      %dma_start3A_44 = arith.constant 0 : i32
      %dma_start3A_45 = tpu.memref_slice %arg12[%add3A_32, %dma_start3A_44] : memref<10000x128xf32, #tpu.memory_space<vmem_shared>> -> memref<128x128xf32, #tpu.memory_space<vmem_shared>>
      tpu.enqueue_dma source(%dma_start3A_45 : memref<128x128xf32, #tpu.memory_space<vmem_shared>>) target(%dma_start3A_43 : memref<128x128xf32, #tpu.memory_space<hbm>>) target_semaphore(%run_scoped3A : memref<!tpu.dma_semaphore, #tpu.memory_space<semaphore_mem>>)
      %dma_wait3A = arith.constant 0 : i32
      %dma_wait3A_46 = tpu.memref_slice %arg6[%arg0, %add3A_32, %dma_wait3A] : memref<2x10000x128xf32, #tpu.memory_space<hbm>> -> memref<1x128x128xf32, #tpu.memory_space<hbm>>
      %dma_wait3A_47 = tpu.memref_squeeze %dma_wait3A_46 : memref<1x128x128xf32, #tpu.memory_space<hbm>> -> memref<128x128xf32, #tpu.memory_space<hbm>>
      %dma_wait3A_48 = arith.constant 0 : i32
      %dma_wait3A_49 = tpu.memref_slice %arg12[%add3A_32, %dma_wait3A_48] : memref<10000x128xf32, #tpu.memory_space<vmem_shared>> -> memref<128x128xf32, #tpu.memory_space<vmem_shared>>
      tpu.wait_dma2 semaphore(%run_scoped3A : memref<!tpu.dma_semaphore, #tpu.memory_space<semaphore_mem>>) src(%dma_wait3A_49 : memref<128x128xf32, #tpu.memory_space<vmem_shared>>) dst(%dma_wait3A_47 : memref<128x128xf32, #tpu.memory_space<hbm>>)
      tpu.yield
    }) : () -> ()
    %add3A_33 = arith.constant 384 : i32
    %add3A_34 = arith.addi %mul3A_7, %add3A_33 : i32
    "tpu.region"() ({
      %run_scoped3A = tpu.sem_alloc : memref<!tpu.dma_semaphore, #tpu.memory_space<semaphore_mem>>
      %dma_start3A = arith.constant 0 : i32
      %dma_start3A_42 = tpu.memref_slice %arg6[%arg0, %add3A_34, %dma_start3A] : memref<2x10000x128xf32, #tpu.memory_space<hbm>> -> memref<1x128x128xf32, #tpu.memory_space<hbm>>
      %dma_start3A_43 = tpu.memref_squeeze %dma_start3A_42 : memref<1x128x128xf32, #tpu.memory_space<hbm>> -> memref<128x128xf32, #tpu.memory_space<hbm>>
      %dma_start3A_44 = arith.constant 0 : i32
      %dma_start3A_45 = tpu.memref_slice %arg12[%add3A_34, %dma_start3A_44] : memref<10000x128xf32, #tpu.memory_space<vmem_shared>> -> memref<128x128xf32, #tpu.memory_space<vmem_shared>>
      tpu.enqueue_dma source(%dma_start3A_45 : memref<128x128xf32, #tpu.memory_space<vmem_shared>>) target(%dma_start3A_43 : memref<128x128xf32, #tpu.memory_space<hbm>>) target_semaphore(%run_scoped3A : memref<!tpu.dma_semaphore, #tpu.memory_space<semaphore_mem>>)
      %dma_wait3A = arith.constant 0 : i32
      %dma_wait3A_46 = tpu.memref_slice %arg6[%arg0, %add3A_34, %dma_wait3A] : memref<2x10000x128xf32, #tpu.memory_space<hbm>> -> memref<1x128x128xf32, #tpu.memory_space<hbm>>
      %dma_wait3A_47 = tpu.memref_squeeze %dma_wait3A_46 : memref<1x128x128xf32, #tpu.memory_space<hbm>> -> memref<128x128xf32, #tpu.memory_space<hbm>>
      %dma_wait3A_48 = arith.constant 0 : i32
      %dma_wait3A_49 = tpu.memref_slice %arg12[%add3A_34, %dma_wait3A_48] : memref<10000x128xf32, #tpu.memory_space<vmem_shared>> -> memref<128x128xf32, #tpu.memory_space<vmem_shared>>
      tpu.wait_dma2 semaphore(%run_scoped3A : memref<!tpu.dma_semaphore, #tpu.memory_space<semaphore_mem>>) src(%dma_wait3A_49 : memref<128x128xf32, #tpu.memory_space<vmem_shared>>) dst(%dma_wait3A_47 : memref<128x128xf32, #tpu.memory_space<hbm>>)
      tpu.yield
    }) : () -> ()
    %add3A_35 = arith.constant 512 : i32
    %add3A_36 = arith.addi %mul3A_7, %add3A_35 : i32
    "tpu.region"() ({
      %run_scoped3A = tpu.sem_alloc : memref<!tpu.dma_semaphore, #tpu.memory_space<semaphore_mem>>
      %dma_start3A = arith.constant 0 : i32
      %dma_start3A_42 = tpu.memref_slice %arg6[%arg0, %add3A_36, %dma_start3A] : memref<2x10000x128xf32, #tpu.memory_space<hbm>> -> memref<1x112x128xf32, #tpu.memory_space<hbm>>
      %dma_start3A_43 = tpu.memref_squeeze %dma_start3A_42 : memref<1x112x128xf32, #tpu.memory_space<hbm>> -> memref<112x128xf32, #tpu.memory_space<hbm>>
      %dma_start3A_44 = arith.constant 0 : i32
      %dma_start3A_45 = tpu.memref_slice %arg12[%add3A_36, %dma_start3A_44] : memref<10000x128xf32, #tpu.memory_space<vmem_shared>> -> memref<112x128xf32, #tpu.memory_space<vmem_shared>>
      tpu.enqueue_dma source(%dma_start3A_45 : memref<112x128xf32, #tpu.memory_space<vmem_shared>>) target(%dma_start3A_43 : memref<112x128xf32, #tpu.memory_space<hbm>>) target_semaphore(%run_scoped3A : memref<!tpu.dma_semaphore, #tpu.memory_space<semaphore_mem>>)
      %dma_wait3A = arith.constant 0 : i32
      %dma_wait3A_46 = tpu.memref_slice %arg6[%arg0, %add3A_36, %dma_wait3A] : memref<2x10000x128xf32, #tpu.memory_space<hbm>> -> memref<1x112x128xf32, #tpu.memory_space<hbm>>
      %dma_wait3A_47 = tpu.memref_squeeze %dma_wait3A_46 : memref<1x112x128xf32, #tpu.memory_space<hbm>> -> memref<112x128xf32, #tpu.memory_space<hbm>>
      %dma_wait3A_48 = arith.constant 0 : i32
      %dma_wait3A_49 = tpu.memref_slice %arg12[%add3A_36, %dma_wait3A_48] : memref<10000x128xf32, #tpu.memory_space<vmem_shared>> -> memref<112x128xf32, #tpu.memory_space<vmem_shared>>
      tpu.wait_dma2 semaphore(%run_scoped3A : memref<!tpu.dma_semaphore, #tpu.memory_space<semaphore_mem>>) src(%dma_wait3A_49 : memref<112x128xf32, #tpu.memory_space<vmem_shared>>) dst(%dma_wait3A_47 : memref<112x128xf32, #tpu.memory_space<hbm>>)
      tpu.yield
    }) : () -> ()
    %eq3A_37 = arith.constant 15 : i32
    %eq3A_38 = arith.cmpi eq, %arg1, %eq3A_37 : i32
    %convert_element_type3A_39 = arith.extui %eq3A_38 : i1 to i32
    %cond3A_40 = arith.constant 0 : i32
    %cond3A_41 = arith.cmpi ne, %convert_element_type3A_39, %cond3A_40 : i32
    scf.if %cond3A_41 {
      "tpu.region"() ({
        %run_scoped3A = tpu.sem_alloc : memref<!tpu.dma_semaphore, #tpu.memory_space<semaphore_mem>>
        %dma_start3A = arith.constant 9984 : i32
        %dma_start3A_42 = arith.constant 0 : i32
        %dma_start3A_43 = tpu.memref_slice %arg6[%arg0, %dma_start3A, %dma_start3A_42] : memref<2x10000x128xf32, #tpu.memory_space<hbm>> -> memref<1x16x128xf32, #tpu.memory_space<hbm>>
        %dma_start3A_44 = tpu.memref_squeeze %dma_start3A_43 : memref<1x16x128xf32, #tpu.memory_space<hbm>> -> memref<16x128xf32, #tpu.memory_space<hbm>>
        %dma_start3A_45 = arith.constant 9984 : i32
        %dma_start3A_46 = arith.constant 0 : i32
        %dma_start3A_47 = tpu.memref_slice %arg12[%dma_start3A_45, %dma_start3A_46] : memref<10000x128xf32, #tpu.memory_space<vmem_shared>> -> memref<16x128xf32, #tpu.memory_space<vmem_shared>>
        tpu.enqueue_dma source(%dma_start3A_47 : memref<16x128xf32, #tpu.memory_space<vmem_shared>>) target(%dma_start3A_44 : memref<16x128xf32, #tpu.memory_space<hbm>>) target_semaphore(%run_scoped3A : memref<!tpu.dma_semaphore, #tpu.memory_space<semaphore_mem>>)
        %dma_wait3A = arith.constant 9984 : i32
        %dma_wait3A_48 = arith.constant 0 : i32
        %dma_wait3A_49 = tpu.memref_slice %arg6[%arg0, %dma_wait3A, %dma_wait3A_48] : memref<2x10000x128xf32, #tpu.memory_space<hbm>> -> memref<1x16x128xf32, #tpu.memory_space<hbm>>
        %dma_wait3A_50 = tpu.memref_squeeze %dma_wait3A_49 : memref<1x16x128xf32, #tpu.memory_space<hbm>> -> memref<16x128xf32, #tpu.memory_space<hbm>>
        %dma_wait3A_51 = arith.constant 9984 : i32
        %dma_wait3A_52 = arith.constant 0 : i32
        %dma_wait3A_53 = tpu.memref_slice %arg12[%dma_wait3A_51, %dma_wait3A_52] : memref<10000x128xf32, #tpu.memory_space<vmem_shared>> -> memref<16x128xf32, #tpu.memory_space<vmem_shared>>
        tpu.wait_dma2 semaphore(%run_scoped3A : memref<!tpu.dma_semaphore, #tpu.memory_space<semaphore_mem>>) src(%dma_wait3A_53 : memref<16x128xf32, #tpu.memory_space<vmem_shared>>) dst(%dma_wait3A_50 : memref<16x128xf32, #tpu.memory_space<hbm>>)
        tpu.yield
      }) : () -> ()
    } else {
    }
    return
  }
}

#map = affine_map<(d0, d1) -> (0, 0)>
#map1 = affine_map<(d0, d1) -> (0)>
#map2 = affine_map<(d0, d1) -> (0, 0, 0)>
module attributes {stable_mosaic.version = 14 : i64} {
  func.func @sc_kernel(%arg0: i32, %arg1: i32, %arg2: memref<10000x128xf32, #tpu.memory_space<hbm>>, %arg3: memref<2x320000xi32, #tpu.memory_space<hbm>>, %arg4: memref<320000xi32, #tpu.memory_space<hbm>>, %arg5: memref<18x128xf32, #tpu.memory_space<hbm>>, %arg6: memref<2x10000x128xf32, #tpu.memory_space<hbm>>, %arg7: memref<1x128xi32, #tpu.memory_space<vmem>>, %arg8: memref<1x128xi32, #tpu.memory_space<vmem>>, %arg9: memref<1x128xi32, #tpu.memory_space<vmem>>, %arg10: memref<128x128xf32, #tpu.memory_space<vmem>>, %arg11: memref<128x128xf32, #tpu.memory_space<vmem>>, %arg12: memref<10000x128xf32, #tpu.memory_space<vmem_shared>>, %arg13: memref<!tpu.dma_semaphore, #tpu.memory_space<semaphore_mem>>, %arg14: memref<!tpu.dma_semaphore, #tpu.memory_space<semaphore_mem>>) attributes {dimension_semantics = [#tpu.dimension_semantics<core_parallel>, #tpu.dimension_semantics<subcore_parallel>], iteration_bounds = array<i64: 2, 16>, scalar_prefetch = 0 : i64, scratch_operands = 8 : i64, tpu.core_type = #tpu.core_type<sc_vector_subcore>, window_params = [{transform_indices = #map}, {transform_indices = #map}, {transform_indices = #map1}, {transform_indices = #map}, {transform_indices = #map2}]} {
    %mul3A = arith.constant 2 : i32
    %mul3A_0 = arith.muli %arg1, %mul3A : i32
    %add3A = arith.addi %mul3A_0, %arg0 : i32
    %scan3A = arith.constant 0 : i32
    %scan3A_1 = arith.constant 0 : i32
    %scan3A_2 = arith.constant 128 : i32
    %scan3A_3 = arith.addi %scan3A_1, %scan3A_2 : i32
    %scan3A_4 = arith.constant 1 : i32
    scf.for %scan3A_42 = %scan3A_1 to %scan3A_3 step %scan3A_4  : i32 {
      %broadcast_in_dim3A = arith.constant 0.000000e+00 : f32
      %broadcast_in_dim3A_43 = vector.broadcast %broadcast_in_dim3A : f32 to vector<16xf32>
      %swap3A = arith.index_cast %scan3A_42 : i32 to index
      %swap3A_44 = arith.constant 0 : index
      %swap3A_45 = tpu.vector_load %arg10[%swap3A, %swap3A_44] {strides = array<i32>} : memref<128x128xf32, #tpu.memory_space<vmem>>, vector<1x16xf32>,
      %swap3A_46 = vector.shape_cast %swap3A_45 : vector<1x16xf32> to vector<16xf32>
      %swap3A_47 = vector.shape_cast %broadcast_in_dim3A_43 : vector<16xf32> to vector<1x16xf32>
      tpu.vector_store %arg10[%swap3A, %swap3A_44], %swap3A_47 {strides = array<i32>} : memref<128x128xf32, #tpu.memory_space<vmem>>, vector<1x16xf32>,
      %broadcast_in_dim3A_48 = arith.constant 0.000000e+00 : f32
      %broadcast_in_dim3A_49 = vector.broadcast %broadcast_in_dim3A_48 : f32 to vector<16xf32>
      %swap3A_50 = arith.index_cast %scan3A_42 : i32 to index
      %swap3A_51 = arith.constant 16 : index
      %swap3A_52 = tpu.vector_load %arg10[%swap3A_50, %swap3A_51] {strides = array<i32>} : memref<128x128xf32, #tpu.memory_space<vmem>>, vector<1x16xf32>,
      %swap3A_53 = vector.shape_cast %swap3A_52 : vector<1x16xf32> to vector<16xf32>
      %swap3A_54 = vector.shape_cast %broadcast_in_dim3A_49 : vector<16xf32> to vector<1x16xf32>
      tpu.vector_store %arg10[%swap3A_50, %swap3A_51], %swap3A_54 {strides = array<i32>} : memref<128x128xf32, #tpu.memory_space<vmem>>, vector<1x16xf32>,
      %broadcast_in_dim3A_55 = arith.constant 0.000000e+00 : f32
      %broadcast_in_dim3A_56 = vector.broadcast %broadcast_in_dim3A_55 : f32 to vector<16xf32>
      %swap3A_57 = arith.index_cast %scan3A_42 : i32 to index
      %swap3A_58 = arith.constant 32 : index
      %swap3A_59 = tpu.vector_load %arg10[%swap3A_57, %swap3A_58] {strides = array<i32>} : memref<128x128xf32, #tpu.memory_space<vmem>>, vector<1x16xf32>,
      %swap3A_60 = vector.shape_cast %swap3A_59 : vector<1x16xf32> to vector<16xf32>
      %swap3A_61 = vector.shape_cast %broadcast_in_dim3A_56 : vector<16xf32> to vector<1x16xf32>
      tpu.vector_store %arg10[%swap3A_57, %swap3A_58], %swap3A_61 {strides = array<i32>} : memref<128x128xf32, #tpu.memory_space<vmem>>, vector<1x16xf32>,
      %broadcast_in_dim3A_62 = arith.constant 0.000000e+00 : f32
      %broadcast_in_dim3A_63 = vector.broadcast %broadcast_in_dim3A_62 : f32 to vector<16xf32>
      %swap3A_64 = arith.index_cast %scan3A_42 : i32 to index
      %swap3A_65 = arith.constant 48 : index
      %swap3A_66 = tpu.vector_load %arg10[%swap3A_64, %swap3A_65] {strides = array<i32>} : memref<128x128xf32, #tpu.memory_space<vmem>>, vector<1x16xf32>,
      %swap3A_67 = vector.shape_cast %swap3A_66 : vector<1x16xf32> to vector<16xf32>
      %swap3A_68 = vector.shape_cast %broadcast_in_dim3A_63 : vector<16xf32> to vector<1x16xf32>
      tpu.vector_store %arg10[%swap3A_64, %swap3A_65], %swap3A_68 {strides = array<i32>} : memref<128x128xf32, #tpu.memory_space<vmem>>, vector<1x16xf32>,
      %broadcast_in_dim3A_69 = arith.constant 0.000000e+00 : f32
      %broadcast_in_dim3A_70 = vector.broadcast %broadcast_in_dim3A_69 : f32 to vector<16xf32>
      %swap3A_71 = arith.index_cast %scan3A_42 : i32 to index
      %swap3A_72 = arith.constant 64 : index
      %swap3A_73 = tpu.vector_load %arg10[%swap3A_71, %swap3A_72] {strides = array<i32>} : memref<128x128xf32, #tpu.memory_space<vmem>>, vector<1x16xf32>,
      %swap3A_74 = vector.shape_cast %swap3A_73 : vector<1x16xf32> to vector<16xf32>
      %swap3A_75 = vector.shape_cast %broadcast_in_dim3A_70 : vector<16xf32> to vector<1x16xf32>
      tpu.vector_store %arg10[%swap3A_71, %swap3A_72], %swap3A_75 {strides = array<i32>} : memref<128x128xf32, #tpu.memory_space<vmem>>, vector<1x16xf32>,
      %broadcast_in_dim3A_76 = arith.constant 0.000000e+00 : f32
      %broadcast_in_dim3A_77 = vector.broadcast %broadcast_in_dim3A_76 : f32 to vector<16xf32>
      %swap3A_78 = arith.index_cast %scan3A_42 : i32 to index
      %swap3A_79 = arith.constant 80 : index
      %swap3A_80 = tpu.vector_load %arg10[%swap3A_78, %swap3A_79] {strides = array<i32>} : memref<128x128xf32, #tpu.memory_space<vmem>>, vector<1x16xf32>,
      %swap3A_81 = vector.shape_cast %swap3A_80 : vector<1x16xf32> to vector<16xf32>
      %swap3A_82 = vector.shape_cast %broadcast_in_dim3A_77 : vector<16xf32> to vector<1x16xf32>
      tpu.vector_store %arg10[%swap3A_78, %swap3A_79], %swap3A_82 {strides = array<i32>} : memref<128x128xf32, #tpu.memory_space<vmem>>, vector<1x16xf32>,
      %broadcast_in_dim3A_83 = arith.constant 0.000000e+00 : f32
      %broadcast_in_dim3A_84 = vector.broadcast %broadcast_in_dim3A_83 : f32 to vector<16xf32>
      %swap3A_85 = arith.index_cast %scan3A_42 : i32 to index
      %swap3A_86 = arith.constant 96 : index
      %swap3A_87 = tpu.vector_load %arg10[%swap3A_85, %swap3A_86] {strides = array<i32>} : memref<128x128xf32, #tpu.memory_space<vmem>>, vector<1x16xf32>,
      %swap3A_88 = vector.shape_cast %swap3A_87 : vector<1x16xf32> to vector<16xf32>
      %swap3A_89 = vector.shape_cast %broadcast_in_dim3A_84 : vector<16xf32> to vector<1x16xf32>
      tpu.vector_store %arg10[%swap3A_85, %swap3A_86], %swap3A_89 {strides = array<i32>} : memref<128x128xf32, #tpu.memory_space<vmem>>, vector<1x16xf32>,
      %broadcast_in_dim3A_90 = arith.constant 0.000000e+00 : f32
      %broadcast_in_dim3A_91 = vector.broadcast %broadcast_in_dim3A_90 : f32 to vector<16xf32>
      %swap3A_92 = arith.index_cast %scan3A_42 : i32 to index
      %swap3A_93 = arith.constant 112 : index
      %swap3A_94 = tpu.vector_load %arg10[%swap3A_92, %swap3A_93] {strides = array<i32>} : memref<128x128xf32, #tpu.memory_space<vmem>>, vector<1x16xf32>,
      %swap3A_95 = vector.shape_cast %swap3A_94 : vector<1x16xf32> to vector<16xf32>
      %swap3A_96 = vector.shape_cast %broadcast_in_dim3A_91 : vector<16xf32> to vector<1x16xf32>
      tpu.vector_store %arg10[%swap3A_92, %swap3A_93], %swap3A_96 {strides = array<i32>} : memref<128x128xf32, #tpu.memory_space<vmem>>, vector<1x16xf32>,
    }
    %scan3A_5 = arith.constant 128 : i32
    %mul3A_6 = arith.constant 624 : i32
    %mul3A_7 = arith.muli %arg1, %mul3A_6 : i32
    %add3A_8 = arith.constant 0 : i32
    %add3A_9 = arith.addi %mul3A_7, %add3A_8 : i32
    "tpu.region"() ({
      %run_scoped3A = tpu.sem_alloc : memref<!tpu.dma_semaphore, #tpu.memory_space<semaphore_mem>>
      %dma_start3A = arith.constant 0 : i32
      %dma_start3A_42 = tpu.memref_slice %arg12[%add3A_9, %dma_start3A] : memref<10000x128xf32, #tpu.memory_space<vmem_shared>> -> memref<128x128xf32, #tpu.memory_space<vmem_shared>>
      %dma_start3A_43 = arith.constant 0 : i32
      %dma_start3A_44 = tpu.memref_slice %arg12[%add3A_9, %dma_start3A_43] : memref<10000x128xf32, #tpu.memory_space<vmem_shared>> -> memref<128x128xf32, #tpu.memory_space<vmem_shared>>
      tpu.enqueue_dma source(%arg10 : memref<128x128xf32, #tpu.memory_space<vmem>>) target(%dma_start3A_44 : memref<128x128xf32, #tpu.memory_space<vmem_shared>>) target_semaphore(%run_scoped3A : memref<!tpu.dma_semaphore, #tpu.memory_space<semaphore_mem>>)
      %dma_wait3A = arith.constant 0 : i32
      %dma_wait3A_45 = tpu.memref_slice %arg12[%add3A_9, %dma_wait3A] : memref<10000x128xf32, #tpu.memory_space<vmem_shared>> -> memref<128x128xf32, #tpu.memory_space<vmem_shared>>
      %dma_wait3A_46 = arith.constant 0 : i32
      %dma_wait3A_47 = tpu.memref_slice %arg12[%add3A_9, %dma_wait3A_46] : memref<10000x128xf32, #tpu.memory_space<vmem_shared>> -> memref<128x128xf32, #tpu.memory_space<vmem_shared>>
      tpu.wait_dma2 semaphore(%run_scoped3A : memref<!tpu.dma_semaphore, #tpu.memory_space<semaphore_mem>>) src(%arg10 : memref<128x128xf32, #tpu.memory_space<vmem>>) dst(%dma_wait3A_47 : memref<128x128xf32, #tpu.memory_space<vmem_shared>>)
      tpu.yield
    }) : () -> ()
    %add3A_10 = arith.constant 128 : i32
    %add3A_11 = arith.addi %mul3A_7, %add3A_10 : i32
    "tpu.region"() ({
      %run_scoped3A = tpu.sem_alloc : memref<!tpu.dma_semaphore, #tpu.memory_space<semaphore_mem>>
      %dma_start3A = arith.constant 0 : i32
      %dma_start3A_42 = tpu.memref_slice %arg12[%add3A_11, %dma_start3A] : memref<10000x128xf32, #tpu.memory_space<vmem_shared>> -> memref<128x128xf32, #tpu.memory_space<vmem_shared>>
      %dma_start3A_43 = arith.constant 0 : i32
      %dma_start3A_44 = tpu.memref_slice %arg12[%add3A_11, %dma_start3A_43] : memref<10000x128xf32, #tpu.memory_space<vmem_shared>> -> memref<128x128xf32, #tpu.memory_space<vmem_shared>>
      tpu.enqueue_dma source(%arg10 : memref<128x128xf32, #tpu.memory_space<vmem>>) target(%dma_start3A_44 : memref<128x128xf32, #tpu.memory_space<vmem_shared>>) target_semaphore(%run_scoped3A : memref<!tpu.dma_semaphore, #tpu.memory_space<semaphore_mem>>)
      %dma_wait3A = arith.constant 0 : i32
      %dma_wait3A_45 = tpu.memref_slice %arg12[%add3A_11, %dma_wait3A] : memref<10000x128xf32, #tpu.memory_space<vmem_shared>> -> memref<128x128xf32, #tpu.memory_space<vmem_shared>>
      %dma_wait3A_46 = arith.constant 0 : i32
      %dma_wait3A_47 = tpu.memref_slice %arg12[%add3A_11, %dma_wait3A_46] : memref<10000x128xf32, #tpu.memory_space<vmem_shared>> -> memref<128x128xf32, #tpu.memory_space<vmem_shared>>
      tpu.wait_dma2 semaphore(%run_scoped3A : memref<!tpu.dma_semaphore, #tpu.memory_space<semaphore_mem>>) src(%arg10 : memref<128x128xf32, #tpu.memory_space<vmem>>) dst(%dma_wait3A_47 : memref<128x128xf32, #tpu.memory_space<vmem_shared>>)
      tpu.yield
    }) : () -> ()
    %add3A_12 = arith.constant 256 : i32
    %add3A_13 = arith.addi %mul3A_7, %add3A_12 : i32
    "tpu.region"() ({
      %run_scoped3A = tpu.sem_alloc : memref<!tpu.dma_semaphore, #tpu.memory_space<semaphore_mem>>
      %dma_start3A = arith.constant 0 : i32
      %dma_start3A_42 = tpu.memref_slice %arg12[%add3A_13, %dma_start3A] : memref<10000x128xf32, #tpu.memory_space<vmem_shared>> -> memref<128x128xf32, #tpu.memory_space<vmem_shared>>
      %dma_start3A_43 = arith.constant 0 : i32
      %dma_start3A_44 = tpu.memref_slice %arg12[%add3A_13, %dma_start3A_43] : memref<10000x128xf32, #tpu.memory_space<vmem_shared>> -> memref<128x128xf32, #tpu.memory_space<vmem_shared>>
      tpu.enqueue_dma source(%arg10 : memref<128x128xf32, #tpu.memory_space<vmem>>) target(%dma_start3A_44 : memref<128x128xf32, #tpu.memory_space<vmem_shared>>) target_semaphore(%run_scoped3A : memref<!tpu.dma_semaphore, #tpu.memory_space<semaphore_mem>>)
      %dma_wait3A = arith.constant 0 : i32
      %dma_wait3A_45 = tpu.memref_slice %arg12[%add3A_13, %dma_wait3A] : memref<10000x128xf32, #tpu.memory_space<vmem_shared>> -> memref<128x128xf32, #tpu.memory_space<vmem_shared>>
      %dma_wait3A_46 = arith.constant 0 : i32
      %dma_wait3A_47 = tpu.memref_slice %arg12[%add3A_13, %dma_wait3A_46] : memref<10000x128xf32, #tpu.memory_space<vmem_shared>> -> memref<128x128xf32, #tpu.memory_space<vmem_shared>>
      tpu.wait_dma2 semaphore(%run_scoped3A : memref<!tpu.dma_semaphore, #tpu.memory_space<semaphore_mem>>) src(%arg10 : memref<128x128xf32, #tpu.memory_space<vmem>>) dst(%dma_wait3A_47 : memref<128x128xf32, #tpu.memory_space<vmem_shared>>)
      tpu.yield
    }) : () -> ()
    %add3A_14 = arith.constant 384 : i32
    %add3A_15 = arith.addi %mul3A_7, %add3A_14 : i32
    "tpu.region"() ({
      %run_scoped3A = tpu.sem_alloc : memref<!tpu.dma_semaphore, #tpu.memory_space<semaphore_mem>>
      %dma_start3A = arith.constant 0 : i32
      %dma_start3A_42 = tpu.memref_slice %arg12[%add3A_15, %dma_start3A] : memref<10000x128xf32, #tpu.memory_space<vmem_shared>> -> memref<128x128xf32, #tpu.memory_space<vmem_shared>>
      %dma_start3A_43 = arith.constant 0 : i32
      %dma_start3A_44 = tpu.memref_slice %arg12[%add3A_15, %dma_start3A_43] : memref<10000x128xf32, #tpu.memory_space<vmem_shared>> -> memref<128x128xf32, #tpu.memory_space<vmem_shared>>
      tpu.enqueue_dma source(%arg10 : memref<128x128xf32, #tpu.memory_space<vmem>>) target(%dma_start3A_44 : memref<128x128xf32, #tpu.memory_space<vmem_shared>>) target_semaphore(%run_scoped3A : memref<!tpu.dma_semaphore, #tpu.memory_space<semaphore_mem>>)
      %dma_wait3A = arith.constant 0 : i32
      %dma_wait3A_45 = tpu.memref_slice %arg12[%add3A_15, %dma_wait3A] : memref<10000x128xf32, #tpu.memory_space<vmem_shared>> -> memref<128x128xf32, #tpu.memory_space<vmem_shared>>
      %dma_wait3A_46 = arith.constant 0 : i32
      %dma_wait3A_47 = tpu.memref_slice %arg12[%add3A_15, %dma_wait3A_46] : memref<10000x128xf32, #tpu.memory_space<vmem_shared>> -> memref<128x128xf32, #tpu.memory_space<vmem_shared>>
      tpu.wait_dma2 semaphore(%run_scoped3A : memref<!tpu.dma_semaphore, #tpu.memory_space<semaphore_mem>>) src(%arg10 : memref<128x128xf32, #tpu.memory_space<vmem>>) dst(%dma_wait3A_47 : memref<128x128xf32, #tpu.memory_space<vmem_shared>>)
      tpu.yield
    }) : () -> ()
    %add3A_16 = arith.constant 512 : i32
    %add3A_17 = arith.addi %mul3A_7, %add3A_16 : i32
    "tpu.region"() ({
      %run_scoped3A = tpu.sem_alloc : memref<!tpu.dma_semaphore, #tpu.memory_space<semaphore_mem>>
      %dma_start3A = arith.constant 0 : i32
      %dma_start3A_42 = arith.constant 0 : i32
      %dma_start3A_43 = tpu.memref_slice %arg10[%dma_start3A, %dma_start3A_42] : memref<128x128xf32, #tpu.memory_space<vmem>> -> memref<112x128xf32, #tpu.memory_space<vmem>>
      %dma_start3A_44 = arith.constant 0 : i32
      %dma_start3A_45 = tpu.memref_slice %arg12[%add3A_17, %dma_start3A_44] : memref<10000x128xf32, #tpu.memory_space<vmem_shared>> -> memref<112x128xf32, #tpu.memory_space<vmem_shared>>
      %dma_start3A_46 = arith.constant 0 : i32
      %dma_start3A_47 = tpu.memref_slice %arg12[%add3A_17, %dma_start3A_46] : memref<10000x128xf32, #tpu.memory_space<vmem_shared>> -> memref<112x128xf32, #tpu.memory_space<vmem_shared>>
      %dma_start3A_48 = arith.constant 0 : i32
      %dma_start3A_49 = arith.constant 0 : i32
      %dma_start3A_50 = tpu.memref_slice %arg10[%dma_start3A_48, %dma_start3A_49] : memref<128x128xf32, #tpu.memory_space<vmem>> -> memref<112x128xf32, #tpu.memory_space<vmem>>
      tpu.enqueue_dma source(%dma_start3A_50 : memref<112x128xf32, #tpu.memory_space<vmem>>) target(%dma_start3A_47 : memref<112x128xf32, #tpu.memory_space<vmem_shared>>) target_semaphore(%run_scoped3A : memref<!tpu.dma_semaphore, #tpu.memory_space<semaphore_mem>>)
      %dma_wait3A = arith.constant 0 : i32
      %dma_wait3A_51 = arith.constant 0 : i32
      %dma_wait3A_52 = tpu.memref_slice %arg10[%dma_wait3A, %dma_wait3A_51] : memref<128x128xf32, #tpu.memory_space<vmem>> -> memref<112x128xf32, #tpu.memory_space<vmem>>
      %dma_wait3A_53 = arith.constant 0 : i32
      %dma_wait3A_54 = tpu.memref_slice %arg12[%add3A_17, %dma_wait3A_53] : memref<10000x128xf32, #tpu.memory_space<vmem_shared>> -> memref<112x128xf32, #tpu.memory_space<vmem_shared>>
      %dma_wait3A_55 = arith.constant 0 : i32
      %dma_wait3A_56 = tpu.memref_slice %arg12[%add3A_17, %dma_wait3A_55] : memref<10000x128xf32, #tpu.memory_space<vmem_shared>> -> memref<112x128xf32, #tpu.memory_space<vmem_shared>>
      %dma_wait3A_57 = arith.constant 0 : i32
      %dma_wait3A_58 = arith.constant 0 : i32
      %dma_wait3A_59 = tpu.memref_slice %arg10[%dma_wait3A_57, %dma_wait3A_58] : memref<128x128xf32, #tpu.memory_space<vmem>> -> memref<112x128xf32, #tpu.memory_space<vmem>>
      tpu.wait_dma2 semaphore(%run_scoped3A : memref<!tpu.dma_semaphore, #tpu.memory_space<semaphore_mem>>) src(%dma_wait3A_59 : memref<112x128xf32, #tpu.memory_space<vmem>>) dst(%dma_wait3A_56 : memref<112x128xf32, #tpu.memory_space<vmem_shared>>)
      tpu.yield
    }) : () -> ()
    %eq3A = arith.constant 15 : i32
    %eq3A_18 = arith.cmpi eq, %arg1, %eq3A : i32
    %convert_element_type3A = arith.extui %eq3A_18 : i1 to i32
    %cond3A = arith.constant 0 : i32
    %cond3A_19 = arith.cmpi ne, %convert_element_type3A, %cond3A : i32
    scf.if %cond3A_19 {
      "tpu.region"() ({
        %run_scoped3A = tpu.sem_alloc : memref<!tpu.dma_semaphore, #tpu.memory_space<semaphore_mem>>
        %dma_start3A = arith.constant 0 : i32
        %dma_start3A_42 = arith.constant 0 : i32
        %dma_start3A_43 = tpu.memref_slice %arg10[%dma_start3A, %dma_start3A_42] : memref<128x128xf32, #tpu.memory_space<vmem>> -> memref<16x128xf32, #tpu.memory_space<vmem>>
        %dma_start3A_44 = arith.constant 9984 : i32
        %dma_start3A_45 = arith.constant 0 : i32
        %dma_start3A_46 = tpu.memref_slice %arg12[%dma_start3A_44, %dma_start3A_45] : memref<10000x128xf32, #tpu.memory_space<vmem_shared>> -> memref<16x128xf32, #tpu.memory_space<vmem_shared>>
        %dma_start3A_47 = arith.constant 9984 : i32
        %dma_start3A_48 = arith.constant 0 : i32
        %dma_start3A_49 = tpu.memref_slice %arg12[%dma_start3A_47, %dma_start3A_48] : memref<10000x128xf32, #tpu.memory_space<vmem_shared>> -> memref<16x128xf32, #tpu.memory_space<vmem_shared>>
        %dma_start3A_50 = arith.constant 0 : i32
        %dma_start3A_51 = arith.constant 0 : i32
        %dma_start3A_52 = tpu.memref_slice %arg10[%dma_start3A_50, %dma_start3A_51] : memref<128x128xf32, #tpu.memory_space<vmem>> -> memref<16x128xf32, #tpu.memory_space<vmem>>
        tpu.enqueue_dma source(%dma_start3A_52 : memref<16x128xf32, #tpu.memory_space<vmem>>) target(%dma_start3A_49 : memref<16x128xf32, #tpu.memory_space<vmem_shared>>) target_semaphore(%run_scoped3A : memref<!tpu.dma_semaphore, #tpu.memory_space<semaphore_mem>>)
        %dma_wait3A = arith.constant 0 : i32
        %dma_wait3A_53 = arith.constant 0 : i32
        %dma_wait3A_54 = tpu.memref_slice %arg10[%dma_wait3A, %dma_wait3A_53] : memref<128x128xf32, #tpu.memory_space<vmem>> -> memref<16x128xf32, #tpu.memory_space<vmem>>
        %dma_wait3A_55 = arith.constant 9984 : i32
        %dma_wait3A_56 = arith.constant 0 : i32
        %dma_wait3A_57 = tpu.memref_slice %arg12[%dma_wait3A_55, %dma_wait3A_56] : memref<10000x128xf32, #tpu.memory_space<vmem_shared>> -> memref<16x128xf32, #tpu.memory_space<vmem_shared>>
        %dma_wait3A_58 = arith.constant 9984 : i32
        %dma_wait3A_59 = arith.constant 0 : i32
        %dma_wait3A_60 = tpu.memref_slice %arg12[%dma_wait3A_58, %dma_wait3A_59] : memref<10000x128xf32, #tpu.memory_space<vmem_shared>> -> memref<16x128xf32, #tpu.memory_space<vmem_shared>>
        %dma_wait3A_61 = arith.constant 0 : i32
        %dma_wait3A_62 = arith.constant 0 : i32
        %dma_wait3A_63 = tpu.memref_slice %arg10[%dma_wait3A_61, %dma_wait3A_62] : memref<128x128xf32, #tpu.memory_space<vmem>> -> memref<16x128xf32, #tpu.memory_space<vmem>>
        tpu.wait_dma2 semaphore(%run_scoped3A : memref<!tpu.dma_semaphore, #tpu.memory_space<semaphore_mem>>) src(%dma_wait3A_63 : memref<16x128xf32, #tpu.memory_space<vmem>>) dst(%dma_wait3A_60 : memref<16x128xf32, #tpu.memory_space<vmem_shared>>)
        tpu.yield
      }) : () -> ()
    } else {
    }
    %barrier3A = arith.constant 0 : index
    tpu.barrier barrier_id(%barrier3A)
    %scan3A_20 = arith.constant 0 : i32
    %scan3A_21 = arith.constant 0 : i32
    %scan3A_22 = arith.constant 79 : i32
    %scan3A_23 = arith.addi %scan3A_21, %scan3A_22 : i32
    %scan3A_24 = arith.constant 1 : i32
    scf.for %scan3A_42 = %scan3A_21 to %scan3A_23 step %scan3A_24  : i32 {
      %mul3A_43 = arith.constant 32 : i32
      %mul3A_44 = arith.muli %scan3A_42, %mul3A_43 : i32
      %add3A_45 = arith.addi %mul3A_44, %add3A : i32
      %lt3A = arith.constant 2500 : i32
      %lt3A_46 = arith.cmpi slt, %add3A_45, %lt3A : i32
      %convert_element_type3A_47 = arith.extui %lt3A_46 : i1 to i32
      %cond3A_48 = arith.constant 0 : i32
      %cond3A_49 = arith.cmpi ne, %convert_element_type3A_47, %cond3A_48 : i32
      scf.if %cond3A_49 {
        %mul3A_50 = arith.constant 128 : i32
        %mul3A_51 = arith.muli %add3A_45, %mul3A_50 : i32
        %run_scoped3A = arith.constant 0 : i32
        %run_scoped3A_52 = arith.constant 0 : i32
        "tpu.region"() ({
          %run_scoped3A_89 = tpu.sem_alloc : memref<!tpu.dma_semaphore, #tpu.memory_space<semaphore_mem>>
          %dma_start3A_90 = arith.constant 0 : i32
          %dma_start3A_91 = tpu.memref_slice %arg7[%run_scoped3A_52, %dma_start3A_90] : memref<1x128xi32, #tpu.memory_space<vmem>> -> memref<1x128xi32, #tpu.memory_space<vmem>>
          %dma_start3A_92 = tpu.memref_squeeze %dma_start3A_91 : memref<1x128xi32, #tpu.memory_space<vmem>> -> memref<128xi32, #tpu.memory_space<vmem>>
          %dma_start3A_93 = tpu.memref_slice %arg3[%run_scoped3A, %mul3A_51] : memref<2x320000xi32, #tpu.memory_space<hbm>> -> memref<1x128xi32, #tpu.memory_space<hbm>>
          %dma_start3A_94 = tpu.memref_squeeze %dma_start3A_93 : memref<1x128xi32, #tpu.memory_space<hbm>> -> memref<128xi32, #tpu.memory_space<hbm>>
          %dma_start3A_95 = arith.constant 0 : i32
          %dma_start3A_96 = tpu.memref_slice %arg7[%run_scoped3A_52, %dma_start3A_95] : memref<1x128xi32, #tpu.memory_space<vmem>> -> memref<1x128xi32, #tpu.memory_space<vmem>>
          %dma_start3A_97 = tpu.memref_squeeze %dma_start3A_96 : memref<1x128xi32, #tpu.memory_space<vmem>> -> memref<128xi32, #tpu.memory_space<vmem>>
          %dma_start3A_98 = tpu.memref_slice %arg3[%run_scoped3A, %mul3A_51] : memref<2x320000xi32, #tpu.memory_space<hbm>> -> memref<1x128xi32, #tpu.memory_space<hbm>>
          %dma_start3A_99 = tpu.memref_squeeze %dma_start3A_98 : memref<1x128xi32, #tpu.memory_space<hbm>> -> memref<128xi32, #tpu.memory_space<hbm>>
          tpu.enqueue_dma source(%dma_start3A_99 : memref<128xi32, #tpu.memory_space<hbm>>) target(%dma_start3A_97 : memref<128xi32, #tpu.memory_space<vmem>>) target_semaphore(%run_scoped3A_89 : memref<!tpu.dma_semaphore, #tpu.memory_space<semaphore_mem>>)
          %dma_wait3A_100 = arith.constant 0 : i32
          %dma_wait3A_101 = tpu.memref_slice %arg7[%run_scoped3A_52, %dma_wait3A_100] : memref<1x128xi32, #tpu.memory_space<vmem>> -> memref<1x128xi32, #tpu.memory_space<vmem>>
          %dma_wait3A_102 = tpu.memref_squeeze %dma_wait3A_101 : memref<1x128xi32, #tpu.memory_space<vmem>> -> memref<128xi32, #tpu.memory_space<vmem>>
          %dma_wait3A_103 = tpu.memref_slice %arg3[%run_scoped3A, %mul3A_51] : memref<2x320000xi32, #tpu.memory_space<hbm>> -> memref<1x128xi32, #tpu.memory_space<hbm>>
          %dma_wait3A_104 = tpu.memref_squeeze %dma_wait3A_103 : memref<1x128xi32, #tpu.memory_space<hbm>> -> memref<128xi32, #tpu.memory_space<hbm>>
          %dma_wait3A_105 = arith.constant 0 : i32
          %dma_wait3A_106 = tpu.memref_slice %arg7[%run_scoped3A_52, %dma_wait3A_105] : memref<1x128xi32, #tpu.memory_space<vmem>> -> memref<1x128xi32, #tpu.memory_space<vmem>>
          %dma_wait3A_107 = tpu.memref_squeeze %dma_wait3A_106 : memref<1x128xi32, #tpu.memory_space<vmem>> -> memref<128xi32, #tpu.memory_space<vmem>>
          %dma_wait3A_108 = tpu.memref_slice %arg3[%run_scoped3A, %mul3A_51] : memref<2x320000xi32, #tpu.memory_space<hbm>> -> memref<1x128xi32, #tpu.memory_space<hbm>>
          %dma_wait3A_109 = tpu.memref_squeeze %dma_wait3A_108 : memref<1x128xi32, #tpu.memory_space<hbm>> -> memref<128xi32, #tpu.memory_space<hbm>>
          tpu.wait_dma2 semaphore(%run_scoped3A_89 : memref<!tpu.dma_semaphore, #tpu.memory_space<semaphore_mem>>) src(%dma_wait3A_109 : memref<128xi32, #tpu.memory_space<hbm>>) dst(%dma_wait3A_107 : memref<128xi32, #tpu.memory_space<vmem>>)
          tpu.yield
        }) : () -> ()
        %run_scoped3A_53 = arith.constant 1 : i32
        %run_scoped3A_54 = arith.constant 0 : i32
        "tpu.region"() ({
          %run_scoped3A_89 = tpu.sem_alloc : memref<!tpu.dma_semaphore, #tpu.memory_space<semaphore_mem>>
          %dma_start3A_90 = arith.constant 0 : i32
          %dma_start3A_91 = tpu.memref_slice %arg8[%run_scoped3A_54, %dma_start3A_90] : memref<1x128xi32, #tpu.memory_space<vmem>> -> memref<1x128xi32, #tpu.memory_space<vmem>>
          %dma_start3A_92 = tpu.memref_squeeze %dma_start3A_91 : memref<1x128xi32, #tpu.memory_space<vmem>> -> memref<128xi32, #tpu.memory_space<vmem>>
          %dma_start3A_93 = tpu.memref_slice %arg3[%run_scoped3A_53, %mul3A_51] : memref<2x320000xi32, #tpu.memory_space<hbm>> -> memref<1x128xi32, #tpu.memory_space<hbm>>
          %dma_start3A_94 = tpu.memref_squeeze %dma_start3A_93 : memref<1x128xi32, #tpu.memory_space<hbm>> -> memref<128xi32, #tpu.memory_space<hbm>>
          %dma_start3A_95 = arith.constant 0 : i32
          %dma_start3A_96 = tpu.memref_slice %arg8[%run_scoped3A_54, %dma_start3A_95] : memref<1x128xi32, #tpu.memory_space<vmem>> -> memref<1x128xi32, #tpu.memory_space<vmem>>
          %dma_start3A_97 = tpu.memref_squeeze %dma_start3A_96 : memref<1x128xi32, #tpu.memory_space<vmem>> -> memref<128xi32, #tpu.memory_space<vmem>>
          %dma_start3A_98 = tpu.memref_slice %arg3[%run_scoped3A_53, %mul3A_51] : memref<2x320000xi32, #tpu.memory_space<hbm>> -> memref<1x128xi32, #tpu.memory_space<hbm>>
          %dma_start3A_99 = tpu.memref_squeeze %dma_start3A_98 : memref<1x128xi32, #tpu.memory_space<hbm>> -> memref<128xi32, #tpu.memory_space<hbm>>
          tpu.enqueue_dma source(%dma_start3A_99 : memref<128xi32, #tpu.memory_space<hbm>>) target(%dma_start3A_97 : memref<128xi32, #tpu.memory_space<vmem>>) target_semaphore(%run_scoped3A_89 : memref<!tpu.dma_semaphore, #tpu.memory_space<semaphore_mem>>)
          %dma_wait3A_100 = arith.constant 0 : i32
          %dma_wait3A_101 = tpu.memref_slice %arg8[%run_scoped3A_54, %dma_wait3A_100] : memref<1x128xi32, #tpu.memory_space<vmem>> -> memref<1x128xi32, #tpu.memory_space<vmem>>
          %dma_wait3A_102 = tpu.memref_squeeze %dma_wait3A_101 : memref<1x128xi32, #tpu.memory_space<vmem>> -> memref<128xi32, #tpu.memory_space<vmem>>
          %dma_wait3A_103 = tpu.memref_slice %arg3[%run_scoped3A_53, %mul3A_51] : memref<2x320000xi32, #tpu.memory_space<hbm>> -> memref<1x128xi32, #tpu.memory_space<hbm>>
          %dma_wait3A_104 = tpu.memref_squeeze %dma_wait3A_103 : memref<1x128xi32, #tpu.memory_space<hbm>> -> memref<128xi32, #tpu.memory_space<hbm>>
          %dma_wait3A_105 = arith.constant 0 : i32
          %dma_wait3A_106 = tpu.memref_slice %arg8[%run_scoped3A_54, %dma_wait3A_105] : memref<1x128xi32, #tpu.memory_space<vmem>> -> memref<1x128xi32, #tpu.memory_space<vmem>>
          %dma_wait3A_107 = tpu.memref_squeeze %dma_wait3A_106 : memref<1x128xi32, #tpu.memory_space<vmem>> -> memref<128xi32, #tpu.memory_space<vmem>>
          %dma_wait3A_108 = tpu.memref_slice %arg3[%run_scoped3A_53, %mul3A_51] : memref<2x320000xi32, #tpu.memory_space<hbm>> -> memref<1x128xi32, #tpu.memory_space<hbm>>
          %dma_wait3A_109 = tpu.memref_squeeze %dma_wait3A_108 : memref<1x128xi32, #tpu.memory_space<hbm>> -> memref<128xi32, #tpu.memory_space<hbm>>
          tpu.wait_dma2 semaphore(%run_scoped3A_89 : memref<!tpu.dma_semaphore, #tpu.memory_space<semaphore_mem>>) src(%dma_wait3A_109 : memref<128xi32, #tpu.memory_space<hbm>>) dst(%dma_wait3A_107 : memref<128xi32, #tpu.memory_space<vmem>>)
          tpu.yield
        }) : () -> ()
        %run_scoped3A_55 = arith.constant 0 : i32
        "tpu.region"() ({
          %run_scoped3A_89 = tpu.sem_alloc : memref<!tpu.dma_semaphore, #tpu.memory_space<semaphore_mem>>
          %dma_start3A_90 = arith.constant 0 : i32
          %dma_start3A_91 = tpu.memref_slice %arg9[%run_scoped3A_55, %dma_start3A_90] : memref<1x128xi32, #tpu.memory_space<vmem>> -> memref<1x128xi32, #tpu.memory_space<vmem>>
          %dma_start3A_92 = tpu.memref_squeeze %dma_start3A_91 : memref<1x128xi32, #tpu.memory_space<vmem>> -> memref<128xi32, #tpu.memory_space<vmem>>
          %dma_start3A_93 = tpu.memref_slice %arg4[%mul3A_51] : memref<320000xi32, #tpu.memory_space<hbm>> -> memref<128xi32, #tpu.memory_space<hbm>>
          %dma_start3A_94 = arith.constant 0 : i32
          %dma_start3A_95 = tpu.memref_slice %arg9[%run_scoped3A_55, %dma_start3A_94] : memref<1x128xi32, #tpu.memory_space<vmem>> -> memref<1x128xi32, #tpu.memory_space<vmem>>
          %dma_start3A_96 = tpu.memref_squeeze %dma_start3A_95 : memref<1x128xi32, #tpu.memory_space<vmem>> -> memref<128xi32, #tpu.memory_space<vmem>>
          %dma_start3A_97 = tpu.memref_slice %arg4[%mul3A_51] : memref<320000xi32, #tpu.memory_space<hbm>> -> memref<128xi32, #tpu.memory_space<hbm>>
          tpu.enqueue_dma source(%dma_start3A_97 : memref<128xi32, #tpu.memory_space<hbm>>) target(%dma_start3A_96 : memref<128xi32, #tpu.memory_space<vmem>>) target_semaphore(%run_scoped3A_89 : memref<!tpu.dma_semaphore, #tpu.memory_space<semaphore_mem>>)
          %dma_wait3A_98 = arith.constant 0 : i32
          %dma_wait3A_99 = tpu.memref_slice %arg9[%run_scoped3A_55, %dma_wait3A_98] : memref<1x128xi32, #tpu.memory_space<vmem>> -> memref<1x128xi32, #tpu.memory_space<vmem>>
          %dma_wait3A_100 = tpu.memref_squeeze %dma_wait3A_99 : memref<1x128xi32, #tpu.memory_space<vmem>> -> memref<128xi32, #tpu.memory_space<vmem>>
          %dma_wait3A_101 = tpu.memref_slice %arg4[%mul3A_51] : memref<320000xi32, #tpu.memory_space<hbm>> -> memref<128xi32, #tpu.memory_space<hbm>>
          %dma_wait3A_102 = arith.constant 0 : i32
          %dma_wait3A_103 = tpu.memref_slice %arg9[%run_scoped3A_55, %dma_wait3A_102] : memref<1x128xi32, #tpu.memory_space<vmem>> -> memref<1x128xi32, #tpu.memory_space<vmem>>
          %dma_wait3A_104 = tpu.memref_squeeze %dma_wait3A_103 : memref<1x128xi32, #tpu.memory_space<vmem>> -> memref<128xi32, #tpu.memory_space<vmem>>
          %dma_wait3A_105 = tpu.memref_slice %arg4[%mul3A_51] : memref<320000xi32, #tpu.memory_space<hbm>> -> memref<128xi32, #tpu.memory_space<hbm>>
          tpu.wait_dma2 semaphore(%run_scoped3A_89 : memref<!tpu.dma_semaphore, #tpu.memory_space<semaphore_mem>>) src(%dma_wait3A_105 : memref<128xi32, #tpu.memory_space<hbm>>) dst(%dma_wait3A_104 : memref<128xi32, #tpu.memory_space<vmem>>)
          tpu.yield
        }) : () -> ()
        %dma_start3A = arith.constant 0 : i32
        %dma_start3A_56 = arith.constant 0 : i32
        %dma_start3A_57 = tpu.memref_slice %arg9[%dma_start3A, %dma_start3A_56] : memref<1x128xi32, #tpu.memory_space<vmem>> -> memref<1x128xi32, #tpu.memory_space<vmem>>
        %dma_start3A_58 = tpu.memref_squeeze %dma_start3A_57 : memref<1x128xi32, #tpu.memory_space<vmem>> -> memref<128xi32, #tpu.memory_space<vmem>>
        %dma_start3A_59 = arith.constant 0 : i32
        %dma_start3A_60 = arith.constant 0 : i32
        %dma_start3A_61 = tpu.memref_slice %arg5[%dma_start3A_59, %dma_start3A_60] : memref<18x128xf32, #tpu.memory_space<hbm>> -> memref<18x128xf32, #tpu.memory_space<hbm>>
        tpu.enqueue_indirect_dma source(%dma_start3A_61 : memref<18x128xf32, #tpu.memory_space<hbm>>) target(%arg10 : memref<128x128xf32, #tpu.memory_space<vmem>>) offsets(%dma_start3A_58 : memref<128xi32, #tpu.memory_space<vmem>>) semaphore(%arg13 : memref<!tpu.dma_semaphore, #tpu.memory_space<semaphore_mem>>)
        %dma_start3A_62 = arith.constant 0 : i32
        %dma_start3A_63 = arith.constant 0 : i32
        %dma_start3A_64 = tpu.memref_slice %arg7[%dma_start3A_62, %dma_start3A_63] : memref<1x128xi32, #tpu.memory_space<vmem>> -> memref<1x128xi32, #tpu.memory_space<vmem>>
        %dma_start3A_65 = tpu.memref_squeeze %dma_start3A_64 : memref<1x128xi32, #tpu.memory_space<vmem>> -> memref<128xi32, #tpu.memory_space<vmem>>
        %dma_start3A_66 = arith.constant 0 : i32
        %dma_start3A_67 = arith.constant 0 : i32
        %dma_start3A_68 = tpu.memref_slice %arg2[%dma_start3A_66, %dma_start3A_67] : memref<10000x128xf32, #tpu.memory_space<hbm>> -> memref<10000x128xf32, #tpu.memory_space<hbm>>
        tpu.enqueue_indirect_dma source(%dma_start3A_68 : memref<10000x128xf32, #tpu.memory_space<hbm>>) target(%arg11 : memref<128x128xf32, #tpu.memory_space<vmem>>) offsets(%dma_start3A_65 : memref<128xi32, #tpu.memory_space<vmem>>) semaphore(%arg14 : memref<!tpu.dma_semaphore, #tpu.memory_space<semaphore_mem>>)
        %dma_wait3A = arith.constant 0 : i32
        %dma_wait3A_69 = arith.constant 0 : i32
        %dma_wait3A_70 = tpu.memref_slice %arg9[%dma_wait3A, %dma_wait3A_69] : memref<1x128xi32, #tpu.memory_space<vmem>> -> memref<1x128xi32, #tpu.memory_space<vmem>>
        %dma_wait3A_71 = tpu.memref_squeeze %dma_wait3A_70 : memref<1x128xi32, #tpu.memory_space<vmem>> -> memref<128xi32, #tpu.memory_space<vmem>>
        %dma_wait3A_72 = arith.constant 0 : i32
        %dma_wait3A_73 = arith.constant 0 : i32
        %dma_wait3A_74 = tpu.memref_slice %arg5[%dma_wait3A_72, %dma_wait3A_73] : memref<18x128xf32, #tpu.memory_space<hbm>> -> memref<18x128xf32, #tpu.memory_space<hbm>>
        tpu.wait_indirect_dma semaphore(%arg13 : memref<!tpu.dma_semaphore, #tpu.memory_space<semaphore_mem>>) src(%dma_wait3A_74 : memref<18x128xf32, #tpu.memory_space<hbm>>) dst(%arg10 : memref<128x128xf32, #tpu.memory_space<vmem>>)
        %dma_wait3A_75 = arith.constant 0 : i32
        %dma_wait3A_76 = arith.constant 0 : i32
        %dma_wait3A_77 = tpu.memref_slice %arg7[%dma_wait3A_75, %dma_wait3A_76] : memref<1x128xi32, #tpu.memory_space<vmem>> -> memref<1x128xi32, #tpu.memory_space<vmem>>
        %dma_wait3A_78 = tpu.memref_squeeze %dma_wait3A_77 : memref<1x128xi32, #tpu.memory_space<vmem>> -> memref<128xi32, #tpu.memory_space<vmem>>
        %dma_wait3A_79 = arith.constant 0 : i32
        %dma_wait3A_80 = arith.constant 0 : i32
        %dma_wait3A_81 = tpu.memref_slice %arg2[%dma_wait3A_79, %dma_wait3A_80] : memref<10000x128xf32, #tpu.memory_space<hbm>> -> memref<10000x128xf32, #tpu.memory_space<hbm>>
        tpu.wait_indirect_dma semaphore(%arg14 : memref<!tpu.dma_semaphore, #tpu.memory_space<semaphore_mem>>) src(%dma_wait3A_81 : memref<10000x128xf32, #tpu.memory_space<hbm>>) dst(%arg11 : memref<128x128xf32, #tpu.memory_space<vmem>>)
        %scan3A_82 = arith.constant 0 : i32
        %scan3A_83 = arith.constant 0 : i32
        %scan3A_84 = arith.constant 128 : i32
        %scan3A_85 = arith.addi %scan3A_83, %scan3A_84 : i32
        %scan3A_86 = arith.constant 1 : i32
        scf.for %scan3A_89 = %scan3A_83 to %scan3A_85 step %scan3A_86  : i32 {
          %get3A = arith.index_cast %scan3A_89 : i32 to index
          %get3A_90 = arith.constant 0 : index
          %get3A_91 = tpu.vector_load %arg10[%get3A, %get3A_90] {strides = array<i32>} : memref<128x128xf32, #tpu.memory_space<vmem>>, vector<1x16xf32>,
          %get3A_92 = vector.shape_cast %get3A_91 : vector<1x16xf32> to vector<16xf32>
          %get3A_93 = arith.index_cast %scan3A_89 : i32 to index
          %get3A_94 = arith.constant 0 : index
          %get3A_95 = tpu.vector_load %arg11[%get3A_93, %get3A_94] {strides = array<i32>} : memref<128x128xf32, #tpu.memory_space<vmem>>, vector<1x16xf32>,
          %get3A_96 = vector.shape_cast %get3A_95 : vector<1x16xf32> to vector<16xf32>
          %add3A_97 = arith.addf %get3A_92, %get3A_96 : vector<16xf32>
          %max3A = arith.constant 0.000000e+00 : f32
          %max3A_98 = vector.broadcast %max3A : f32 to vector<16xf32>
          %max3A_99 = arith.maximumf %add3A_97, %max3A_98 : vector<16xf32>
          %swap3A = arith.index_cast %scan3A_89 : i32 to index
          %swap3A_100 = arith.constant 0 : index
          %swap3A_101 = tpu.vector_load %arg10[%swap3A, %swap3A_100] {strides = array<i32>} : memref<128x128xf32, #tpu.memory_space<vmem>>, vector<1x16xf32>,
          %swap3A_102 = vector.shape_cast %swap3A_101 : vector<1x16xf32> to vector<16xf32>
          %swap3A_103 = vector.shape_cast %max3A_99 : vector<16xf32> to vector<1x16xf32>
          tpu.vector_store %arg10[%swap3A, %swap3A_100], %swap3A_103 {strides = array<i32>} : memref<128x128xf32, #tpu.memory_space<vmem>>, vector<1x16xf32>,
          %get3A_104 = arith.index_cast %scan3A_89 : i32 to index
          %get3A_105 = arith.constant 16 : index
          %get3A_106 = tpu.vector_load %arg10[%get3A_104, %get3A_105] {strides = array<i32>} : memref<128x128xf32, #tpu.memory_space<vmem>>, vector<1x16xf32>,
          %get3A_107 = vector.shape_cast %get3A_106 : vector<1x16xf32> to vector<16xf32>
          %get3A_108 = arith.index_cast %scan3A_89 : i32 to index
          %get3A_109 = arith.constant 16 : index
          %get3A_110 = tpu.vector_load %arg11[%get3A_108, %get3A_109] {strides = array<i32>} : memref<128x128xf32, #tpu.memory_space<vmem>>, vector<1x16xf32>,
          %get3A_111 = vector.shape_cast %get3A_110 : vector<1x16xf32> to vector<16xf32>
          %add3A_112 = arith.addf %get3A_107, %get3A_111 : vector<16xf32>
          %max3A_113 = arith.constant 0.000000e+00 : f32
          %max3A_114 = vector.broadcast %max3A_113 : f32 to vector<16xf32>
          %max3A_115 = arith.maximumf %add3A_112, %max3A_114 : vector<16xf32>
          %swap3A_116 = arith.index_cast %scan3A_89 : i32 to index
          %swap3A_117 = arith.constant 16 : index
          %swap3A_118 = tpu.vector_load %arg10[%swap3A_116, %swap3A_117] {strides = array<i32>} : memref<128x128xf32, #tpu.memory_space<vmem>>, vector<1x16xf32>,
          %swap3A_119 = vector.shape_cast %swap3A_118 : vector<1x16xf32> to vector<16xf32>
          %swap3A_120 = vector.shape_cast %max3A_115 : vector<16xf32> to vector<1x16xf32>
          tpu.vector_store %arg10[%swap3A_116, %swap3A_117], %swap3A_120 {strides = array<i32>} : memref<128x128xf32, #tpu.memory_space<vmem>>, vector<1x16xf32>,
          %get3A_121 = arith.index_cast %scan3A_89 : i32 to index
          %get3A_122 = arith.constant 32 : index
          %get3A_123 = tpu.vector_load %arg10[%get3A_121, %get3A_122] {strides = array<i32>} : memref<128x128xf32, #tpu.memory_space<vmem>>, vector<1x16xf32>,
          %get3A_124 = vector.shape_cast %get3A_123 : vector<1x16xf32> to vector<16xf32>
          %get3A_125 = arith.index_cast %scan3A_89 : i32 to index
          %get3A_126 = arith.constant 32 : index
          %get3A_127 = tpu.vector_load %arg11[%get3A_125, %get3A_126] {strides = array<i32>} : memref<128x128xf32, #tpu.memory_space<vmem>>, vector<1x16xf32>,
          %get3A_128 = vector.shape_cast %get3A_127 : vector<1x16xf32> to vector<16xf32>
          %add3A_129 = arith.addf %get3A_124, %get3A_128 : vector<16xf32>
          %max3A_130 = arith.constant 0.000000e+00 : f32
          %max3A_131 = vector.broadcast %max3A_130 : f32 to vector<16xf32>
          %max3A_132 = arith.maximumf %add3A_129, %max3A_131 : vector<16xf32>
          %swap3A_133 = arith.index_cast %scan3A_89 : i32 to index
          %swap3A_134 = arith.constant 32 : index
          %swap3A_135 = tpu.vector_load %arg10[%swap3A_133, %swap3A_134] {strides = array<i32>} : memref<128x128xf32, #tpu.memory_space<vmem>>, vector<1x16xf32>,
          %swap3A_136 = vector.shape_cast %swap3A_135 : vector<1x16xf32> to vector<16xf32>
          %swap3A_137 = vector.shape_cast %max3A_132 : vector<16xf32> to vector<1x16xf32>
          tpu.vector_store %arg10[%swap3A_133, %swap3A_134], %swap3A_137 {strides = array<i32>} : memref<128x128xf32, #tpu.memory_space<vmem>>, vector<1x16xf32>,
          %get3A_138 = arith.index_cast %scan3A_89 : i32 to index
          %get3A_139 = arith.constant 48 : index
          %get3A_140 = tpu.vector_load %arg10[%get3A_138, %get3A_139] {strides = array<i32>} : memref<128x128xf32, #tpu.memory_space<vmem>>, vector<1x16xf32>,
          %get3A_141 = vector.shape_cast %get3A_140 : vector<1x16xf32> to vector<16xf32>
          %get3A_142 = arith.index_cast %scan3A_89 : i32 to index
          %get3A_143 = arith.constant 48 : index
          %get3A_144 = tpu.vector_load %arg11[%get3A_142, %get3A_143] {strides = array<i32>} : memref<128x128xf32, #tpu.memory_space<vmem>>, vector<1x16xf32>,
          %get3A_145 = vector.shape_cast %get3A_144 : vector<1x16xf32> to vector<16xf32>
          %add3A_146 = arith.addf %get3A_141, %get3A_145 : vector<16xf32>
          %max3A_147 = arith.constant 0.000000e+00 : f32
          %max3A_148 = vector.broadcast %max3A_147 : f32 to vector<16xf32>
          %max3A_149 = arith.maximumf %add3A_146, %max3A_148 : vector<16xf32>
          %swap3A_150 = arith.index_cast %scan3A_89 : i32 to index
          %swap3A_151 = arith.constant 48 : index
          %swap3A_152 = tpu.vector_load %arg10[%swap3A_150, %swap3A_151] {strides = array<i32>} : memref<128x128xf32, #tpu.memory_space<vmem>>, vector<1x16xf32>,
          %swap3A_153 = vector.shape_cast %swap3A_152 : vector<1x16xf32> to vector<16xf32>
          %swap3A_154 = vector.shape_cast %max3A_149 : vector<16xf32> to vector<1x16xf32>
          tpu.vector_store %arg10[%swap3A_150, %swap3A_151], %swap3A_154 {strides = array<i32>} : memref<128x128xf32, #tpu.memory_space<vmem>>, vector<1x16xf32>,
          %get3A_155 = arith.index_cast %scan3A_89 : i32 to index
          %get3A_156 = arith.constant 64 : index
          %get3A_157 = tpu.vector_load %arg10[%get3A_155, %get3A_156] {strides = array<i32>} : memref<128x128xf32, #tpu.memory_space<vmem>>, vector<1x16xf32>,
          %get3A_158 = vector.shape_cast %get3A_157 : vector<1x16xf32> to vector<16xf32>
          %get3A_159 = arith.index_cast %scan3A_89 : i32 to index
          %get3A_160 = arith.constant 64 : index
          %get3A_161 = tpu.vector_load %arg11[%get3A_159, %get3A_160] {strides = array<i32>} : memref<128x128xf32, #tpu.memory_space<vmem>>, vector<1x16xf32>,
          %get3A_162 = vector.shape_cast %get3A_161 : vector<1x16xf32> to vector<16xf32>
          %add3A_163 = arith.addf %get3A_158, %get3A_162 : vector<16xf32>
          %max3A_164 = arith.constant 0.000000e+00 : f32
          %max3A_165 = vector.broadcast %max3A_164 : f32 to vector<16xf32>
          %max3A_166 = arith.maximumf %add3A_163, %max3A_165 : vector<16xf32>
          %swap3A_167 = arith.index_cast %scan3A_89 : i32 to index
          %swap3A_168 = arith.constant 64 : index
          %swap3A_169 = tpu.vector_load %arg10[%swap3A_167, %swap3A_168] {strides = array<i32>} : memref<128x128xf32, #tpu.memory_space<vmem>>, vector<1x16xf32>,
          %swap3A_170 = vector.shape_cast %swap3A_169 : vector<1x16xf32> to vector<16xf32>
          %swap3A_171 = vector.shape_cast %max3A_166 : vector<16xf32> to vector<1x16xf32>
          tpu.vector_store %arg10[%swap3A_167, %swap3A_168], %swap3A_171 {strides = array<i32>} : memref<128x128xf32, #tpu.memory_space<vmem>>, vector<1x16xf32>,
          %get3A_172 = arith.index_cast %scan3A_89 : i32 to index
          %get3A_173 = arith.constant 80 : index
          %get3A_174 = tpu.vector_load %arg10[%get3A_172, %get3A_173] {strides = array<i32>} : memref<128x128xf32, #tpu.memory_space<vmem>>, vector<1x16xf32>,
          %get3A_175 = vector.shape_cast %get3A_174 : vector<1x16xf32> to vector<16xf32>
          %get3A_176 = arith.index_cast %scan3A_89 : i32 to index
          %get3A_177 = arith.constant 80 : index
          %get3A_178 = tpu.vector_load %arg11[%get3A_176, %get3A_177] {strides = array<i32>} : memref<128x128xf32, #tpu.memory_space<vmem>>, vector<1x16xf32>,
          %get3A_179 = vector.shape_cast %get3A_178 : vector<1x16xf32> to vector<16xf32>
          %add3A_180 = arith.addf %get3A_175, %get3A_179 : vector<16xf32>
          %max3A_181 = arith.constant 0.000000e+00 : f32
          %max3A_182 = vector.broadcast %max3A_181 : f32 to vector<16xf32>
          %max3A_183 = arith.maximumf %add3A_180, %max3A_182 : vector<16xf32>
          %swap3A_184 = arith.index_cast %scan3A_89 : i32 to index
          %swap3A_185 = arith.constant 80 : index
          %swap3A_186 = tpu.vector_load %arg10[%swap3A_184, %swap3A_185] {strides = array<i32>} : memref<128x128xf32, #tpu.memory_space<vmem>>, vector<1x16xf32>,
          %swap3A_187 = vector.shape_cast %swap3A_186 : vector<1x16xf32> to vector<16xf32>
          %swap3A_188 = vector.shape_cast %max3A_183 : vector<16xf32> to vector<1x16xf32>
          tpu.vector_store %arg10[%swap3A_184, %swap3A_185], %swap3A_188 {strides = array<i32>} : memref<128x128xf32, #tpu.memory_space<vmem>>, vector<1x16xf32>,
          %get3A_189 = arith.index_cast %scan3A_89 : i32 to index
          %get3A_190 = arith.constant 96 : index
          %get3A_191 = tpu.vector_load %arg10[%get3A_189, %get3A_190] {strides = array<i32>} : memref<128x128xf32, #tpu.memory_space<vmem>>, vector<1x16xf32>,
          %get3A_192 = vector.shape_cast %get3A_191 : vector<1x16xf32> to vector<16xf32>
          %get3A_193 = arith.index_cast %scan3A_89 : i32 to index
          %get3A_194 = arith.constant 96 : index
          %get3A_195 = tpu.vector_load %arg11[%get3A_193, %get3A_194] {strides = array<i32>} : memref<128x128xf32, #tpu.memory_space<vmem>>, vector<1x16xf32>,
          %get3A_196 = vector.shape_cast %get3A_195 : vector<1x16xf32> to vector<16xf32>
          %add3A_197 = arith.addf %get3A_192, %get3A_196 : vector<16xf32>
          %max3A_198 = arith.constant 0.000000e+00 : f32
          %max3A_199 = vector.broadcast %max3A_198 : f32 to vector<16xf32>
          %max3A_200 = arith.maximumf %add3A_197, %max3A_199 : vector<16xf32>
          %swap3A_201 = arith.index_cast %scan3A_89 : i32 to index
          %swap3A_202 = arith.constant 96 : index
          %swap3A_203 = tpu.vector_load %arg10[%swap3A_201, %swap3A_202] {strides = array<i32>} : memref<128x128xf32, #tpu.memory_space<vmem>>, vector<1x16xf32>,
          %swap3A_204 = vector.shape_cast %swap3A_203 : vector<1x16xf32> to vector<16xf32>
          %swap3A_205 = vector.shape_cast %max3A_200 : vector<16xf32> to vector<1x16xf32>
          tpu.vector_store %arg10[%swap3A_201, %swap3A_202], %swap3A_205 {strides = array<i32>} : memref<128x128xf32, #tpu.memory_space<vmem>>, vector<1x16xf32>,
          %get3A_206 = arith.index_cast %scan3A_89 : i32 to index
          %get3A_207 = arith.constant 112 : index
          %get3A_208 = tpu.vector_load %arg10[%get3A_206, %get3A_207] {strides = array<i32>} : memref<128x128xf32, #tpu.memory_space<vmem>>, vector<1x16xf32>,
          %get3A_209 = vector.shape_cast %get3A_208 : vector<1x16xf32> to vector<16xf32>
          %get3A_210 = arith.index_cast %scan3A_89 : i32 to index
          %get3A_211 = arith.constant 112 : index
          %get3A_212 = tpu.vector_load %arg11[%get3A_210, %get3A_211] {strides = array<i32>} : memref<128x128xf32, #tpu.memory_space<vmem>>, vector<1x16xf32>,
          %get3A_213 = vector.shape_cast %get3A_212 : vector<1x16xf32> to vector<16xf32>
          %add3A_214 = arith.addf %get3A_209, %get3A_213 : vector<16xf32>
          %max3A_215 = arith.constant 0.000000e+00 : f32
          %max3A_216 = vector.broadcast %max3A_215 : f32 to vector<16xf32>
          %max3A_217 = arith.maximumf %add3A_214, %max3A_216 : vector<16xf32>
          %swap3A_218 = arith.index_cast %scan3A_89 : i32 to index
          %swap3A_219 = arith.constant 112 : index
          %swap3A_220 = tpu.vector_load %arg10[%swap3A_218, %swap3A_219] {strides = array<i32>} : memref<128x128xf32, #tpu.memory_space<vmem>>, vector<1x16xf32>,
          %swap3A_221 = vector.shape_cast %swap3A_220 : vector<1x16xf32> to vector<16xf32>
          %swap3A_222 = vector.shape_cast %max3A_217 : vector<16xf32> to vector<1x16xf32>
          tpu.vector_store %arg10[%swap3A_218, %swap3A_219], %swap3A_222 {strides = array<i32>} : memref<128x128xf32, #tpu.memory_space<vmem>>, vector<1x16xf32>,
        }
        %scan3A_87 = arith.constant 128 : i32
        %run_scoped3A_88 = arith.constant 0 : i32
        "tpu.region"() ({
          %run_scoped3A_89 = tpu.sem_alloc : memref<!tpu.dma_semaphore, #tpu.memory_space<semaphore_mem>>
          %dma_start3A_90 = arith.constant 0 : i32
          %dma_start3A_91 = tpu.memref_slice %arg8[%run_scoped3A_88, %dma_start3A_90] : memref<1x128xi32, #tpu.memory_space<vmem>> -> memref<1x128xi32, #tpu.memory_space<vmem>>
          %dma_start3A_92 = tpu.memref_squeeze %dma_start3A_91 : memref<1x128xi32, #tpu.memory_space<vmem>> -> memref<128xi32, #tpu.memory_space<vmem>>
          %dma_start3A_93 = arith.constant 0 : i32
          %dma_start3A_94 = arith.constant 0 : i32
          %dma_start3A_95 = tpu.memref_slice %arg12[%dma_start3A_93, %dma_start3A_94] : memref<10000x128xf32, #tpu.memory_space<vmem_shared>> -> memref<10000x128xf32, #tpu.memory_space<vmem_shared>>
          tpu.enqueue_indirect_dma source(%arg10 : memref<128x128xf32, #tpu.memory_space<vmem>>) target(%dma_start3A_95 : memref<10000x128xf32, #tpu.memory_space<vmem_shared>>) offsets(%dma_start3A_92 : memref<128xi32, #tpu.memory_space<vmem>>) semaphore(%run_scoped3A_89 : memref<!tpu.dma_semaphore, #tpu.memory_space<semaphore_mem>>) {add = true}
          %dma_wait3A_96 = arith.constant 0 : i32
          %dma_wait3A_97 = tpu.memref_slice %arg8[%run_scoped3A_88, %dma_wait3A_96] : memref<1x128xi32, #tpu.memory_space<vmem>> -> memref<1x128xi32, #tpu.memory_space<vmem>>
          %dma_wait3A_98 = tpu.memref_squeeze %dma_wait3A_97 : memref<1x128xi32, #tpu.memory_space<vmem>> -> memref<128xi32, #tpu.memory_space<vmem>>
          %dma_wait3A_99 = arith.constant 0 : i32
          %dma_wait3A_100 = arith.constant 0 : i32
          %dma_wait3A_101 = tpu.memref_slice %arg12[%dma_wait3A_99, %dma_wait3A_100] : memref<10000x128xf32, #tpu.memory_space<vmem_shared>> -> memref<10000x128xf32, #tpu.memory_space<vmem_shared>>
          tpu.wait_indirect_dma semaphore(%run_scoped3A_89 : memref<!tpu.dma_semaphore, #tpu.memory_space<semaphore_mem>>) src(%arg10 : memref<128x128xf32, #tpu.memory_space<vmem>>) dst(%dma_wait3A_101 : memref<10000x128xf32, #tpu.memory_space<vmem_shared>>)
          tpu.yield
        }) : () -> ()
      } else {
      }
    }
    %scan3A_25 = arith.constant 79 : i32
    %barrier3A_26 = arith.constant 0 : index
    tpu.barrier barrier_id(%barrier3A_26)
    %add3A_27 = arith.constant 0 : i32
    %add3A_28 = arith.addi %mul3A_7, %add3A_27 : i32
    "tpu.region"() ({
      %run_scoped3A = tpu.sem_alloc : memref<!tpu.dma_semaphore, #tpu.memory_space<semaphore_mem>>
      %dma_start3A = arith.constant 0 : i32
      %dma_start3A_42 = tpu.memref_slice %arg6[%arg0, %add3A_28, %dma_start3A] : memref<2x10000x128xf32, #tpu.memory_space<hbm>> -> memref<1x128x128xf32, #tpu.memory_space<hbm>>
      %dma_start3A_43 = tpu.memref_squeeze %dma_start3A_42 : memref<1x128x128xf32, #tpu.memory_space<hbm>> -> memref<128x128xf32, #tpu.memory_space<hbm>>
      %dma_start3A_44 = arith.constant 0 : i32
      %dma_start3A_45 = tpu.memref_slice %arg12[%add3A_28, %dma_start3A_44] : memref<10000x128xf32, #tpu.memory_space<vmem_shared>> -> memref<128x128xf32, #tpu.memory_space<vmem_shared>>
      tpu.enqueue_dma source(%dma_start3A_45 : memref<128x128xf32, #tpu.memory_space<vmem_shared>>) target(%dma_start3A_43 : memref<128x128xf32, #tpu.memory_space<hbm>>) target_semaphore(%run_scoped3A : memref<!tpu.dma_semaphore, #tpu.memory_space<semaphore_mem>>)
      %dma_wait3A = arith.constant 0 : i32
      %dma_wait3A_46 = tpu.memref_slice %arg6[%arg0, %add3A_28, %dma_wait3A] : memref<2x10000x128xf32, #tpu.memory_space<hbm>> -> memref<1x128x128xf32, #tpu.memory_space<hbm>>
      %dma_wait3A_47 = tpu.memref_squeeze %dma_wait3A_46 : memref<1x128x128xf32, #tpu.memory_space<hbm>> -> memref<128x128xf32, #tpu.memory_space<hbm>>
      %dma_wait3A_48 = arith.constant 0 : i32
      %dma_wait3A_49 = tpu.memref_slice %arg12[%add3A_28, %dma_wait3A_48] : memref<10000x128xf32, #tpu.memory_space<vmem_shared>> -> memref<128x128xf32, #tpu.memory_space<vmem_shared>>
      tpu.wait_dma2 semaphore(%run_scoped3A : memref<!tpu.dma_semaphore, #tpu.memory_space<semaphore_mem>>) src(%dma_wait3A_49 : memref<128x128xf32, #tpu.memory_space<vmem_shared>>) dst(%dma_wait3A_47 : memref<128x128xf32, #tpu.memory_space<hbm>>)
      tpu.yield
    }) : () -> ()
    %add3A_29 = arith.constant 128 : i32
    %add3A_30 = arith.addi %mul3A_7, %add3A_29 : i32
    "tpu.region"() ({
      %run_scoped3A = tpu.sem_alloc : memref<!tpu.dma_semaphore, #tpu.memory_space<semaphore_mem>>
      %dma_start3A = arith.constant 0 : i32
      %dma_start3A_42 = tpu.memref_slice %arg6[%arg0, %add3A_30, %dma_start3A] : memref<2x10000x128xf32, #tpu.memory_space<hbm>> -> memref<1x128x128xf32, #tpu.memory_space<hbm>>
      %dma_start3A_43 = tpu.memref_squeeze %dma_start3A_42 : memref<1x128x128xf32, #tpu.memory_space<hbm>> -> memref<128x128xf32, #tpu.memory_space<hbm>>
      %dma_start3A_44 = arith.constant 0 : i32
      %dma_start3A_45 = tpu.memref_slice %arg12[%add3A_30, %dma_start3A_44] : memref<10000x128xf32, #tpu.memory_space<vmem_shared>> -> memref<128x128xf32, #tpu.memory_space<vmem_shared>>
      tpu.enqueue_dma source(%dma_start3A_45 : memref<128x128xf32, #tpu.memory_space<vmem_shared>>) target(%dma_start3A_43 : memref<128x128xf32, #tpu.memory_space<hbm>>) target_semaphore(%run_scoped3A : memref<!tpu.dma_semaphore, #tpu.memory_space<semaphore_mem>>)
      %dma_wait3A = arith.constant 0 : i32
      %dma_wait3A_46 = tpu.memref_slice %arg6[%arg0, %add3A_30, %dma_wait3A] : memref<2x10000x128xf32, #tpu.memory_space<hbm>> -> memref<1x128x128xf32, #tpu.memory_space<hbm>>
      %dma_wait3A_47 = tpu.memref_squeeze %dma_wait3A_46 : memref<1x128x128xf32, #tpu.memory_space<hbm>> -> memref<128x128xf32, #tpu.memory_space<hbm>>
      %dma_wait3A_48 = arith.constant 0 : i32
      %dma_wait3A_49 = tpu.memref_slice %arg12[%add3A_30, %dma_wait3A_48] : memref<10000x128xf32, #tpu.memory_space<vmem_shared>> -> memref<128x128xf32, #tpu.memory_space<vmem_shared>>
      tpu.wait_dma2 semaphore(%run_scoped3A : memref<!tpu.dma_semaphore, #tpu.memory_space<semaphore_mem>>) src(%dma_wait3A_49 : memref<128x128xf32, #tpu.memory_space<vmem_shared>>) dst(%dma_wait3A_47 : memref<128x128xf32, #tpu.memory_space<hbm>>)
      tpu.yield
    }) : () -> ()
    %add3A_31 = arith.constant 256 : i32
    %add3A_32 = arith.addi %mul3A_7, %add3A_31 : i32
    "tpu.region"() ({
      %run_scoped3A = tpu.sem_alloc : memref<!tpu.dma_semaphore, #tpu.memory_space<semaphore_mem>>
      %dma_start3A = arith.constant 0 : i32
      %dma_start3A_42 = tpu.memref_slice %arg6[%arg0, %add3A_32, %dma_start3A] : memref<2x10000x128xf32, #tpu.memory_space<hbm>> -> memref<1x128x128xf32, #tpu.memory_space<hbm>>
      %dma_start3A_43 = tpu.memref_squeeze %dma_start3A_42 : memref<1x128x128xf32, #tpu.memory_space<hbm>> -> memref<128x128xf32, #tpu.memory_space<hbm>>
      %dma_start3A_44 = arith.constant 0 : i32
      %dma_start3A_45 = tpu.memref_slice %arg12[%add3A_32, %dma_start3A_44] : memref<10000x128xf32, #tpu.memory_space<vmem_shared>> -> memref<128x128xf32, #tpu.memory_space<vmem_shared>>
      tpu.enqueue_dma source(%dma_start3A_45 : memref<128x128xf32, #tpu.memory_space<vmem_shared>>) target(%dma_start3A_43 : memref<128x128xf32, #tpu.memory_space<hbm>>) target_semaphore(%run_scoped3A : memref<!tpu.dma_semaphore, #tpu.memory_space<semaphore_mem>>)
      %dma_wait3A = arith.constant 0 : i32
      %dma_wait3A_46 = tpu.memref_slice %arg6[%arg0, %add3A_32, %dma_wait3A] : memref<2x10000x128xf32, #tpu.memory_space<hbm>> -> memref<1x128x128xf32, #tpu.memory_space<hbm>>
      %dma_wait3A_47 = tpu.memref_squeeze %dma_wait3A_46 : memref<1x128x128xf32, #tpu.memory_space<hbm>> -> memref<128x128xf32, #tpu.memory_space<hbm>>
      %dma_wait3A_48 = arith.constant 0 : i32
      %dma_wait3A_49 = tpu.memref_slice %arg12[%add3A_32, %dma_wait3A_48] : memref<10000x128xf32, #tpu.memory_space<vmem_shared>> -> memref<128x128xf32, #tpu.memory_space<vmem_shared>>
      tpu.wait_dma2 semaphore(%run_scoped3A : memref<!tpu.dma_semaphore, #tpu.memory_space<semaphore_mem>>) src(%dma_wait3A_49 : memref<128x128xf32, #tpu.memory_space<vmem_shared>>) dst(%dma_wait3A_47 : memref<128x128xf32, #tpu.memory_space<hbm>>)
      tpu.yield
    }) : () -> ()
    %add3A_33 = arith.constant 384 : i32
    %add3A_34 = arith.addi %mul3A_7, %add3A_33 : i32
    "tpu.region"() ({
      %run_scoped3A = tpu.sem_alloc : memref<!tpu.dma_semaphore, #tpu.memory_space<semaphore_mem>>
      %dma_start3A = arith.constant 0 : i32
      %dma_start3A_42 = tpu.memref_slice %arg6[%arg0, %add3A_34, %dma_start3A] : memref<2x10000x128xf32, #tpu.memory_space<hbm>> -> memref<1x128x128xf32, #tpu.memory_space<hbm>>
      %dma_start3A_43 = tpu.memref_squeeze %dma_start3A_42 : memref<1x128x128xf32, #tpu.memory_space<hbm>> -> memref<128x128xf32, #tpu.memory_space<hbm>>
      %dma_start3A_44 = arith.constant 0 : i32
      %dma_start3A_45 = tpu.memref_slice %arg12[%add3A_34, %dma_start3A_44] : memref<10000x128xf32, #tpu.memory_space<vmem_shared>> -> memref<128x128xf32, #tpu.memory_space<vmem_shared>>
      tpu.enqueue_dma source(%dma_start3A_45 : memref<128x128xf32, #tpu.memory_space<vmem_shared>>) target(%dma_start3A_43 : memref<128x128xf32, #tpu.memory_space<hbm>>) target_semaphore(%run_scoped3A : memref<!tpu.dma_semaphore, #tpu.memory_space<semaphore_mem>>)
      %dma_wait3A = arith.constant 0 : i32
      %dma_wait3A_46 = tpu.memref_slice %arg6[%arg0, %add3A_34, %dma_wait3A] : memref<2x10000x128xf32, #tpu.memory_space<hbm>> -> memref<1x128x128xf32, #tpu.memory_space<hbm>>
      %dma_wait3A_47 = tpu.memref_squeeze %dma_wait3A_46 : memref<1x128x128xf32, #tpu.memory_space<hbm>> -> memref<128x128xf32, #tpu.memory_space<hbm>>
      %dma_wait3A_48 = arith.constant 0 : i32
      %dma_wait3A_49 = tpu.memref_slice %arg12[%add3A_34, %dma_wait3A_48] : memref<10000x128xf32, #tpu.memory_space<vmem_shared>> -> memref<128x128xf32, #tpu.memory_space<vmem_shared>>
      tpu.wait_dma2 semaphore(%run_scoped3A : memref<!tpu.dma_semaphore, #tpu.memory_space<semaphore_mem>>) src(%dma_wait3A_49 : memref<128x128xf32, #tpu.memory_space<vmem_shared>>) dst(%dma_wait3A_47 : memref<128x128xf32, #tpu.memory_space<hbm>>)
      tpu.yield
    }) : () -> ()
    %add3A_35 = arith.constant 512 : i32
    %add3A_36 = arith.addi %mul3A_7, %add3A_35 : i32
    "tpu.region"() ({
      %run_scoped3A = tpu.sem_alloc : memref<!tpu.dma_semaphore, #tpu.memory_space<semaphore_mem>>
      %dma_start3A = arith.constant 0 : i32
      %dma_start3A_42 = tpu.memref_slice %arg6[%arg0, %add3A_36, %dma_start3A] : memref<2x10000x128xf32, #tpu.memory_space<hbm>> -> memref<1x112x128xf32, #tpu.memory_space<hbm>>
      %dma_start3A_43 = tpu.memref_squeeze %dma_start3A_42 : memref<1x112x128xf32, #tpu.memory_space<hbm>> -> memref<112x128xf32, #tpu.memory_space<hbm>>
      %dma_start3A_44 = arith.constant 0 : i32
      %dma_start3A_45 = tpu.memref_slice %arg12[%add3A_36, %dma_start3A_44] : memref<10000x128xf32, #tpu.memory_space<vmem_shared>> -> memref<112x128xf32, #tpu.memory_space<vmem_shared>>
      tpu.enqueue_dma source(%dma_start3A_45 : memref<112x128xf32, #tpu.memory_space<vmem_shared>>) target(%dma_start3A_43 : memref<112x128xf32, #tpu.memory_space<hbm>>) target_semaphore(%run_scoped3A : memref<!tpu.dma_semaphore, #tpu.memory_space<semaphore_mem>>)
      %dma_wait3A = arith.constant 0 : i32
      %dma_wait3A_46 = tpu.memref_slice %arg6[%arg0, %add3A_36, %dma_wait3A] : memref<2x10000x128xf32, #tpu.memory_space<hbm>> -> memref<1x112x128xf32, #tpu.memory_space<hbm>>
      %dma_wait3A_47 = tpu.memref_squeeze %dma_wait3A_46 : memref<1x112x128xf32, #tpu.memory_space<hbm>> -> memref<112x128xf32, #tpu.memory_space<hbm>>
      %dma_wait3A_48 = arith.constant 0 : i32
      %dma_wait3A_49 = tpu.memref_slice %arg12[%add3A_36, %dma_wait3A_48] : memref<10000x128xf32, #tpu.memory_space<vmem_shared>> -> memref<112x128xf32, #tpu.memory_space<vmem_shared>>
      tpu.wait_dma2 semaphore(%run_scoped3A : memref<!tpu.dma_semaphore, #tpu.memory_space<semaphore_mem>>) src(%dma_wait3A_49 : memref<112x128xf32, #tpu.memory_space<vmem_shared>>) dst(%dma_wait3A_47 : memref<112x128xf32, #tpu.memory_space<hbm>>)
      tpu.yield
    }) : () -> ()
    %eq3A_37 = arith.constant 15 : i32
    %eq3A_38 = arith.cmpi eq, %arg1, %eq3A_37 : i32
    %convert_element_type3A_39 = arith.extui %eq3A_38 : i1 to i32
    %cond3A_40 = arith.constant 0 : i32
    %cond3A_41 = arith.cmpi ne, %convert_element_type3A_39, %cond3A_40 : i32
    scf.if %cond3A_41 {
      "tpu.region"() ({
        %run_scoped3A = tpu.sem_alloc : memref<!tpu.dma_semaphore, #tpu.memory_space<semaphore_mem>>
        %dma_start3A = arith.constant 9984 : i32
        %dma_start3A_42 = arith.constant 0 : i32
        %dma_start3A_43 = tpu.memref_slice %arg6[%arg0, %dma_start3A, %dma_start3A_42] : memref<2x10000x128xf32, #tpu.memory_space<hbm>> -> memref<1x16x128xf32, #tpu.memory_space<hbm>>
        %dma_start3A_44 = tpu.memref_squeeze %dma_start3A_43 : memref<1x16x128xf32, #tpu.memory_space<hbm>> -> memref<16x128xf32, #tpu.memory_space<hbm>>
        %dma_start3A_45 = arith.constant 9984 : i32
        %dma_start3A_46 = arith.constant 0 : i32
        %dma_start3A_47 = tpu.memref_slice %arg12[%dma_start3A_45, %dma_start3A_46] : memref<10000x128xf32, #tpu.memory_space<vmem_shared>> -> memref<16x128xf32, #tpu.memory_space<vmem_shared>>
        tpu.enqueue_dma source(%dma_start3A_47 : memref<16x128xf32, #tpu.memory_space<vmem_shared>>) target(%dma_start3A_44 : memref<16x128xf32, #tpu.memory_space<hbm>>) target_semaphore(%run_scoped3A : memref<!tpu.dma_semaphore, #tpu.memory_space<semaphore_mem>>)
        %dma_wait3A = arith.constant 9984 : i32
        %dma_wait3A_48 = arith.constant 0 : i32
        %dma_wait3A_49 = tpu.memref_slice %arg6[%arg0, %dma_wait3A, %dma_wait3A_48] : memref<2x10000x128xf32, #tpu.memory_space<hbm>> -> memref<1x16x128xf32, #tpu.memory_space<hbm>>
        %dma_wait3A_50 = tpu.memref_squeeze %dma_wait3A_49 : memref<1x16x128xf32, #tpu.memory_space<hbm>> -> memref<16x128xf32, #tpu.memory_space<hbm>>
        %dma_wait3A_51 = arith.constant 9984 : i32
        %dma_wait3A_52 = arith.constant 0 : i32
        %dma_wait3A_53 = tpu.memref_slice %arg12[%dma_wait3A_51, %dma_wait3A_52] : memref<10000x128xf32, #tpu.memory_space<vmem_shared>> -> memref<16x128xf32, #tpu.memory_space<vmem_shared>>
        tpu.wait_dma2 semaphore(%run_scoped3A : memref<!tpu.dma_semaphore, #tpu.memory_space<semaphore_mem>>) src(%dma_wait3A_53 : memref<16x128xf32, #tpu.memory_space<vmem_shared>>) dst(%dma_wait3A_50 : memref<16x128xf32, #tpu.memory_space<hbm>>)
        tpu.yield
      }) : () -> ()
    } else {
    }
    return
  }
}

#map = affine_map<(d0, d1) -> (0, 0)>
#map1 = affine_map<(d0, d1) -> (0)>
#map2 = affine_map<(d0, d1) -> (0, 0, 0)>
module attributes {stable_mosaic.version = 14 : i64} {
  func.func @sc_kernel(%arg0: i32, %arg1: i32, %arg2: memref<10000x128xf32, #tpu.memory_space<hbm>>, %arg3: memref<2x320000xi32, #tpu.memory_space<hbm>>, %arg4: memref<320000xi32, #tpu.memory_space<hbm>>, %arg5: memref<18x128xf32, #tpu.memory_space<hbm>>, %arg6: memref<2x10000x128xf32, #tpu.memory_space<hbm>>, %arg7: memref<1x128xi32, #tpu.memory_space<vmem>>, %arg8: memref<1x128xi32, #tpu.memory_space<vmem>>, %arg9: memref<1x128xi32, #tpu.memory_space<vmem>>, %arg10: memref<128x128xf32, #tpu.memory_space<vmem>>, %arg11: memref<128x128xf32, #tpu.memory_space<vmem>>, %arg12: memref<10000x128xf32, #tpu.memory_space<vmem_shared>>, %arg13: memref<!tpu.dma_semaphore, #tpu.memory_space<semaphore_mem>>, %arg14: memref<!tpu.dma_semaphore, #tpu.memory_space<semaphore_mem>>) attributes {dimension_semantics = [#tpu.dimension_semantics<core_parallel>, #tpu.dimension_semantics<subcore_parallel>], iteration_bounds = array<i64: 2, 16>, scalar_prefetch = 0 : i64, scratch_operands = 8 : i64, tpu.core_type = #tpu.core_type<sc_vector_subcore>, window_params = [{transform_indices = #map}, {transform_indices = #map}, {transform_indices = #map1}, {transform_indices = #map}, {transform_indices = #map2}]} {
    %mul3A = arith.constant 2 : i32
    %mul3A_0 = arith.muli %arg1, %mul3A : i32
    %add3A = arith.addi %mul3A_0, %arg0 : i32
    %scan3A = arith.constant 0 : i32
    %scan3A_1 = arith.constant 0 : i32
    %scan3A_2 = arith.constant 128 : i32
    %scan3A_3 = arith.addi %scan3A_1, %scan3A_2 : i32
    %scan3A_4 = arith.constant 1 : i32
    scf.for %scan3A_42 = %scan3A_1 to %scan3A_3 step %scan3A_4  : i32 {
      %broadcast_in_dim3A = arith.constant 0.000000e+00 : f32
      %broadcast_in_dim3A_43 = vector.broadcast %broadcast_in_dim3A : f32 to vector<16xf32>
      %swap3A = arith.index_cast %scan3A_42 : i32 to index
      %swap3A_44 = arith.constant 0 : index
      %swap3A_45 = tpu.vector_load %arg10[%swap3A, %swap3A_44] {strides = array<i32>} : memref<128x128xf32, #tpu.memory_space<vmem>>, vector<1x16xf32>,
      %swap3A_46 = vector.shape_cast %swap3A_45 : vector<1x16xf32> to vector<16xf32>
      %swap3A_47 = vector.shape_cast %broadcast_in_dim3A_43 : vector<16xf32> to vector<1x16xf32>
      tpu.vector_store %arg10[%swap3A, %swap3A_44], %swap3A_47 {strides = array<i32>} : memref<128x128xf32, #tpu.memory_space<vmem>>, vector<1x16xf32>,
      %broadcast_in_dim3A_48 = arith.constant 0.000000e+00 : f32
      %broadcast_in_dim3A_49 = vector.broadcast %broadcast_in_dim3A_48 : f32 to vector<16xf32>
      %swap3A_50 = arith.index_cast %scan3A_42 : i32 to index
      %swap3A_51 = arith.constant 16 : index
      %swap3A_52 = tpu.vector_load %arg10[%swap3A_50, %swap3A_51] {strides = array<i32>} : memref<128x128xf32, #tpu.memory_space<vmem>>, vector<1x16xf32>,
      %swap3A_53 = vector.shape_cast %swap3A_52 : vector<1x16xf32> to vector<16xf32>
      %swap3A_54 = vector.shape_cast %broadcast_in_dim3A_49 : vector<16xf32> to vector<1x16xf32>
      tpu.vector_store %arg10[%swap3A_50, %swap3A_51], %swap3A_54 {strides = array<i32>} : memref<128x128xf32, #tpu.memory_space<vmem>>, vector<1x16xf32>,
      %broadcast_in_dim3A_55 = arith.constant 0.000000e+00 : f32
      %broadcast_in_dim3A_56 = vector.broadcast %broadcast_in_dim3A_55 : f32 to vector<16xf32>
      %swap3A_57 = arith.index_cast %scan3A_42 : i32 to index
      %swap3A_58 = arith.constant 32 : index
      %swap3A_59 = tpu.vector_load %arg10[%swap3A_57, %swap3A_58] {strides = array<i32>} : memref<128x128xf32, #tpu.memory_space<vmem>>, vector<1x16xf32>,
      %swap3A_60 = vector.shape_cast %swap3A_59 : vector<1x16xf32> to vector<16xf32>
      %swap3A_61 = vector.shape_cast %broadcast_in_dim3A_56 : vector<16xf32> to vector<1x16xf32>
      tpu.vector_store %arg10[%swap3A_57, %swap3A_58], %swap3A_61 {strides = array<i32>} : memref<128x128xf32, #tpu.memory_space<vmem>>, vector<1x16xf32>,
      %broadcast_in_dim3A_62 = arith.constant 0.000000e+00 : f32
      %broadcast_in_dim3A_63 = vector.broadcast %broadcast_in_dim3A_62 : f32 to vector<16xf32>
      %swap3A_64 = arith.index_cast %scan3A_42 : i32 to index
      %swap3A_65 = arith.constant 48 : index
      %swap3A_66 = tpu.vector_load %arg10[%swap3A_64, %swap3A_65] {strides = array<i32>} : memref<128x128xf32, #tpu.memory_space<vmem>>, vector<1x16xf32>,
      %swap3A_67 = vector.shape_cast %swap3A_66 : vector<1x16xf32> to vector<16xf32>
      %swap3A_68 = vector.shape_cast %broadcast_in_dim3A_63 : vector<16xf32> to vector<1x16xf32>
      tpu.vector_store %arg10[%swap3A_64, %swap3A_65], %swap3A_68 {strides = array<i32>} : memref<128x128xf32, #tpu.memory_space<vmem>>, vector<1x16xf32>,
      %broadcast_in_dim3A_69 = arith.constant 0.000000e+00 : f32
      %broadcast_in_dim3A_70 = vector.broadcast %broadcast_in_dim3A_69 : f32 to vector<16xf32>
      %swap3A_71 = arith.index_cast %scan3A_42 : i32 to index
      %swap3A_72 = arith.constant 64 : index
      %swap3A_73 = tpu.vector_load %arg10[%swap3A_71, %swap3A_72] {strides = array<i32>} : memref<128x128xf32, #tpu.memory_space<vmem>>, vector<1x16xf32>,
      %swap3A_74 = vector.shape_cast %swap3A_73 : vector<1x16xf32> to vector<16xf32>
      %swap3A_75 = vector.shape_cast %broadcast_in_dim3A_70 : vector<16xf32> to vector<1x16xf32>
      tpu.vector_store %arg10[%swap3A_71, %swap3A_72], %swap3A_75 {strides = array<i32>} : memref<128x128xf32, #tpu.memory_space<vmem>>, vector<1x16xf32>,
      %broadcast_in_dim3A_76 = arith.constant 0.000000e+00 : f32
      %broadcast_in_dim3A_77 = vector.broadcast %broadcast_in_dim3A_76 : f32 to vector<16xf32>
      %swap3A_78 = arith.index_cast %scan3A_42 : i32 to index
      %swap3A_79 = arith.constant 80 : index
      %swap3A_80 = tpu.vector_load %arg10[%swap3A_78, %swap3A_79] {strides = array<i32>} : memref<128x128xf32, #tpu.memory_space<vmem>>, vector<1x16xf32>,
      %swap3A_81 = vector.shape_cast %swap3A_80 : vector<1x16xf32> to vector<16xf32>
      %swap3A_82 = vector.shape_cast %broadcast_in_dim3A_77 : vector<16xf32> to vector<1x16xf32>
      tpu.vector_store %arg10[%swap3A_78, %swap3A_79], %swap3A_82 {strides = array<i32>} : memref<128x128xf32, #tpu.memory_space<vmem>>, vector<1x16xf32>,
      %broadcast_in_dim3A_83 = arith.constant 0.000000e+00 : f32
      %broadcast_in_dim3A_84 = vector.broadcast %broadcast_in_dim3A_83 : f32 to vector<16xf32>
      %swap3A_85 = arith.index_cast %scan3A_42 : i32 to index
      %swap3A_86 = arith.constant 96 : index
      %swap3A_87 = tpu.vector_load %arg10[%swap3A_85, %swap3A_86] {strides = array<i32>} : memref<128x128xf32, #tpu.memory_space<vmem>>, vector<1x16xf32>,
      %swap3A_88 = vector.shape_cast %swap3A_87 : vector<1x16xf32> to vector<16xf32>
      %swap3A_89 = vector.shape_cast %broadcast_in_dim3A_84 : vector<16xf32> to vector<1x16xf32>
      tpu.vector_store %arg10[%swap3A_85, %swap3A_86], %swap3A_89 {strides = array<i32>} : memref<128x128xf32, #tpu.memory_space<vmem>>, vector<1x16xf32>,
      %broadcast_in_dim3A_90 = arith.constant 0.000000e+00 : f32
      %broadcast_in_dim3A_91 = vector.broadcast %broadcast_in_dim3A_90 : f32 to vector<16xf32>
      %swap3A_92 = arith.index_cast %scan3A_42 : i32 to index
      %swap3A_93 = arith.constant 112 : index
      %swap3A_94 = tpu.vector_load %arg10[%swap3A_92, %swap3A_93] {strides = array<i32>} : memref<128x128xf32, #tpu.memory_space<vmem>>, vector<1x16xf32>,
      %swap3A_95 = vector.shape_cast %swap3A_94 : vector<1x16xf32> to vector<16xf32>
      %swap3A_96 = vector.shape_cast %broadcast_in_dim3A_91 : vector<16xf32> to vector<1x16xf32>
      tpu.vector_store %arg10[%swap3A_92, %swap3A_93], %swap3A_96 {strides = array<i32>} : memref<128x128xf32, #tpu.memory_space<vmem>>, vector<1x16xf32>,
    }
    %scan3A_5 = arith.constant 128 : i32
    %mul3A_6 = arith.constant 624 : i32
    %mul3A_7 = arith.muli %arg1, %mul3A_6 : i32
    %add3A_8 = arith.constant 0 : i32
    %add3A_9 = arith.addi %mul3A_7, %add3A_8 : i32
    "tpu.region"() ({
      %run_scoped3A = tpu.sem_alloc : memref<!tpu.dma_semaphore, #tpu.memory_space<semaphore_mem>>
      %dma_start3A = arith.constant 0 : i32
      %dma_start3A_42 = tpu.memref_slice %arg12[%add3A_9, %dma_start3A] : memref<10000x128xf32, #tpu.memory_space<vmem_shared>> -> memref<128x128xf32, #tpu.memory_space<vmem_shared>>
      %dma_start3A_43 = arith.constant 0 : i32
      %dma_start3A_44 = tpu.memref_slice %arg12[%add3A_9, %dma_start3A_43] : memref<10000x128xf32, #tpu.memory_space<vmem_shared>> -> memref<128x128xf32, #tpu.memory_space<vmem_shared>>
      tpu.enqueue_dma source(%arg10 : memref<128x128xf32, #tpu.memory_space<vmem>>) target(%dma_start3A_44 : memref<128x128xf32, #tpu.memory_space<vmem_shared>>) target_semaphore(%run_scoped3A : memref<!tpu.dma_semaphore, #tpu.memory_space<semaphore_mem>>)
      %dma_wait3A = arith.constant 0 : i32
      %dma_wait3A_45 = tpu.memref_slice %arg12[%add3A_9, %dma_wait3A] : memref<10000x128xf32, #tpu.memory_space<vmem_shared>> -> memref<128x128xf32, #tpu.memory_space<vmem_shared>>
      %dma_wait3A_46 = arith.constant 0 : i32
      %dma_wait3A_47 = tpu.memref_slice %arg12[%add3A_9, %dma_wait3A_46] : memref<10000x128xf32, #tpu.memory_space<vmem_shared>> -> memref<128x128xf32, #tpu.memory_space<vmem_shared>>
      tpu.wait_dma2 semaphore(%run_scoped3A : memref<!tpu.dma_semaphore, #tpu.memory_space<semaphore_mem>>) src(%arg10 : memref<128x128xf32, #tpu.memory_space<vmem>>) dst(%dma_wait3A_47 : memref<128x128xf32, #tpu.memory_space<vmem_shared>>)
      tpu.yield
    }) : () -> ()
    %add3A_10 = arith.constant 128 : i32
    %add3A_11 = arith.addi %mul3A_7, %add3A_10 : i32
    "tpu.region"() ({
      %run_scoped3A = tpu.sem_alloc : memref<!tpu.dma_semaphore, #tpu.memory_space<semaphore_mem>>
      %dma_start3A = arith.constant 0 : i32
      %dma_start3A_42 = tpu.memref_slice %arg12[%add3A_11, %dma_start3A] : memref<10000x128xf32, #tpu.memory_space<vmem_shared>> -> memref<128x128xf32, #tpu.memory_space<vmem_shared>>
      %dma_start3A_43 = arith.constant 0 : i32
      %dma_start3A_44 = tpu.memref_slice %arg12[%add3A_11, %dma_start3A_43] : memref<10000x128xf32, #tpu.memory_space<vmem_shared>> -> memref<128x128xf32, #tpu.memory_space<vmem_shared>>
      tpu.enqueue_dma source(%arg10 : memref<128x128xf32, #tpu.memory_space<vmem>>) target(%dma_start3A_44 : memref<128x128xf32, #tpu.memory_space<vmem_shared>>) target_semaphore(%run_scoped3A : memref<!tpu.dma_semaphore, #tpu.memory_space<semaphore_mem>>)
      %dma_wait3A = arith.constant 0 : i32
      %dma_wait3A_45 = tpu.memref_slice %arg12[%add3A_11, %dma_wait3A] : memref<10000x128xf32, #tpu.memory_space<vmem_shared>> -> memref<128x128xf32, #tpu.memory_space<vmem_shared>>
      %dma_wait3A_46 = arith.constant 0 : i32
      %dma_wait3A_47 = tpu.memref_slice %arg12[%add3A_11, %dma_wait3A_46] : memref<10000x128xf32, #tpu.memory_space<vmem_shared>> -> memref<128x128xf32, #tpu.memory_space<vmem_shared>>
      tpu.wait_dma2 semaphore(%run_scoped3A : memref<!tpu.dma_semaphore, #tpu.memory_space<semaphore_mem>>) src(%arg10 : memref<128x128xf32, #tpu.memory_space<vmem>>) dst(%dma_wait3A_47 : memref<128x128xf32, #tpu.memory_space<vmem_shared>>)
      tpu.yield
    }) : () -> ()
    %add3A_12 = arith.constant 256 : i32
    %add3A_13 = arith.addi %mul3A_7, %add3A_12 : i32
    "tpu.region"() ({
      %run_scoped3A = tpu.sem_alloc : memref<!tpu.dma_semaphore, #tpu.memory_space<semaphore_mem>>
      %dma_start3A = arith.constant 0 : i32
      %dma_start3A_42 = tpu.memref_slice %arg12[%add3A_13, %dma_start3A] : memref<10000x128xf32, #tpu.memory_space<vmem_shared>> -> memref<128x128xf32, #tpu.memory_space<vmem_shared>>
      %dma_start3A_43 = arith.constant 0 : i32
      %dma_start3A_44 = tpu.memref_slice %arg12[%add3A_13, %dma_start3A_43] : memref<10000x128xf32, #tpu.memory_space<vmem_shared>> -> memref<128x128xf32, #tpu.memory_space<vmem_shared>>
      tpu.enqueue_dma source(%arg10 : memref<128x128xf32, #tpu.memory_space<vmem>>) target(%dma_start3A_44 : memref<128x128xf32, #tpu.memory_space<vmem_shared>>) target_semaphore(%run_scoped3A : memref<!tpu.dma_semaphore, #tpu.memory_space<semaphore_mem>>)
      %dma_wait3A = arith.constant 0 : i32
      %dma_wait3A_45 = tpu.memref_slice %arg12[%add3A_13, %dma_wait3A] : memref<10000x128xf32, #tpu.memory_space<vmem_shared>> -> memref<128x128xf32, #tpu.memory_space<vmem_shared>>
      %dma_wait3A_46 = arith.constant 0 : i32
      %dma_wait3A_47 = tpu.memref_slice %arg12[%add3A_13, %dma_wait3A_46] : memref<10000x128xf32, #tpu.memory_space<vmem_shared>> -> memref<128x128xf32, #tpu.memory_space<vmem_shared>>
      tpu.wait_dma2 semaphore(%run_scoped3A : memref<!tpu.dma_semaphore, #tpu.memory_space<semaphore_mem>>) src(%arg10 : memref<128x128xf32, #tpu.memory_space<vmem>>) dst(%dma_wait3A_47 : memref<128x128xf32, #tpu.memory_space<vmem_shared>>)
      tpu.yield
    }) : () -> ()
    %add3A_14 = arith.constant 384 : i32
    %add3A_15 = arith.addi %mul3A_7, %add3A_14 : i32
    "tpu.region"() ({
      %run_scoped3A = tpu.sem_alloc : memref<!tpu.dma_semaphore, #tpu.memory_space<semaphore_mem>>
      %dma_start3A = arith.constant 0 : i32
      %dma_start3A_42 = tpu.memref_slice %arg12[%add3A_15, %dma_start3A] : memref<10000x128xf32, #tpu.memory_space<vmem_shared>> -> memref<128x128xf32, #tpu.memory_space<vmem_shared>>
      %dma_start3A_43 = arith.constant 0 : i32
      %dma_start3A_44 = tpu.memref_slice %arg12[%add3A_15, %dma_start3A_43] : memref<10000x128xf32, #tpu.memory_space<vmem_shared>> -> memref<128x128xf32, #tpu.memory_space<vmem_shared>>
      tpu.enqueue_dma source(%arg10 : memref<128x128xf32, #tpu.memory_space<vmem>>) target(%dma_start3A_44 : memref<128x128xf32, #tpu.memory_space<vmem_shared>>) target_semaphore(%run_scoped3A : memref<!tpu.dma_semaphore, #tpu.memory_space<semaphore_mem>>)
      %dma_wait3A = arith.constant 0 : i32
      %dma_wait3A_45 = tpu.memref_slice %arg12[%add3A_15, %dma_wait3A] : memref<10000x128xf32, #tpu.memory_space<vmem_shared>> -> memref<128x128xf32, #tpu.memory_space<vmem_shared>>
      %dma_wait3A_46 = arith.constant 0 : i32
      %dma_wait3A_47 = tpu.memref_slice %arg12[%add3A_15, %dma_wait3A_46] : memref<10000x128xf32, #tpu.memory_space<vmem_shared>> -> memref<128x128xf32, #tpu.memory_space<vmem_shared>>
      tpu.wait_dma2 semaphore(%run_scoped3A : memref<!tpu.dma_semaphore, #tpu.memory_space<semaphore_mem>>) src(%arg10 : memref<128x128xf32, #tpu.memory_space<vmem>>) dst(%dma_wait3A_47 : memref<128x128xf32, #tpu.memory_space<vmem_shared>>)
      tpu.yield
    }) : () -> ()
    %add3A_16 = arith.constant 512 : i32
    %add3A_17 = arith.addi %mul3A_7, %add3A_16 : i32
    "tpu.region"() ({
      %run_scoped3A = tpu.sem_alloc : memref<!tpu.dma_semaphore, #tpu.memory_space<semaphore_mem>>
      %dma_start3A = arith.constant 0 : i32
      %dma_start3A_42 = arith.constant 0 : i32
      %dma_start3A_43 = tpu.memref_slice %arg10[%dma_start3A, %dma_start3A_42] : memref<128x128xf32, #tpu.memory_space<vmem>> -> memref<112x128xf32, #tpu.memory_space<vmem>>
      %dma_start3A_44 = arith.constant 0 : i32
      %dma_start3A_45 = tpu.memref_slice %arg12[%add3A_17, %dma_start3A_44] : memref<10000x128xf32, #tpu.memory_space<vmem_shared>> -> memref<112x128xf32, #tpu.memory_space<vmem_shared>>
      %dma_start3A_46 = arith.constant 0 : i32
      %dma_start3A_47 = tpu.memref_slice %arg12[%add3A_17, %dma_start3A_46] : memref<10000x128xf32, #tpu.memory_space<vmem_shared>> -> memref<112x128xf32, #tpu.memory_space<vmem_shared>>
      %dma_start3A_48 = arith.constant 0 : i32
      %dma_start3A_49 = arith.constant 0 : i32
      %dma_start3A_50 = tpu.memref_slice %arg10[%dma_start3A_48, %dma_start3A_49] : memref<128x128xf32, #tpu.memory_space<vmem>> -> memref<112x128xf32, #tpu.memory_space<vmem>>
      tpu.enqueue_dma source(%dma_start3A_50 : memref<112x128xf32, #tpu.memory_space<vmem>>) target(%dma_start3A_47 : memref<112x128xf32, #tpu.memory_space<vmem_shared>>) target_semaphore(%run_scoped3A : memref<!tpu.dma_semaphore, #tpu.memory_space<semaphore_mem>>)
      %dma_wait3A = arith.constant 0 : i32
      %dma_wait3A_51 = arith.constant 0 : i32
      %dma_wait3A_52 = tpu.memref_slice %arg10[%dma_wait3A, %dma_wait3A_51] : memref<128x128xf32, #tpu.memory_space<vmem>> -> memref<112x128xf32, #tpu.memory_space<vmem>>
      %dma_wait3A_53 = arith.constant 0 : i32
      %dma_wait3A_54 = tpu.memref_slice %arg12[%add3A_17, %dma_wait3A_53] : memref<10000x128xf32, #tpu.memory_space<vmem_shared>> -> memref<112x128xf32, #tpu.memory_space<vmem_shared>>
      %dma_wait3A_55 = arith.constant 0 : i32
      %dma_wait3A_56 = tpu.memref_slice %arg12[%add3A_17, %dma_wait3A_55] : memref<10000x128xf32, #tpu.memory_space<vmem_shared>> -> memref<112x128xf32, #tpu.memory_space<vmem_shared>>
      %dma_wait3A_57 = arith.constant 0 : i32
      %dma_wait3A_58 = arith.constant 0 : i32
      %dma_wait3A_59 = tpu.memref_slice %arg10[%dma_wait3A_57, %dma_wait3A_58] : memref<128x128xf32, #tpu.memory_space<vmem>> -> memref<112x128xf32, #tpu.memory_space<vmem>>
      tpu.wait_dma2 semaphore(%run_scoped3A : memref<!tpu.dma_semaphore, #tpu.memory_space<semaphore_mem>>) src(%dma_wait3A_59 : memref<112x128xf32, #tpu.memory_space<vmem>>) dst(%dma_wait3A_56 : memref<112x128xf32, #tpu.memory_space<vmem_shared>>)
      tpu.yield
    }) : () -> ()
    %eq3A = arith.constant 15 : i32
    %eq3A_18 = arith.cmpi eq, %arg1, %eq3A : i32
    %convert_element_type3A = arith.extui %eq3A_18 : i1 to i32
    %cond3A = arith.constant 0 : i32
    %cond3A_19 = arith.cmpi ne, %convert_element_type3A, %cond3A : i32
    scf.if %cond3A_19 {
      "tpu.region"() ({
        %run_scoped3A = tpu.sem_alloc : memref<!tpu.dma_semaphore, #tpu.memory_space<semaphore_mem>>
        %dma_start3A = arith.constant 0 : i32
        %dma_start3A_42 = arith.constant 0 : i32
        %dma_start3A_43 = tpu.memref_slice %arg10[%dma_start3A, %dma_start3A_42] : memref<128x128xf32, #tpu.memory_space<vmem>> -> memref<16x128xf32, #tpu.memory_space<vmem>>
        %dma_start3A_44 = arith.constant 9984 : i32
        %dma_start3A_45 = arith.constant 0 : i32
        %dma_start3A_46 = tpu.memref_slice %arg12[%dma_start3A_44, %dma_start3A_45] : memref<10000x128xf32, #tpu.memory_space<vmem_shared>> -> memref<16x128xf32, #tpu.memory_space<vmem_shared>>
        %dma_start3A_47 = arith.constant 9984 : i32
        %dma_start3A_48 = arith.constant 0 : i32
        %dma_start3A_49 = tpu.memref_slice %arg12[%dma_start3A_47, %dma_start3A_48] : memref<10000x128xf32, #tpu.memory_space<vmem_shared>> -> memref<16x128xf32, #tpu.memory_space<vmem_shared>>
        %dma_start3A_50 = arith.constant 0 : i32
        %dma_start3A_51 = arith.constant 0 : i32
        %dma_start3A_52 = tpu.memref_slice %arg10[%dma_start3A_50, %dma_start3A_51] : memref<128x128xf32, #tpu.memory_space<vmem>> -> memref<16x128xf32, #tpu.memory_space<vmem>>
        tpu.enqueue_dma source(%dma_start3A_52 : memref<16x128xf32, #tpu.memory_space<vmem>>) target(%dma_start3A_49 : memref<16x128xf32, #tpu.memory_space<vmem_shared>>) target_semaphore(%run_scoped3A : memref<!tpu.dma_semaphore, #tpu.memory_space<semaphore_mem>>)
        %dma_wait3A = arith.constant 0 : i32
        %dma_wait3A_53 = arith.constant 0 : i32
        %dma_wait3A_54 = tpu.memref_slice %arg10[%dma_wait3A, %dma_wait3A_53] : memref<128x128xf32, #tpu.memory_space<vmem>> -> memref<16x128xf32, #tpu.memory_space<vmem>>
        %dma_wait3A_55 = arith.constant 9984 : i32
        %dma_wait3A_56 = arith.constant 0 : i32
        %dma_wait3A_57 = tpu.memref_slice %arg12[%dma_wait3A_55, %dma_wait3A_56] : memref<10000x128xf32, #tpu.memory_space<vmem_shared>> -> memref<16x128xf32, #tpu.memory_space<vmem_shared>>
        %dma_wait3A_58 = arith.constant 9984 : i32
        %dma_wait3A_59 = arith.constant 0 : i32
        %dma_wait3A_60 = tpu.memref_slice %arg12[%dma_wait3A_58, %dma_wait3A_59] : memref<10000x128xf32, #tpu.memory_space<vmem_shared>> -> memref<16x128xf32, #tpu.memory_space<vmem_shared>>
        %dma_wait3A_61 = arith.constant 0 : i32
        %dma_wait3A_62 = arith.constant 0 : i32
        %dma_wait3A_63 = tpu.memref_slice %arg10[%dma_wait3A_61, %dma_wait3A_62] : memref<128x128xf32, #tpu.memory_space<vmem>> -> memref<16x128xf32, #tpu.memory_space<vmem>>
        tpu.wait_dma2 semaphore(%run_scoped3A : memref<!tpu.dma_semaphore, #tpu.memory_space<semaphore_mem>>) src(%dma_wait3A_63 : memref<16x128xf32, #tpu.memory_space<vmem>>) dst(%dma_wait3A_60 : memref<16x128xf32, #tpu.memory_space<vmem_shared>>)
        tpu.yield
      }) : () -> ()
    } else {
    }
    %barrier3A = arith.constant 0 : index
    tpu.barrier barrier_id(%barrier3A)
    %scan3A_20 = arith.constant 0 : i32
    %scan3A_21 = arith.constant 0 : i32
    %scan3A_22 = arith.constant 79 : i32
    %scan3A_23 = arith.addi %scan3A_21, %scan3A_22 : i32
    %scan3A_24 = arith.constant 1 : i32
    scf.for %scan3A_42 = %scan3A_21 to %scan3A_23 step %scan3A_24  : i32 {
      %mul3A_43 = arith.constant 32 : i32
      %mul3A_44 = arith.muli %scan3A_42, %mul3A_43 : i32
      %add3A_45 = arith.addi %mul3A_44, %add3A : i32
      %lt3A = arith.constant 2500 : i32
      %lt3A_46 = arith.cmpi slt, %add3A_45, %lt3A : i32
      %convert_element_type3A_47 = arith.extui %lt3A_46 : i1 to i32
      %cond3A_48 = arith.constant 0 : i32
      %cond3A_49 = arith.cmpi ne, %convert_element_type3A_47, %cond3A_48 : i32
      scf.if %cond3A_49 {
        %mul3A_50 = arith.constant 128 : i32
        %mul3A_51 = arith.muli %add3A_45, %mul3A_50 : i32
        %run_scoped3A = arith.constant 0 : i32
        %run_scoped3A_52 = arith.constant 0 : i32
        "tpu.region"() ({
          %run_scoped3A_89 = tpu.sem_alloc : memref<!tpu.dma_semaphore, #tpu.memory_space<semaphore_mem>>
          %dma_start3A_90 = arith.constant 0 : i32
          %dma_start3A_91 = tpu.memref_slice %arg7[%run_scoped3A_52, %dma_start3A_90] : memref<1x128xi32, #tpu.memory_space<vmem>> -> memref<1x128xi32, #tpu.memory_space<vmem>>
          %dma_start3A_92 = tpu.memref_squeeze %dma_start3A_91 : memref<1x128xi32, #tpu.memory_space<vmem>> -> memref<128xi32, #tpu.memory_space<vmem>>
          %dma_start3A_93 = tpu.memref_slice %arg3[%run_scoped3A, %mul3A_51] : memref<2x320000xi32, #tpu.memory_space<hbm>> -> memref<1x128xi32, #tpu.memory_space<hbm>>
          %dma_start3A_94 = tpu.memref_squeeze %dma_start3A_93 : memref<1x128xi32, #tpu.memory_space<hbm>> -> memref<128xi32, #tpu.memory_space<hbm>>
          %dma_start3A_95 = arith.constant 0 : i32
          %dma_start3A_96 = tpu.memref_slice %arg7[%run_scoped3A_52, %dma_start3A_95] : memref<1x128xi32, #tpu.memory_space<vmem>> -> memref<1x128xi32, #tpu.memory_space<vmem>>
          %dma_start3A_97 = tpu.memref_squeeze %dma_start3A_96 : memref<1x128xi32, #tpu.memory_space<vmem>> -> memref<128xi32, #tpu.memory_space<vmem>>
          %dma_start3A_98 = tpu.memref_slice %arg3[%run_scoped3A, %mul3A_51] : memref<2x320000xi32, #tpu.memory_space<hbm>> -> memref<1x128xi32, #tpu.memory_space<hbm>>
          %dma_start3A_99 = tpu.memref_squeeze %dma_start3A_98 : memref<1x128xi32, #tpu.memory_space<hbm>> -> memref<128xi32, #tpu.memory_space<hbm>>
          tpu.enqueue_dma source(%dma_start3A_99 : memref<128xi32, #tpu.memory_space<hbm>>) target(%dma_start3A_97 : memref<128xi32, #tpu.memory_space<vmem>>) target_semaphore(%run_scoped3A_89 : memref<!tpu.dma_semaphore, #tpu.memory_space<semaphore_mem>>)
          %dma_wait3A_100 = arith.constant 0 : i32
          %dma_wait3A_101 = tpu.memref_slice %arg7[%run_scoped3A_52, %dma_wait3A_100] : memref<1x128xi32, #tpu.memory_space<vmem>> -> memref<1x128xi32, #tpu.memory_space<vmem>>
          %dma_wait3A_102 = tpu.memref_squeeze %dma_wait3A_101 : memref<1x128xi32, #tpu.memory_space<vmem>> -> memref<128xi32, #tpu.memory_space<vmem>>
          %dma_wait3A_103 = tpu.memref_slice %arg3[%run_scoped3A, %mul3A_51] : memref<2x320000xi32, #tpu.memory_space<hbm>> -> memref<1x128xi32, #tpu.memory_space<hbm>>
          %dma_wait3A_104 = tpu.memref_squeeze %dma_wait3A_103 : memref<1x128xi32, #tpu.memory_space<hbm>> -> memref<128xi32, #tpu.memory_space<hbm>>
          %dma_wait3A_105 = arith.constant 0 : i32
          %dma_wait3A_106 = tpu.memref_slice %arg7[%run_scoped3A_52, %dma_wait3A_105] : memref<1x128xi32, #tpu.memory_space<vmem>> -> memref<1x128xi32, #tpu.memory_space<vmem>>
          %dma_wait3A_107 = tpu.memref_squeeze %dma_wait3A_106 : memref<1x128xi32, #tpu.memory_space<vmem>> -> memref<128xi32, #tpu.memory_space<vmem>>
          %dma_wait3A_108 = tpu.memref_slice %arg3[%run_scoped3A, %mul3A_51] : memref<2x320000xi32, #tpu.memory_space<hbm>> -> memref<1x128xi32, #tpu.memory_space<hbm>>
          %dma_wait3A_109 = tpu.memref_squeeze %dma_wait3A_108 : memref<1x128xi32, #tpu.memory_space<hbm>> -> memref<128xi32, #tpu.memory_space<hbm>>
          tpu.wait_dma2 semaphore(%run_scoped3A_89 : memref<!tpu.dma_semaphore, #tpu.memory_space<semaphore_mem>>) src(%dma_wait3A_109 : memref<128xi32, #tpu.memory_space<hbm>>) dst(%dma_wait3A_107 : memref<128xi32, #tpu.memory_space<vmem>>)
          tpu.yield
        }) : () -> ()
        %run_scoped3A_53 = arith.constant 1 : i32
        %run_scoped3A_54 = arith.constant 0 : i32
        "tpu.region"() ({
          %run_scoped3A_89 = tpu.sem_alloc : memref<!tpu.dma_semaphore, #tpu.memory_space<semaphore_mem>>
          %dma_start3A_90 = arith.constant 0 : i32
          %dma_start3A_91 = tpu.memref_slice %arg8[%run_scoped3A_54, %dma_start3A_90] : memref<1x128xi32, #tpu.memory_space<vmem>> -> memref<1x128xi32, #tpu.memory_space<vmem>>
          %dma_start3A_92 = tpu.memref_squeeze %dma_start3A_91 : memref<1x128xi32, #tpu.memory_space<vmem>> -> memref<128xi32, #tpu.memory_space<vmem>>
          %dma_start3A_93 = tpu.memref_slice %arg3[%run_scoped3A_53, %mul3A_51] : memref<2x320000xi32, #tpu.memory_space<hbm>> -> memref<1x128xi32, #tpu.memory_space<hbm>>
          %dma_start3A_94 = tpu.memref_squeeze %dma_start3A_93 : memref<1x128xi32, #tpu.memory_space<hbm>> -> memref<128xi32, #tpu.memory_space<hbm>>
          %dma_start3A_95 = arith.constant 0 : i32
          %dma_start3A_96 = tpu.memref_slice %arg8[%run_scoped3A_54, %dma_start3A_95] : memref<1x128xi32, #tpu.memory_space<vmem>> -> memref<1x128xi32, #tpu.memory_space<vmem>>
          %dma_start3A_97 = tpu.memref_squeeze %dma_start3A_96 : memref<1x128xi32, #tpu.memory_space<vmem>> -> memref<128xi32, #tpu.memory_space<vmem>>
          %dma_start3A_98 = tpu.memref_slice %arg3[%run_scoped3A_53, %mul3A_51] : memref<2x320000xi32, #tpu.memory_space<hbm>> -> memref<1x128xi32, #tpu.memory_space<hbm>>
          %dma_start3A_99 = tpu.memref_squeeze %dma_start3A_98 : memref<1x128xi32, #tpu.memory_space<hbm>> -> memref<128xi32, #tpu.memory_space<hbm>>
          tpu.enqueue_dma source(%dma_start3A_99 : memref<128xi32, #tpu.memory_space<hbm>>) target(%dma_start3A_97 : memref<128xi32, #tpu.memory_space<vmem>>) target_semaphore(%run_scoped3A_89 : memref<!tpu.dma_semaphore, #tpu.memory_space<semaphore_mem>>)
          %dma_wait3A_100 = arith.constant 0 : i32
          %dma_wait3A_101 = tpu.memref_slice %arg8[%run_scoped3A_54, %dma_wait3A_100] : memref<1x128xi32, #tpu.memory_space<vmem>> -> memref<1x128xi32, #tpu.memory_space<vmem>>
          %dma_wait3A_102 = tpu.memref_squeeze %dma_wait3A_101 : memref<1x128xi32, #tpu.memory_space<vmem>> -> memref<128xi32, #tpu.memory_space<vmem>>
          %dma_wait3A_103 = tpu.memref_slice %arg3[%run_scoped3A_53, %mul3A_51] : memref<2x320000xi32, #tpu.memory_space<hbm>> -> memref<1x128xi32, #tpu.memory_space<hbm>>
          %dma_wait3A_104 = tpu.memref_squeeze %dma_wait3A_103 : memref<1x128xi32, #tpu.memory_space<hbm>> -> memref<128xi32, #tpu.memory_space<hbm>>
          %dma_wait3A_105 = arith.constant 0 : i32
          %dma_wait3A_106 = tpu.memref_slice %arg8[%run_scoped3A_54, %dma_wait3A_105] : memref<1x128xi32, #tpu.memory_space<vmem>> -> memref<1x128xi32, #tpu.memory_space<vmem>>
          %dma_wait3A_107 = tpu.memref_squeeze %dma_wait3A_106 : memref<1x128xi32, #tpu.memory_space<vmem>> -> memref<128xi32, #tpu.memory_space<vmem>>
          %dma_wait3A_108 = tpu.memref_slice %arg3[%run_scoped3A_53, %mul3A_51] : memref<2x320000xi32, #tpu.memory_space<hbm>> -> memref<1x128xi32, #tpu.memory_space<hbm>>
          %dma_wait3A_109 = tpu.memref_squeeze %dma_wait3A_108 : memref<1x128xi32, #tpu.memory_space<hbm>> -> memref<128xi32, #tpu.memory_space<hbm>>
          tpu.wait_dma2 semaphore(%run_scoped3A_89 : memref<!tpu.dma_semaphore, #tpu.memory_space<semaphore_mem>>) src(%dma_wait3A_109 : memref<128xi32, #tpu.memory_space<hbm>>) dst(%dma_wait3A_107 : memref<128xi32, #tpu.memory_space<vmem>>)
          tpu.yield
        }) : () -> ()
        %run_scoped3A_55 = arith.constant 0 : i32
        "tpu.region"() ({
          %run_scoped3A_89 = tpu.sem_alloc : memref<!tpu.dma_semaphore, #tpu.memory_space<semaphore_mem>>
          %dma_start3A_90 = arith.constant 0 : i32
          %dma_start3A_91 = tpu.memref_slice %arg9[%run_scoped3A_55, %dma_start3A_90] : memref<1x128xi32, #tpu.memory_space<vmem>> -> memref<1x128xi32, #tpu.memory_space<vmem>>
          %dma_start3A_92 = tpu.memref_squeeze %dma_start3A_91 : memref<1x128xi32, #tpu.memory_space<vmem>> -> memref<128xi32, #tpu.memory_space<vmem>>
          %dma_start3A_93 = tpu.memref_slice %arg4[%mul3A_51] : memref<320000xi32, #tpu.memory_space<hbm>> -> memref<128xi32, #tpu.memory_space<hbm>>
          %dma_start3A_94 = arith.constant 0 : i32
          %dma_start3A_95 = tpu.memref_slice %arg9[%run_scoped3A_55, %dma_start3A_94] : memref<1x128xi32, #tpu.memory_space<vmem>> -> memref<1x128xi32, #tpu.memory_space<vmem>>
          %dma_start3A_96 = tpu.memref_squeeze %dma_start3A_95 : memref<1x128xi32, #tpu.memory_space<vmem>> -> memref<128xi32, #tpu.memory_space<vmem>>
          %dma_start3A_97 = tpu.memref_slice %arg4[%mul3A_51] : memref<320000xi32, #tpu.memory_space<hbm>> -> memref<128xi32, #tpu.memory_space<hbm>>
          tpu.enqueue_dma source(%dma_start3A_97 : memref<128xi32, #tpu.memory_space<hbm>>) target(%dma_start3A_96 : memref<128xi32, #tpu.memory_space<vmem>>) target_semaphore(%run_scoped3A_89 : memref<!tpu.dma_semaphore, #tpu.memory_space<semaphore_mem>>)
          %dma_wait3A_98 = arith.constant 0 : i32
          %dma_wait3A_99 = tpu.memref_slice %arg9[%run_scoped3A_55, %dma_wait3A_98] : memref<1x128xi32, #tpu.memory_space<vmem>> -> memref<1x128xi32, #tpu.memory_space<vmem>>
          %dma_wait3A_100 = tpu.memref_squeeze %dma_wait3A_99 : memref<1x128xi32, #tpu.memory_space<vmem>> -> memref<128xi32, #tpu.memory_space<vmem>>
          %dma_wait3A_101 = tpu.memref_slice %arg4[%mul3A_51] : memref<320000xi32, #tpu.memory_space<hbm>> -> memref<128xi32, #tpu.memory_space<hbm>>
          %dma_wait3A_102 = arith.constant 0 : i32
          %dma_wait3A_103 = tpu.memref_slice %arg9[%run_scoped3A_55, %dma_wait3A_102] : memref<1x128xi32, #tpu.memory_space<vmem>> -> memref<1x128xi32, #tpu.memory_space<vmem>>
          %dma_wait3A_104 = tpu.memref_squeeze %dma_wait3A_103 : memref<1x128xi32, #tpu.memory_space<vmem>> -> memref<128xi32, #tpu.memory_space<vmem>>
          %dma_wait3A_105 = tpu.memref_slice %arg4[%mul3A_51] : memref<320000xi32, #tpu.memory_space<hbm>> -> memref<128xi32, #tpu.memory_space<hbm>>
          tpu.wait_dma2 semaphore(%run_scoped3A_89 : memref<!tpu.dma_semaphore, #tpu.memory_space<semaphore_mem>>) src(%dma_wait3A_105 : memref<128xi32, #tpu.memory_space<hbm>>) dst(%dma_wait3A_104 : memref<128xi32, #tpu.memory_space<vmem>>)
          tpu.yield
        }) : () -> ()
        %dma_start3A = arith.constant 0 : i32
        %dma_start3A_56 = arith.constant 0 : i32
        %dma_start3A_57 = tpu.memref_slice %arg9[%dma_start3A, %dma_start3A_56] : memref<1x128xi32, #tpu.memory_space<vmem>> -> memref<1x128xi32, #tpu.memory_space<vmem>>
        %dma_start3A_58 = tpu.memref_squeeze %dma_start3A_57 : memref<1x128xi32, #tpu.memory_space<vmem>> -> memref<128xi32, #tpu.memory_space<vmem>>
        %dma_start3A_59 = arith.constant 0 : i32
        %dma_start3A_60 = arith.constant 0 : i32
        %dma_start3A_61 = tpu.memref_slice %arg5[%dma_start3A_59, %dma_start3A_60] : memref<18x128xf32, #tpu.memory_space<hbm>> -> memref<18x128xf32, #tpu.memory_space<hbm>>
        tpu.enqueue_indirect_dma source(%dma_start3A_61 : memref<18x128xf32, #tpu.memory_space<hbm>>) target(%arg10 : memref<128x128xf32, #tpu.memory_space<vmem>>) offsets(%dma_start3A_58 : memref<128xi32, #tpu.memory_space<vmem>>) semaphore(%arg13 : memref<!tpu.dma_semaphore, #tpu.memory_space<semaphore_mem>>)
        %dma_start3A_62 = arith.constant 0 : i32
        %dma_start3A_63 = arith.constant 0 : i32
        %dma_start3A_64 = tpu.memref_slice %arg7[%dma_start3A_62, %dma_start3A_63] : memref<1x128xi32, #tpu.memory_space<vmem>> -> memref<1x128xi32, #tpu.memory_space<vmem>>
        %dma_start3A_65 = tpu.memref_squeeze %dma_start3A_64 : memref<1x128xi32, #tpu.memory_space<vmem>> -> memref<128xi32, #tpu.memory_space<vmem>>
        %dma_start3A_66 = arith.constant 0 : i32
        %dma_start3A_67 = arith.constant 0 : i32
        %dma_start3A_68 = tpu.memref_slice %arg2[%dma_start3A_66, %dma_start3A_67] : memref<10000x128xf32, #tpu.memory_space<hbm>> -> memref<10000x128xf32, #tpu.memory_space<hbm>>
        tpu.enqueue_indirect_dma source(%dma_start3A_68 : memref<10000x128xf32, #tpu.memory_space<hbm>>) target(%arg11 : memref<128x128xf32, #tpu.memory_space<vmem>>) offsets(%dma_start3A_65 : memref<128xi32, #tpu.memory_space<vmem>>) semaphore(%arg14 : memref<!tpu.dma_semaphore, #tpu.memory_space<semaphore_mem>>)
        %dma_wait3A = arith.constant 0 : i32
        %dma_wait3A_69 = arith.constant 0 : i32
        %dma_wait3A_70 = tpu.memref_slice %arg9[%dma_wait3A, %dma_wait3A_69] : memref<1x128xi32, #tpu.memory_space<vmem>> -> memref<1x128xi32, #tpu.memory_space<vmem>>
        %dma_wait3A_71 = tpu.memref_squeeze %dma_wait3A_70 : memref<1x128xi32, #tpu.memory_space<vmem>> -> memref<128xi32, #tpu.memory_space<vmem>>
        %dma_wait3A_72 = arith.constant 0 : i32
        %dma_wait3A_73 = arith.constant 0 : i32
        %dma_wait3A_74 = tpu.memref_slice %arg5[%dma_wait3A_72, %dma_wait3A_73] : memref<18x128xf32, #tpu.memory_space<hbm>> -> memref<18x128xf32, #tpu.memory_space<hbm>>
        tpu.wait_indirect_dma semaphore(%arg13 : memref<!tpu.dma_semaphore, #tpu.memory_space<semaphore_mem>>) src(%dma_wait3A_74 : memref<18x128xf32, #tpu.memory_space<hbm>>) dst(%arg10 : memref<128x128xf32, #tpu.memory_space<vmem>>)
        %dma_wait3A_75 = arith.constant 0 : i32
        %dma_wait3A_76 = arith.constant 0 : i32
        %dma_wait3A_77 = tpu.memref_slice %arg7[%dma_wait3A_75, %dma_wait3A_76] : memref<1x128xi32, #tpu.memory_space<vmem>> -> memref<1x128xi32, #tpu.memory_space<vmem>>
        %dma_wait3A_78 = tpu.memref_squeeze %dma_wait3A_77 : memref<1x128xi32, #tpu.memory_space<vmem>> -> memref<128xi32, #tpu.memory_space<vmem>>
        %dma_wait3A_79 = arith.constant 0 : i32
        %dma_wait3A_80 = arith.constant 0 : i32
        %dma_wait3A_81 = tpu.memref_slice %arg2[%dma_wait3A_79, %dma_wait3A_80] : memref<10000x128xf32, #tpu.memory_space<hbm>> -> memref<10000x128xf32, #tpu.memory_space<hbm>>
        tpu.wait_indirect_dma semaphore(%arg14 : memref<!tpu.dma_semaphore, #tpu.memory_space<semaphore_mem>>) src(%dma_wait3A_81 : memref<10000x128xf32, #tpu.memory_space<hbm>>) dst(%arg11 : memref<128x128xf32, #tpu.memory_space<vmem>>)
        %scan3A_82 = arith.constant 0 : i32
        %scan3A_83 = arith.constant 0 : i32
        %scan3A_84 = arith.constant 128 : i32
        %scan3A_85 = arith.addi %scan3A_83, %scan3A_84 : i32
        %scan3A_86 = arith.constant 1 : i32
        scf.for %scan3A_89 = %scan3A_83 to %scan3A_85 step %scan3A_86  : i32 {
          %get3A = arith.index_cast %scan3A_89 : i32 to index
          %get3A_90 = arith.constant 0 : index
          %get3A_91 = tpu.vector_load %arg10[%get3A, %get3A_90] {strides = array<i32>} : memref<128x128xf32, #tpu.memory_space<vmem>>, vector<1x16xf32>,
          %get3A_92 = vector.shape_cast %get3A_91 : vector<1x16xf32> to vector<16xf32>
          %get3A_93 = arith.index_cast %scan3A_89 : i32 to index
          %get3A_94 = arith.constant 0 : index
          %get3A_95 = tpu.vector_load %arg11[%get3A_93, %get3A_94] {strides = array<i32>} : memref<128x128xf32, #tpu.memory_space<vmem>>, vector<1x16xf32>,
          %get3A_96 = vector.shape_cast %get3A_95 : vector<1x16xf32> to vector<16xf32>
          %add3A_97 = arith.addf %get3A_92, %get3A_96 : vector<16xf32>
          %max3A = arith.constant 0.000000e+00 : f32
          %max3A_98 = vector.broadcast %max3A : f32 to vector<16xf32>
          %max3A_99 = arith.maximumf %add3A_97, %max3A_98 : vector<16xf32>
          %swap3A = arith.index_cast %scan3A_89 : i32 to index
          %swap3A_100 = arith.constant 0 : index
          %swap3A_101 = tpu.vector_load %arg10[%swap3A, %swap3A_100] {strides = array<i32>} : memref<128x128xf32, #tpu.memory_space<vmem>>, vector<1x16xf32>,
          %swap3A_102 = vector.shape_cast %swap3A_101 : vector<1x16xf32> to vector<16xf32>
          %swap3A_103 = vector.shape_cast %max3A_99 : vector<16xf32> to vector<1x16xf32>
          tpu.vector_store %arg10[%swap3A, %swap3A_100], %swap3A_103 {strides = array<i32>} : memref<128x128xf32, #tpu.memory_space<vmem>>, vector<1x16xf32>,
          %get3A_104 = arith.index_cast %scan3A_89 : i32 to index
          %get3A_105 = arith.constant 16 : index
          %get3A_106 = tpu.vector_load %arg10[%get3A_104, %get3A_105] {strides = array<i32>} : memref<128x128xf32, #tpu.memory_space<vmem>>, vector<1x16xf32>,
          %get3A_107 = vector.shape_cast %get3A_106 : vector<1x16xf32> to vector<16xf32>
          %get3A_108 = arith.index_cast %scan3A_89 : i32 to index
          %get3A_109 = arith.constant 16 : index
          %get3A_110 = tpu.vector_load %arg11[%get3A_108, %get3A_109] {strides = array<i32>} : memref<128x128xf32, #tpu.memory_space<vmem>>, vector<1x16xf32>,
          %get3A_111 = vector.shape_cast %get3A_110 : vector<1x16xf32> to vector<16xf32>
          %add3A_112 = arith.addf %get3A_107, %get3A_111 : vector<16xf32>
          %max3A_113 = arith.constant 0.000000e+00 : f32
          %max3A_114 = vector.broadcast %max3A_113 : f32 to vector<16xf32>
          %max3A_115 = arith.maximumf %add3A_112, %max3A_114 : vector<16xf32>
          %swap3A_116 = arith.index_cast %scan3A_89 : i32 to index
          %swap3A_117 = arith.constant 16 : index
          %swap3A_118 = tpu.vector_load %arg10[%swap3A_116, %swap3A_117] {strides = array<i32>} : memref<128x128xf32, #tpu.memory_space<vmem>>, vector<1x16xf32>,
          %swap3A_119 = vector.shape_cast %swap3A_118 : vector<1x16xf32> to vector<16xf32>
          %swap3A_120 = vector.shape_cast %max3A_115 : vector<16xf32> to vector<1x16xf32>
          tpu.vector_store %arg10[%swap3A_116, %swap3A_117], %swap3A_120 {strides = array<i32>} : memref<128x128xf32, #tpu.memory_space<vmem>>, vector<1x16xf32>,
          %get3A_121 = arith.index_cast %scan3A_89 : i32 to index
          %get3A_122 = arith.constant 32 : index
          %get3A_123 = tpu.vector_load %arg10[%get3A_121, %get3A_122] {strides = array<i32>} : memref<128x128xf32, #tpu.memory_space<vmem>>, vector<1x16xf32>,
          %get3A_124 = vector.shape_cast %get3A_123 : vector<1x16xf32> to vector<16xf32>
          %get3A_125 = arith.index_cast %scan3A_89 : i32 to index
          %get3A_126 = arith.constant 32 : index
          %get3A_127 = tpu.vector_load %arg11[%get3A_125, %get3A_126] {strides = array<i32>} : memref<128x128xf32, #tpu.memory_space<vmem>>, vector<1x16xf32>,
          %get3A_128 = vector.shape_cast %get3A_127 : vector<1x16xf32> to vector<16xf32>
          %add3A_129 = arith.addf %get3A_124, %get3A_128 : vector<16xf32>
          %max3A_130 = arith.constant 0.000000e+00 : f32
          %max3A_131 = vector.broadcast %max3A_130 : f32 to vector<16xf32>
          %max3A_132 = arith.maximumf %add3A_129, %max3A_131 : vector<16xf32>
          %swap3A_133 = arith.index_cast %scan3A_89 : i32 to index
          %swap3A_134 = arith.constant 32 : index
          %swap3A_135 = tpu.vector_load %arg10[%swap3A_133, %swap3A_134] {strides = array<i32>} : memref<128x128xf32, #tpu.memory_space<vmem>>, vector<1x16xf32>,
          %swap3A_136 = vector.shape_cast %swap3A_135 : vector<1x16xf32> to vector<16xf32>
          %swap3A_137 = vector.shape_cast %max3A_132 : vector<16xf32> to vector<1x16xf32>
          tpu.vector_store %arg10[%swap3A_133, %swap3A_134], %swap3A_137 {strides = array<i32>} : memref<128x128xf32, #tpu.memory_space<vmem>>, vector<1x16xf32>,
          %get3A_138 = arith.index_cast %scan3A_89 : i32 to index
          %get3A_139 = arith.constant 48 : index
          %get3A_140 = tpu.vector_load %arg10[%get3A_138, %get3A_139] {strides = array<i32>} : memref<128x128xf32, #tpu.memory_space<vmem>>, vector<1x16xf32>,
          %get3A_141 = vector.shape_cast %get3A_140 : vector<1x16xf32> to vector<16xf32>
          %get3A_142 = arith.index_cast %scan3A_89 : i32 to index
          %get3A_143 = arith.constant 48 : index
          %get3A_144 = tpu.vector_load %arg11[%get3A_142, %get3A_143] {strides = array<i32>} : memref<128x128xf32, #tpu.memory_space<vmem>>, vector<1x16xf32>,
          %get3A_145 = vector.shape_cast %get3A_144 : vector<1x16xf32> to vector<16xf32>
          %add3A_146 = arith.addf %get3A_141, %get3A_145 : vector<16xf32>
          %max3A_147 = arith.constant 0.000000e+00 : f32
          %max3A_148 = vector.broadcast %max3A_147 : f32 to vector<16xf32>
          %max3A_149 = arith.maximumf %add3A_146, %max3A_148 : vector<16xf32>
          %swap3A_150 = arith.index_cast %scan3A_89 : i32 to index
          %swap3A_151 = arith.constant 48 : index
          %swap3A_152 = tpu.vector_load %arg10[%swap3A_150, %swap3A_151] {strides = array<i32>} : memref<128x128xf32, #tpu.memory_space<vmem>>, vector<1x16xf32>,
          %swap3A_153 = vector.shape_cast %swap3A_152 : vector<1x16xf32> to vector<16xf32>
          %swap3A_154 = vector.shape_cast %max3A_149 : vector<16xf32> to vector<1x16xf32>
          tpu.vector_store %arg10[%swap3A_150, %swap3A_151], %swap3A_154 {strides = array<i32>} : memref<128x128xf32, #tpu.memory_space<vmem>>, vector<1x16xf32>,
          %get3A_155 = arith.index_cast %scan3A_89 : i32 to index
          %get3A_156 = arith.constant 64 : index
          %get3A_157 = tpu.vector_load %arg10[%get3A_155, %get3A_156] {strides = array<i32>} : memref<128x128xf32, #tpu.memory_space<vmem>>, vector<1x16xf32>,
          %get3A_158 = vector.shape_cast %get3A_157 : vector<1x16xf32> to vector<16xf32>
          %get3A_159 = arith.index_cast %scan3A_89 : i32 to index
          %get3A_160 = arith.constant 64 : index
          %get3A_161 = tpu.vector_load %arg11[%get3A_159, %get3A_160] {strides = array<i32>} : memref<128x128xf32, #tpu.memory_space<vmem>>, vector<1x16xf32>,
          %get3A_162 = vector.shape_cast %get3A_161 : vector<1x16xf32> to vector<16xf32>
          %add3A_163 = arith.addf %get3A_158, %get3A_162 : vector<16xf32>
          %max3A_164 = arith.constant 0.000000e+00 : f32
          %max3A_165 = vector.broadcast %max3A_164 : f32 to vector<16xf32>
          %max3A_166 = arith.maximumf %add3A_163, %max3A_165 : vector<16xf32>
          %swap3A_167 = arith.index_cast %scan3A_89 : i32 to index
          %swap3A_168 = arith.constant 64 : index
          %swap3A_169 = tpu.vector_load %arg10[%swap3A_167, %swap3A_168] {strides = array<i32>} : memref<128x128xf32, #tpu.memory_space<vmem>>, vector<1x16xf32>,
          %swap3A_170 = vector.shape_cast %swap3A_169 : vector<1x16xf32> to vector<16xf32>
          %swap3A_171 = vector.shape_cast %max3A_166 : vector<16xf32> to vector<1x16xf32>
          tpu.vector_store %arg10[%swap3A_167, %swap3A_168], %swap3A_171 {strides = array<i32>} : memref<128x128xf32, #tpu.memory_space<vmem>>, vector<1x16xf32>,
          %get3A_172 = arith.index_cast %scan3A_89 : i32 to index
          %get3A_173 = arith.constant 80 : index
          %get3A_174 = tpu.vector_load %arg10[%get3A_172, %get3A_173] {strides = array<i32>} : memref<128x128xf32, #tpu.memory_space<vmem>>, vector<1x16xf32>,
          %get3A_175 = vector.shape_cast %get3A_174 : vector<1x16xf32> to vector<16xf32>
          %get3A_176 = arith.index_cast %scan3A_89 : i32 to index
          %get3A_177 = arith.constant 80 : index
          %get3A_178 = tpu.vector_load %arg11[%get3A_176, %get3A_177] {strides = array<i32>} : memref<128x128xf32, #tpu.memory_space<vmem>>, vector<1x16xf32>,
          %get3A_179 = vector.shape_cast %get3A_178 : vector<1x16xf32> to vector<16xf32>
          %add3A_180 = arith.addf %get3A_175, %get3A_179 : vector<16xf32>
          %max3A_181 = arith.constant 0.000000e+00 : f32
          %max3A_182 = vector.broadcast %max3A_181 : f32 to vector<16xf32>
          %max3A_183 = arith.maximumf %add3A_180, %max3A_182 : vector<16xf32>
          %swap3A_184 = arith.index_cast %scan3A_89 : i32 to index
          %swap3A_185 = arith.constant 80 : index
          %swap3A_186 = tpu.vector_load %arg10[%swap3A_184, %swap3A_185] {strides = array<i32>} : memref<128x128xf32, #tpu.memory_space<vmem>>, vector<1x16xf32>,
          %swap3A_187 = vector.shape_cast %swap3A_186 : vector<1x16xf32> to vector<16xf32>
          %swap3A_188 = vector.shape_cast %max3A_183 : vector<16xf32> to vector<1x16xf32>
          tpu.vector_store %arg10[%swap3A_184, %swap3A_185], %swap3A_188 {strides = array<i32>} : memref<128x128xf32, #tpu.memory_space<vmem>>, vector<1x16xf32>,
          %get3A_189 = arith.index_cast %scan3A_89 : i32 to index
          %get3A_190 = arith.constant 96 : index
          %get3A_191 = tpu.vector_load %arg10[%get3A_189, %get3A_190] {strides = array<i32>} : memref<128x128xf32, #tpu.memory_space<vmem>>, vector<1x16xf32>,
          %get3A_192 = vector.shape_cast %get3A_191 : vector<1x16xf32> to vector<16xf32>
          %get3A_193 = arith.index_cast %scan3A_89 : i32 to index
          %get3A_194 = arith.constant 96 : index
          %get3A_195 = tpu.vector_load %arg11[%get3A_193, %get3A_194] {strides = array<i32>} : memref<128x128xf32, #tpu.memory_space<vmem>>, vector<1x16xf32>,
          %get3A_196 = vector.shape_cast %get3A_195 : vector<1x16xf32> to vector<16xf32>
          %add3A_197 = arith.addf %get3A_192, %get3A_196 : vector<16xf32>
          %max3A_198 = arith.constant 0.000000e+00 : f32
          %max3A_199 = vector.broadcast %max3A_198 : f32 to vector<16xf32>
          %max3A_200 = arith.maximumf %add3A_197, %max3A_199 : vector<16xf32>
          %swap3A_201 = arith.index_cast %scan3A_89 : i32 to index
          %swap3A_202 = arith.constant 96 : index
          %swap3A_203 = tpu.vector_load %arg10[%swap3A_201, %swap3A_202] {strides = array<i32>} : memref<128x128xf32, #tpu.memory_space<vmem>>, vector<1x16xf32>,
          %swap3A_204 = vector.shape_cast %swap3A_203 : vector<1x16xf32> to vector<16xf32>
          %swap3A_205 = vector.shape_cast %max3A_200 : vector<16xf32> to vector<1x16xf32>
          tpu.vector_store %arg10[%swap3A_201, %swap3A_202], %swap3A_205 {strides = array<i32>} : memref<128x128xf32, #tpu.memory_space<vmem>>, vector<1x16xf32>,
          %get3A_206 = arith.index_cast %scan3A_89 : i32 to index
          %get3A_207 = arith.constant 112 : index
          %get3A_208 = tpu.vector_load %arg10[%get3A_206, %get3A_207] {strides = array<i32>} : memref<128x128xf32, #tpu.memory_space<vmem>>, vector<1x16xf32>,
          %get3A_209 = vector.shape_cast %get3A_208 : vector<1x16xf32> to vector<16xf32>
          %get3A_210 = arith.index_cast %scan3A_89 : i32 to index
          %get3A_211 = arith.constant 112 : index
          %get3A_212 = tpu.vector_load %arg11[%get3A_210, %get3A_211] {strides = array<i32>} : memref<128x128xf32, #tpu.memory_space<vmem>>, vector<1x16xf32>,
          %get3A_213 = vector.shape_cast %get3A_212 : vector<1x16xf32> to vector<16xf32>
          %add3A_214 = arith.addf %get3A_209, %get3A_213 : vector<16xf32>
          %max3A_215 = arith.constant 0.000000e+00 : f32
          %max3A_216 = vector.broadcast %max3A_215 : f32 to vector<16xf32>
          %max3A_217 = arith.maximumf %add3A_214, %max3A_216 : vector<16xf32>
          %swap3A_218 = arith.index_cast %scan3A_89 : i32 to index
          %swap3A_219 = arith.constant 112 : index
          %swap3A_220 = tpu.vector_load %arg10[%swap3A_218, %swap3A_219] {strides = array<i32>} : memref<128x128xf32, #tpu.memory_space<vmem>>, vector<1x16xf32>,
          %swap3A_221 = vector.shape_cast %swap3A_220 : vector<1x16xf32> to vector<16xf32>
          %swap3A_222 = vector.shape_cast %max3A_217 : vector<16xf32> to vector<1x16xf32>
          tpu.vector_store %arg10[%swap3A_218, %swap3A_219], %swap3A_222 {strides = array<i32>} : memref<128x128xf32, #tpu.memory_space<vmem>>, vector<1x16xf32>,
        }
        %scan3A_87 = arith.constant 128 : i32
        %run_scoped3A_88 = arith.constant 0 : i32
        "tpu.region"() ({
          %run_scoped3A_89 = tpu.sem_alloc : memref<!tpu.dma_semaphore, #tpu.memory_space<semaphore_mem>>
          %dma_start3A_90 = arith.constant 0 : i32
          %dma_start3A_91 = tpu.memref_slice %arg8[%run_scoped3A_88, %dma_start3A_90] : memref<1x128xi32, #tpu.memory_space<vmem>> -> memref<1x128xi32, #tpu.memory_space<vmem>>
          %dma_start3A_92 = tpu.memref_squeeze %dma_start3A_91 : memref<1x128xi32, #tpu.memory_space<vmem>> -> memref<128xi32, #tpu.memory_space<vmem>>
          %dma_start3A_93 = arith.constant 0 : i32
          %dma_start3A_94 = arith.constant 0 : i32
          %dma_start3A_95 = tpu.memref_slice %arg12[%dma_start3A_93, %dma_start3A_94] : memref<10000x128xf32, #tpu.memory_space<vmem_shared>> -> memref<10000x128xf32, #tpu.memory_space<vmem_shared>>
          tpu.enqueue_indirect_dma source(%arg10 : memref<128x128xf32, #tpu.memory_space<vmem>>) target(%dma_start3A_95 : memref<10000x128xf32, #tpu.memory_space<vmem_shared>>) offsets(%dma_start3A_92 : memref<128xi32, #tpu.memory_space<vmem>>) semaphore(%run_scoped3A_89 : memref<!tpu.dma_semaphore, #tpu.memory_space<semaphore_mem>>) {add = true}
          %dma_wait3A_96 = arith.constant 0 : i32
          %dma_wait3A_97 = tpu.memref_slice %arg8[%run_scoped3A_88, %dma_wait3A_96] : memref<1x128xi32, #tpu.memory_space<vmem>> -> memref<1x128xi32, #tpu.memory_space<vmem>>
          %dma_wait3A_98 = tpu.memref_squeeze %dma_wait3A_97 : memref<1x128xi32, #tpu.memory_space<vmem>> -> memref<128xi32, #tpu.memory_space<vmem>>
          %dma_wait3A_99 = arith.constant 0 : i32
          %dma_wait3A_100 = arith.constant 0 : i32
          %dma_wait3A_101 = tpu.memref_slice %arg12[%dma_wait3A_99, %dma_wait3A_100] : memref<10000x128xf32, #tpu.memory_space<vmem_shared>> -> memref<10000x128xf32, #tpu.memory_space<vmem_shared>>
          tpu.wait_indirect_dma semaphore(%run_scoped3A_89 : memref<!tpu.dma_semaphore, #tpu.memory_space<semaphore_mem>>) src(%arg10 : memref<128x128xf32, #tpu.memory_space<vmem>>) dst(%dma_wait3A_101 : memref<10000x128xf32, #tpu.memory_space<vmem_shared>>)
          tpu.yield
        }) : () -> ()
      } else {
      }
    }
    %scan3A_25 = arith.constant 79 : i32
    %barrier3A_26 = arith.constant 0 : index
    tpu.barrier barrier_id(%barrier3A_26)
    %add3A_27 = arith.constant 0 : i32
    %add3A_28 = arith.addi %mul3A_7, %add3A_27 : i32
    "tpu.region"() ({
      %run_scoped3A = tpu.sem_alloc : memref<!tpu.dma_semaphore, #tpu.memory_space<semaphore_mem>>
      %dma_start3A = arith.constant 0 : i32
      %dma_start3A_42 = tpu.memref_slice %arg6[%arg0, %add3A_28, %dma_start3A] : memref<2x10000x128xf32, #tpu.memory_space<hbm>> -> memref<1x128x128xf32, #tpu.memory_space<hbm>>
      %dma_start3A_43 = tpu.memref_squeeze %dma_start3A_42 : memref<1x128x128xf32, #tpu.memory_space<hbm>> -> memref<128x128xf32, #tpu.memory_space<hbm>>
      %dma_start3A_44 = arith.constant 0 : i32
      %dma_start3A_45 = tpu.memref_slice %arg12[%add3A_28, %dma_start3A_44] : memref<10000x128xf32, #tpu.memory_space<vmem_shared>> -> memref<128x128xf32, #tpu.memory_space<vmem_shared>>
      tpu.enqueue_dma source(%dma_start3A_45 : memref<128x128xf32, #tpu.memory_space<vmem_shared>>) target(%dma_start3A_43 : memref<128x128xf32, #tpu.memory_space<hbm>>) target_semaphore(%run_scoped3A : memref<!tpu.dma_semaphore, #tpu.memory_space<semaphore_mem>>)
      %dma_wait3A = arith.constant 0 : i32
      %dma_wait3A_46 = tpu.memref_slice %arg6[%arg0, %add3A_28, %dma_wait3A] : memref<2x10000x128xf32, #tpu.memory_space<hbm>> -> memref<1x128x128xf32, #tpu.memory_space<hbm>>
      %dma_wait3A_47 = tpu.memref_squeeze %dma_wait3A_46 : memref<1x128x128xf32, #tpu.memory_space<hbm>> -> memref<128x128xf32, #tpu.memory_space<hbm>>
      %dma_wait3A_48 = arith.constant 0 : i32
      %dma_wait3A_49 = tpu.memref_slice %arg12[%add3A_28, %dma_wait3A_48] : memref<10000x128xf32, #tpu.memory_space<vmem_shared>> -> memref<128x128xf32, #tpu.memory_space<vmem_shared>>
      tpu.wait_dma2 semaphore(%run_scoped3A : memref<!tpu.dma_semaphore, #tpu.memory_space<semaphore_mem>>) src(%dma_wait3A_49 : memref<128x128xf32, #tpu.memory_space<vmem_shared>>) dst(%dma_wait3A_47 : memref<128x128xf32, #tpu.memory_space<hbm>>)
      tpu.yield
    }) : () -> ()
    %add3A_29 = arith.constant 128 : i32
    %add3A_30 = arith.addi %mul3A_7, %add3A_29 : i32
    "tpu.region"() ({
      %run_scoped3A = tpu.sem_alloc : memref<!tpu.dma_semaphore, #tpu.memory_space<semaphore_mem>>
      %dma_start3A = arith.constant 0 : i32
      %dma_start3A_42 = tpu.memref_slice %arg6[%arg0, %add3A_30, %dma_start3A] : memref<2x10000x128xf32, #tpu.memory_space<hbm>> -> memref<1x128x128xf32, #tpu.memory_space<hbm>>
      %dma_start3A_43 = tpu.memref_squeeze %dma_start3A_42 : memref<1x128x128xf32, #tpu.memory_space<hbm>> -> memref<128x128xf32, #tpu.memory_space<hbm>>
      %dma_start3A_44 = arith.constant 0 : i32
      %dma_start3A_45 = tpu.memref_slice %arg12[%add3A_30, %dma_start3A_44] : memref<10000x128xf32, #tpu.memory_space<vmem_shared>> -> memref<128x128xf32, #tpu.memory_space<vmem_shared>>
      tpu.enqueue_dma source(%dma_start3A_45 : memref<128x128xf32, #tpu.memory_space<vmem_shared>>) target(%dma_start3A_43 : memref<128x128xf32, #tpu.memory_space<hbm>>) target_semaphore(%run_scoped3A : memref<!tpu.dma_semaphore, #tpu.memory_space<semaphore_mem>>)
      %dma_wait3A = arith.constant 0 : i32
      %dma_wait3A_46 = tpu.memref_slice %arg6[%arg0, %add3A_30, %dma_wait3A] : memref<2x10000x128xf32, #tpu.memory_space<hbm>> -> memref<1x128x128xf32, #tpu.memory_space<hbm>>
      %dma_wait3A_47 = tpu.memref_squeeze %dma_wait3A_46 : memref<1x128x128xf32, #tpu.memory_space<hbm>> -> memref<128x128xf32, #tpu.memory_space<hbm>>
      %dma_wait3A_48 = arith.constant 0 : i32
      %dma_wait3A_49 = tpu.memref_slice %arg12[%add3A_30, %dma_wait3A_48] : memref<10000x128xf32, #tpu.memory_space<vmem_shared>> -> memref<128x128xf32, #tpu.memory_space<vmem_shared>>
      tpu.wait_dma2 semaphore(%run_scoped3A : memref<!tpu.dma_semaphore, #tpu.memory_space<semaphore_mem>>) src(%dma_wait3A_49 : memref<128x128xf32, #tpu.memory_space<vmem_shared>>) dst(%dma_wait3A_47 : memref<128x128xf32, #tpu.memory_space<hbm>>)
      tpu.yield
    }) : () -> ()
    %add3A_31 = arith.constant 256 : i32
    %add3A_32 = arith.addi %mul3A_7, %add3A_31 : i32
    "tpu.region"() ({
      %run_scoped3A = tpu.sem_alloc : memref<!tpu.dma_semaphore, #tpu.memory_space<semaphore_mem>>
      %dma_start3A = arith.constant 0 : i32
      %dma_start3A_42 = tpu.memref_slice %arg6[%arg0, %add3A_32, %dma_start3A] : memref<2x10000x128xf32, #tpu.memory_space<hbm>> -> memref<1x128x128xf32, #tpu.memory_space<hbm>>
      %dma_start3A_43 = tpu.memref_squeeze %dma_start3A_42 : memref<1x128x128xf32, #tpu.memory_space<hbm>> -> memref<128x128xf32, #tpu.memory_space<hbm>>
      %dma_start3A_44 = arith.constant 0 : i32
      %dma_start3A_45 = tpu.memref_slice %arg12[%add3A_32, %dma_start3A_44] : memref<10000x128xf32, #tpu.memory_space<vmem_shared>> -> memref<128x128xf32, #tpu.memory_space<vmem_shared>>
      tpu.enqueue_dma source(%dma_start3A_45 : memref<128x128xf32, #tpu.memory_space<vmem_shared>>) target(%dma_start3A_43 : memref<128x128xf32, #tpu.memory_space<hbm>>) target_semaphore(%run_scoped3A : memref<!tpu.dma_semaphore, #tpu.memory_space<semaphore_mem>>)
      %dma_wait3A = arith.constant 0 : i32
      %dma_wait3A_46 = tpu.memref_slice %arg6[%arg0, %add3A_32, %dma_wait3A] : memref<2x10000x128xf32, #tpu.memory_space<hbm>> -> memref<1x128x128xf32, #tpu.memory_space<hbm>>
      %dma_wait3A_47 = tpu.memref_squeeze %dma_wait3A_46 : memref<1x128x128xf32, #tpu.memory_space<hbm>> -> memref<128x128xf32, #tpu.memory_space<hbm>>
      %dma_wait3A_48 = arith.constant 0 : i32
      %dma_wait3A_49 = tpu.memref_slice %arg12[%add3A_32, %dma_wait3A_48] : memref<10000x128xf32, #tpu.memory_space<vmem_shared>> -> memref<128x128xf32, #tpu.memory_space<vmem_shared>>
      tpu.wait_dma2 semaphore(%run_scoped3A : memref<!tpu.dma_semaphore, #tpu.memory_space<semaphore_mem>>) src(%dma_wait3A_49 : memref<128x128xf32, #tpu.memory_space<vmem_shared>>) dst(%dma_wait3A_47 : memref<128x128xf32, #tpu.memory_space<hbm>>)
      tpu.yield
    }) : () -> ()
    %add3A_33 = arith.constant 384 : i32
    %add3A_34 = arith.addi %mul3A_7, %add3A_33 : i32
    "tpu.region"() ({
      %run_scoped3A = tpu.sem_alloc : memref<!tpu.dma_semaphore, #tpu.memory_space<semaphore_mem>>
      %dma_start3A = arith.constant 0 : i32
      %dma_start3A_42 = tpu.memref_slice %arg6[%arg0, %add3A_34, %dma_start3A] : memref<2x10000x128xf32, #tpu.memory_space<hbm>> -> memref<1x128x128xf32, #tpu.memory_space<hbm>>
      %dma_start3A_43 = tpu.memref_squeeze %dma_start3A_42 : memref<1x128x128xf32, #tpu.memory_space<hbm>> -> memref<128x128xf32, #tpu.memory_space<hbm>>
      %dma_start3A_44 = arith.constant 0 : i32
      %dma_start3A_45 = tpu.memref_slice %arg12[%add3A_34, %dma_start3A_44] : memref<10000x128xf32, #tpu.memory_space<vmem_shared>> -> memref<128x128xf32, #tpu.memory_space<vmem_shared>>
      tpu.enqueue_dma source(%dma_start3A_45 : memref<128x128xf32, #tpu.memory_space<vmem_shared>>) target(%dma_start3A_43 : memref<128x128xf32, #tpu.memory_space<hbm>>) target_semaphore(%run_scoped3A : memref<!tpu.dma_semaphore, #tpu.memory_space<semaphore_mem>>)
      %dma_wait3A = arith.constant 0 : i32
      %dma_wait3A_46 = tpu.memref_slice %arg6[%arg0, %add3A_34, %dma_wait3A] : memref<2x10000x128xf32, #tpu.memory_space<hbm>> -> memref<1x128x128xf32, #tpu.memory_space<hbm>>
      %dma_wait3A_47 = tpu.memref_squeeze %dma_wait3A_46 : memref<1x128x128xf32, #tpu.memory_space<hbm>> -> memref<128x128xf32, #tpu.memory_space<hbm>>
      %dma_wait3A_48 = arith.constant 0 : i32
      %dma_wait3A_49 = tpu.memref_slice %arg12[%add3A_34, %dma_wait3A_48] : memref<10000x128xf32, #tpu.memory_space<vmem_shared>> -> memref<128x128xf32, #tpu.memory_space<vmem_shared>>
      tpu.wait_dma2 semaphore(%run_scoped3A : memref<!tpu.dma_semaphore, #tpu.memory_space<semaphore_mem>>) src(%dma_wait3A_49 : memref<128x128xf32, #tpu.memory_space<vmem_shared>>) dst(%dma_wait3A_47 : memref<128x128xf32, #tpu.memory_space<hbm>>)
      tpu.yield
    }) : () -> ()
    %add3A_35 = arith.constant 512 : i32
    %add3A_36 = arith.addi %mul3A_7, %add3A_35 : i32
    "tpu.region"() ({
      %run_scoped3A = tpu.sem_alloc : memref<!tpu.dma_semaphore, #tpu.memory_space<semaphore_mem>>
      %dma_start3A = arith.constant 0 : i32
      %dma_start3A_42 = tpu.memref_slice %arg6[%arg0, %add3A_36, %dma_start3A] : memref<2x10000x128xf32, #tpu.memory_space<hbm>> -> memref<1x112x128xf32, #tpu.memory_space<hbm>>
      %dma_start3A_43 = tpu.memref_squeeze %dma_start3A_42 : memref<1x112x128xf32, #tpu.memory_space<hbm>> -> memref<112x128xf32, #tpu.memory_space<hbm>>
      %dma_start3A_44 = arith.constant 0 : i32
      %dma_start3A_45 = tpu.memref_slice %arg12[%add3A_36, %dma_start3A_44] : memref<10000x128xf32, #tpu.memory_space<vmem_shared>> -> memref<112x128xf32, #tpu.memory_space<vmem_shared>>
      tpu.enqueue_dma source(%dma_start3A_45 : memref<112x128xf32, #tpu.memory_space<vmem_shared>>) target(%dma_start3A_43 : memref<112x128xf32, #tpu.memory_space<hbm>>) target_semaphore(%run_scoped3A : memref<!tpu.dma_semaphore, #tpu.memory_space<semaphore_mem>>)
      %dma_wait3A = arith.constant 0 : i32
      %dma_wait3A_46 = tpu.memref_slice %arg6[%arg0, %add3A_36, %dma_wait3A] : memref<2x10000x128xf32, #tpu.memory_space<hbm>> -> memref<1x112x128xf32, #tpu.memory_space<hbm>>
      %dma_wait3A_47 = tpu.memref_squeeze %dma_wait3A_46 : memref<1x112x128xf32, #tpu.memory_space<hbm>> -> memref<112x128xf32, #tpu.memory_space<hbm>>
      %dma_wait3A_48 = arith.constant 0 : i32
      %dma_wait3A_49 = tpu.memref_slice %arg12[%add3A_36, %dma_wait3A_48] : memref<10000x128xf32, #tpu.memory_space<vmem_shared>> -> memref<112x128xf32, #tpu.memory_space<vmem_shared>>
      tpu.wait_dma2 semaphore(%run_scoped3A : memref<!tpu.dma_semaphore, #tpu.memory_space<semaphore_mem>>) src(%dma_wait3A_49 : memref<112x128xf32, #tpu.memory_space<vmem_shared>>) dst(%dma_wait3A_47 : memref<112x128xf32, #tpu.memory_space<hbm>>)
      tpu.yield
    }) : () -> ()
    %eq3A_37 = arith.constant 15 : i32
    %eq3A_38 = arith.cmpi eq, %arg1, %eq3A_37 : i32
    %convert_element_type3A_39 = arith.extui %eq3A_38 : i1 to i32
    %cond3A_40 = arith.constant 0 : i32
    %cond3A_41 = arith.cmpi ne, %convert_element_type3A_39, %cond3A_40 : i32
    scf.if %cond3A_41 {
      "tpu.region"() ({
        %run_scoped3A = tpu.sem_alloc : memref<!tpu.dma_semaphore, #tpu.memory_space<semaphore_mem>>
        %dma_start3A = arith.constant 9984 : i32
        %dma_start3A_42 = arith.constant 0 : i32
        %dma_start3A_43 = tpu.memref_slice %arg6[%arg0, %dma_start3A, %dma_start3A_42] : memref<2x10000x128xf32, #tpu.memory_space<hbm>> -> memref<1x16x128xf32, #tpu.memory_space<hbm>>
        %dma_start3A_44 = tpu.memref_squeeze %dma_start3A_43 : memref<1x16x128xf32, #tpu.memory_space<hbm>> -> memref<16x128xf32, #tpu.memory_space<hbm>>
        %dma_start3A_45 = arith.constant 9984 : i32
        %dma_start3A_46 = arith.constant 0 : i32
        %dma_start3A_47 = tpu.memref_slice %arg12[%dma_start3A_45, %dma_start3A_46] : memref<10000x128xf32, #tpu.memory_space<vmem_shared>> -> memref<16x128xf32, #tpu.memory_space<vmem_shared>>
        tpu.enqueue_dma source(%dma_start3A_47 : memref<16x128xf32, #tpu.memory_space<vmem_shared>>) target(%dma_start3A_44 : memref<16x128xf32, #tpu.memory_space<hbm>>) target_semaphore(%run_scoped3A : memref<!tpu.dma_semaphore, #tpu.memory_space<semaphore_mem>>)
        %dma_wait3A = arith.constant 9984 : i32
        %dma_wait3A_48 = arith.constant 0 : i32
        %dma_wait3A_49 = tpu.memref_slice %arg6[%arg0, %dma_wait3A, %dma_wait3A_48] : memref<2x10000x128xf32, #tpu.memory_space<hbm>> -> memref<1x16x128xf32, #tpu.memory_space<hbm>>
        %dma_wait3A_50 = tpu.memref_squeeze %dma_wait3A_49 : memref<1x16x128xf32, #tpu.memory_space<hbm>> -> memref<16x128xf32, #tpu.memory_space<hbm>>
        %dma_wait3A_51 = arith.constant 9984 : i32
        %dma_wait3A_52 = arith.constant 0 : i32
        %dma_wait3A_53 = tpu.memref_slice %arg12[%dma_wait3A_51, %dma_wait3A_52] : memref<10000x128xf32, #tpu.memory_space<vmem_shared>> -> memref<16x128xf32, #tpu.memory_space<vmem_shared>>
        tpu.wait_dma2 semaphore(%run_scoped3A : memref<!tpu.dma_semaphore, #tpu.memory_space<semaphore_mem>>) src(%dma_wait3A_53 : memref<16x128xf32, #tpu.memory_space<vmem_shared>>) dst(%dma_wait3A_50 : memref<16x128xf32, #tpu.memory_space<hbm>>)
        tpu.yield
      }) : () -> ()
    } else {
    }
    return
  }
}

module attributes {stable_mosaic.version = 14 : i64} {
  func.func @body(%arg0: i32, %arg1: memref<2000x128xf32, #tpu.memory_space<vmem>>, %arg2: memref<2000x128xf32, #tpu.memory_space<vmem>>, %arg3: memref<2000x128xf32, #tpu.memory_space<vmem>>, %arg4: memref<1x128xf32, #tpu.memory_space<vmem>>, %arg5: memref<128x256xf32, #tpu.memory_space<vmem>>, %arg6: memref<1x256xf32, #tpu.memory_space<vmem>>, %arg7: memref<256x128xf32, #tpu.memory_space<vmem>>, %arg8: memref<1x128xf32, #tpu.memory_space<vmem>>, %arg9: memref<2000x128xf32, #tpu.memory_space<vmem>>) attributes {dimension_semantics = [#tpu.dimension_semantics<arbitrary>], iteration_bounds = array<i64: 5>, scalar_prefetch = 0 : i64, scratch_operands = 0 : i64, tpu.core_type = #tpu.core_type<tc>, window_params = [{transform_indices = @transform_0, window_bounds = array<i64: 2000, 128>}, {transform_indices = @transform_1, window_bounds = array<i64: 2000, 128>}, {transform_indices = @transform_2, window_bounds = array<i64: 2000, 128>}, {pipeline_mode = #tpu.pipeline_mode<synchronous>, transform_indices = @transform_3, window_bounds = array<i64: 1, 128>}, {pipeline_mode = #tpu.pipeline_mode<synchronous>, transform_indices = @transform_4, window_bounds = array<i64: 128, 256>}, {pipeline_mode = #tpu.pipeline_mode<synchronous>, transform_indices = @transform_5, window_bounds = array<i64: 1, 256>}, {pipeline_mode = #tpu.pipeline_mode<synchronous>, transform_indices = @transform_6, window_bounds = array<i64: 256, 128>}, {pipeline_mode = #tpu.pipeline_mode<synchronous>, transform_indices = @transform_7, window_bounds = array<i64: 1, 128>}, {transform_indices = @transform_8, window_bounds = array<i64: 2000, 128>}]} {
    %get3A = arith.constant 0 : index
    %get3A_0 = arith.constant 0 : index
    %get3A_1 = vector.load %arg1[%get3A, %get3A_0] : memref<2000x128xf32, #tpu.memory_space<vmem>>, vector<2000x128xf32>
    %get3A_2 = arith.constant 0 : index
    %get3A_3 = arith.constant 0 : index
    %get3A_4 = vector.load %arg4[%get3A_2, %get3A_3] : memref<1x128xf32, #tpu.memory_space<vmem>>, vector<1x128xf32>
    %mul3A = vector.broadcast %get3A_4 : vector<1x128xf32> to vector<2000x128xf32>
    %mul3A_5 = arith.mulf %get3A_1, %mul3A : vector<2000x128xf32>
    %get3A_6 = arith.constant 0 : index
    %get3A_7 = arith.constant 0 : index
    %get3A_8 = vector.load %arg2[%get3A_6, %get3A_7] : memref<2000x128xf32, #tpu.memory_space<vmem>>, vector<2000x128xf32>
    %add3A = arith.addf %mul3A_5, %get3A_8 : vector<2000x128xf32>
    %get3A_9 = arith.constant 0 : index
    %get3A_10 = arith.constant 0 : index
    %get3A_11 = vector.load %arg3[%get3A_9, %get3A_10] : memref<2000x128xf32, #tpu.memory_space<vmem>>, vector<2000x128xf32>
    %add3A_12 = arith.addf %add3A, %get3A_11 : vector<2000x128xf32>
    %get3A_13 = arith.constant 0 : index
    %get3A_14 = arith.constant 0 : index
    %get3A_15 = vector.load %arg5[%get3A_13, %get3A_14] : memref<128x256xf32, #tpu.memory_space<vmem>>, vector<128x256xf32>
    %dot_general3A = arith.constant dense<0.000000e+00> : vector<2000x256xf32>
    %dot_general3A_16 = tpu.matmul %add3A_12, %get3A_15, %dot_general3A {dimension_numbers = #tpu.dot_dimension_numbers<[1], [0], [0], [1], [0, 0, 1, 1], [], []>, transpose_lhs_hint = false} : vector<2000x128xf32>, vector<128x256xf32>, vector<2000x256xf32> -> vector<2000x256xf32>
    %get3A_17 = arith.constant 0 : index
    %get3A_18 = arith.constant 0 : index
    %get3A_19 = vector.load %arg6[%get3A_17, %get3A_18] : memref<1x256xf32, #tpu.memory_space<vmem>>, vector<1x256xf32>
    %add3A_20 = vector.broadcast %get3A_19 : vector<1x256xf32> to vector<2000x256xf32>
    %add3A_21 = arith.addf %dot_general3A_16, %add3A_20 : vector<2000x256xf32>
    %max3A = arith.constant 0.000000e+00 : f32
    %max3A_22 = vector.broadcast %max3A : f32 to vector<2000x256xf32>
    %max3A_23 = arith.maximumf %add3A_21, %max3A_22 : vector<2000x256xf32>
    %get3A_24 = arith.constant 0 : index
    %get3A_25 = arith.constant 0 : index
    %get3A_26 = vector.load %arg7[%get3A_24, %get3A_25] : memref<256x128xf32, #tpu.memory_space<vmem>>, vector<256x128xf32>
    %dot_general3A_27 = arith.constant dense<0.000000e+00> : vector<2000x128xf32>
    %dot_general3A_28 = tpu.matmul %max3A_23, %get3A_26, %dot_general3A_27 {dimension_numbers = #tpu.dot_dimension_numbers<[1], [0], [0], [1], [0, 0, 1, 1], [], []>, transpose_lhs_hint = false} : vector<2000x256xf32>, vector<256x128xf32>, vector<2000x128xf32> -> vector<2000x128xf32>
    %get3A_29 = arith.constant 0 : index
    %get3A_30 = arith.constant 0 : index
    %get3A_31 = vector.load %arg8[%get3A_29, %get3A_30] : memref<1x128xf32, #tpu.memory_space<vmem>>, vector<1x128xf32>
    %add3A_32 = vector.broadcast %get3A_31 : vector<1x128xf32> to vector<2000x128xf32>
    %add3A_33 = arith.addf %dot_general3A_28, %add3A_32 : vector<2000x128xf32>
    %max3A_34 = arith.constant 0.000000e+00 : f32
    %max3A_35 = vector.broadcast %max3A_34 : f32 to vector<2000x128xf32>
    %max3A_36 = arith.maximumf %add3A_33, %max3A_35 : vector<2000x128xf32>
    %swap3A = arith.constant 0 : index
    %swap3A_37 = arith.constant 0 : index
    %swap3A_38 = vector.load %arg9[%swap3A, %swap3A_37] : memref<2000x128xf32, #tpu.memory_space<vmem>>, vector<2000x128xf32>
    tpu.vector_store %arg9[%swap3A, %swap3A_37], %max3A_36 {strides = array<i32>} : memref<2000x128xf32, #tpu.memory_space<vmem>>, vector<2000x128xf32>,
    return
  }
  func.func @transform_0(%arg0: i32) -> (i32, i32) {
    %c0_i32 = arith.constant 0 : i32
    %c0_i32_0 = arith.constant 0 : i32
    return %arg0, %c0_i32 : i32, i32
  }
  func.func @transform_1(%arg0: i32) -> (i32, i32) {
    %c0_i32 = arith.constant 0 : i32
    %c0_i32_0 = arith.constant 0 : i32
    return %arg0, %c0_i32 : i32, i32
  }
  func.func @transform_2(%arg0: i32) -> (i32, i32) {
    %c0_i32 = arith.constant 0 : i32
    %c0_i32_0 = arith.constant 0 : i32
    return %arg0, %c0_i32 : i32, i32
  }
  func.func @transform_3(%arg0: i32) -> (i32, i32) {
    %c0_i32 = arith.constant 0 : i32
    %c0_i32_0 = arith.constant 0 : i32
    %c0_i32_1 = arith.constant 0 : i32
    return %c0_i32, %c0_i32_0 : i32, i32
  }
  func.func @transform_4(%arg0: i32) -> (i32, i32) {
    %c0_i32 = arith.constant 0 : i32
    %c0_i32_0 = arith.constant 0 : i32
    %c0_i32_1 = arith.constant 0 : i32
    return %c0_i32, %c0_i32_0 : i32, i32
  }
  func.func @transform_5(%arg0: i32) -> (i32, i32) {
    %c0_i32 = arith.constant 0 : i32
    %c0_i32_0 = arith.constant 0 : i32
    %c0_i32_1 = arith.constant 0 : i32
    return %c0_i32, %c0_i32_0 : i32, i32
  }
  func.func @transform_6(%arg0: i32) -> (i32, i32) {
    %c0_i32 = arith.constant 0 : i32
    %c0_i32_0 = arith.constant 0 : i32
    %c0_i32_1 = arith.constant 0 : i32
    return %c0_i32, %c0_i32_0 : i32, i32
  }
  func.func @transform_7(%arg0: i32) -> (i32, i32) {
    %c0_i32 = arith.constant 0 : i32
    %c0_i32_0 = arith.constant 0 : i32
    %c0_i32_1 = arith.constant 0 : i32
    return %c0_i32, %c0_i32_0 : i32, i32
  }
  func.func @transform_8(%arg0: i32) -> (i32, i32) {
    %c0_i32 = arith.constant 0 : i32
    %c0_i32_0 = arith.constant 0 : i32
    return %arg0, %c0_i32 : i32, i32
  }
}

module attributes {stable_mosaic.version = 14 : i64} {
  func.func @body(%arg0: i32, %arg1: memref<2000x128xf32, #tpu.memory_space<vmem>>, %arg2: memref<2000x128xf32, #tpu.memory_space<vmem>>, %arg3: memref<2000x128xf32, #tpu.memory_space<vmem>>, %arg4: memref<1x128xf32, #tpu.memory_space<vmem>>, %arg5: memref<128x256xf32, #tpu.memory_space<vmem>>, %arg6: memref<1x256xf32, #tpu.memory_space<vmem>>, %arg7: memref<256x128xf32, #tpu.memory_space<vmem>>, %arg8: memref<1x128xf32, #tpu.memory_space<vmem>>, %arg9: memref<2000x128xf32, #tpu.memory_space<vmem>>) attributes {dimension_semantics = [#tpu.dimension_semantics<arbitrary>], iteration_bounds = array<i64: 5>, scalar_prefetch = 0 : i64, scratch_operands = 0 : i64, tpu.core_type = #tpu.core_type<tc>, window_params = [{transform_indices = @transform_0, window_bounds = array<i64: 2000, 128>}, {transform_indices = @transform_1, window_bounds = array<i64: 2000, 128>}, {transform_indices = @transform_2, window_bounds = array<i64: 2000, 128>}, {pipeline_mode = #tpu.pipeline_mode<synchronous>, transform_indices = @transform_3, window_bounds = array<i64: 1, 128>}, {pipeline_mode = #tpu.pipeline_mode<synchronous>, transform_indices = @transform_4, window_bounds = array<i64: 128, 256>}, {pipeline_mode = #tpu.pipeline_mode<synchronous>, transform_indices = @transform_5, window_bounds = array<i64: 1, 256>}, {pipeline_mode = #tpu.pipeline_mode<synchronous>, transform_indices = @transform_6, window_bounds = array<i64: 256, 128>}, {pipeline_mode = #tpu.pipeline_mode<synchronous>, transform_indices = @transform_7, window_bounds = array<i64: 1, 128>}, {transform_indices = @transform_8, window_bounds = array<i64: 2000, 128>}]} {
    %get3A = arith.constant 0 : index
    %get3A_0 = arith.constant 0 : index
    %get3A_1 = vector.load %arg1[%get3A, %get3A_0] : memref<2000x128xf32, #tpu.memory_space<vmem>>, vector<2000x128xf32>
    %get3A_2 = arith.constant 0 : index
    %get3A_3 = arith.constant 0 : index
    %get3A_4 = vector.load %arg4[%get3A_2, %get3A_3] : memref<1x128xf32, #tpu.memory_space<vmem>>, vector<1x128xf32>
    %mul3A = vector.broadcast %get3A_4 : vector<1x128xf32> to vector<2000x128xf32>
    %mul3A_5 = arith.mulf %get3A_1, %mul3A : vector<2000x128xf32>
    %get3A_6 = arith.constant 0 : index
    %get3A_7 = arith.constant 0 : index
    %get3A_8 = vector.load %arg2[%get3A_6, %get3A_7] : memref<2000x128xf32, #tpu.memory_space<vmem>>, vector<2000x128xf32>
    %add3A = arith.addf %mul3A_5, %get3A_8 : vector<2000x128xf32>
    %get3A_9 = arith.constant 0 : index
    %get3A_10 = arith.constant 0 : index
    %get3A_11 = vector.load %arg3[%get3A_9, %get3A_10] : memref<2000x128xf32, #tpu.memory_space<vmem>>, vector<2000x128xf32>
    %add3A_12 = arith.addf %add3A, %get3A_11 : vector<2000x128xf32>
    %get3A_13 = arith.constant 0 : index
    %get3A_14 = arith.constant 0 : index
    %get3A_15 = vector.load %arg5[%get3A_13, %get3A_14] : memref<128x256xf32, #tpu.memory_space<vmem>>, vector<128x256xf32>
    %dot_general3A = arith.constant dense<0.000000e+00> : vector<2000x256xf32>
    %dot_general3A_16 = tpu.matmul %add3A_12, %get3A_15, %dot_general3A {dimension_numbers = #tpu.dot_dimension_numbers<[1], [0], [0], [1], [0, 0, 1, 1], [], []>, transpose_lhs_hint = false} : vector<2000x128xf32>, vector<128x256xf32>, vector<2000x256xf32> -> vector<2000x256xf32>
    %get3A_17 = arith.constant 0 : index
    %get3A_18 = arith.constant 0 : index
    %get3A_19 = vector.load %arg6[%get3A_17, %get3A_18] : memref<1x256xf32, #tpu.memory_space<vmem>>, vector<1x256xf32>
    %add3A_20 = vector.broadcast %get3A_19 : vector<1x256xf32> to vector<2000x256xf32>
    %add3A_21 = arith.addf %dot_general3A_16, %add3A_20 : vector<2000x256xf32>
    %max3A = arith.constant 0.000000e+00 : f32
    %max3A_22 = vector.broadcast %max3A : f32 to vector<2000x256xf32>
    %max3A_23 = arith.maximumf %add3A_21, %max3A_22 : vector<2000x256xf32>
    %get3A_24 = arith.constant 0 : index
    %get3A_25 = arith.constant 0 : index
    %get3A_26 = vector.load %arg7[%get3A_24, %get3A_25] : memref<256x128xf32, #tpu.memory_space<vmem>>, vector<256x128xf32>
    %dot_general3A_27 = arith.constant dense<0.000000e+00> : vector<2000x128xf32>
    %dot_general3A_28 = tpu.matmul %max3A_23, %get3A_26, %dot_general3A_27 {dimension_numbers = #tpu.dot_dimension_numbers<[1], [0], [0], [1], [0, 0, 1, 1], [], []>, transpose_lhs_hint = false} : vector<2000x256xf32>, vector<256x128xf32>, vector<2000x128xf32> -> vector<2000x128xf32>
    %get3A_29 = arith.constant 0 : index
    %get3A_30 = arith.constant 0 : index
    %get3A_31 = vector.load %arg8[%get3A_29, %get3A_30] : memref<1x128xf32, #tpu.memory_space<vmem>>, vector<1x128xf32>
    %add3A_32 = vector.broadcast %get3A_31 : vector<1x128xf32> to vector<2000x128xf32>
    %add3A_33 = arith.addf %dot_general3A_28, %add3A_32 : vector<2000x128xf32>
    %swap3A = arith.constant 0 : index
    %swap3A_34 = arith.constant 0 : index
    %swap3A_35 = vector.load %arg9[%swap3A, %swap3A_34] : memref<2000x128xf32, #tpu.memory_space<vmem>>, vector<2000x128xf32>
    tpu.vector_store %arg9[%swap3A, %swap3A_34], %add3A_33 {strides = array<i32>} : memref<2000x128xf32, #tpu.memory_space<vmem>>, vector<2000x128xf32>,
    return
  }
  func.func @transform_0(%arg0: i32) -> (i32, i32) {
    %c0_i32 = arith.constant 0 : i32
    %c0_i32_0 = arith.constant 0 : i32
    return %arg0, %c0_i32 : i32, i32
  }
  func.func @transform_1(%arg0: i32) -> (i32, i32) {
    %c0_i32 = arith.constant 0 : i32
    %c0_i32_0 = arith.constant 0 : i32
    return %arg0, %c0_i32 : i32, i32
  }
  func.func @transform_2(%arg0: i32) -> (i32, i32) {
    %c0_i32 = arith.constant 0 : i32
    %c0_i32_0 = arith.constant 0 : i32
    return %arg0, %c0_i32 : i32, i32
  }
  func.func @transform_3(%arg0: i32) -> (i32, i32) {
    %c0_i32 = arith.constant 0 : i32
    %c0_i32_0 = arith.constant 0 : i32
    %c0_i32_1 = arith.constant 0 : i32
    return %c0_i32, %c0_i32_0 : i32, i32
  }
  func.func @transform_4(%arg0: i32) -> (i32, i32) {
    %c0_i32 = arith.constant 0 : i32
    %c0_i32_0 = arith.constant 0 : i32
    %c0_i32_1 = arith.constant 0 : i32
    return %c0_i32, %c0_i32_0 : i32, i32
  }
  func.func @transform_5(%arg0: i32) -> (i32, i32) {
    %c0_i32 = arith.constant 0 : i32
    %c0_i32_0 = arith.constant 0 : i32
    %c0_i32_1 = arith.constant 0 : i32
    return %c0_i32, %c0_i32_0 : i32, i32
  }
  func.func @transform_6(%arg0: i32) -> (i32, i32) {
    %c0_i32 = arith.constant 0 : i32
    %c0_i32_0 = arith.constant 0 : i32
    %c0_i32_1 = arith.constant 0 : i32
    return %c0_i32, %c0_i32_0 : i32, i32
  }
  func.func @transform_7(%arg0: i32) -> (i32, i32) {
    %c0_i32 = arith.constant 0 : i32
    %c0_i32_0 = arith.constant 0 : i32
    %c0_i32_1 = arith.constant 0 : i32
    return %c0_i32, %c0_i32_0 : i32, i32
  }
  func.func @transform_8(%arg0: i32) -> (i32, i32) {
    %c0_i32 = arith.constant 0 : i32
    %c0_i32_0 = arith.constant 0 : i32
    return %arg0, %c0_i32 : i32, i32
  }
}

</mosaic_0001>

<sc_bundles>
// kernel: kernel.11.cloned.1.call-start
scs
__scs_entry_jumppad:
0x0: {  	(pc) =	sbr.rel $0x88, $3  }
0x1: {  	(tag) =	ssettag $0x0;
	lr =	simm.s32 $0x1  }
0x2: {  	[smem:$0x3F94] =	sst lr;
	_ =	strace $0xD0000000  }
0x3: {  	_ = 	snop  }
0x4: {  	_ = 	snop  }
0x5: {  	_ = 	snop  }
0x6: {  	_ = 	snop  }
0x7: {  	_ = 	snop  }
__scs_overlays_trampoline_lowered:
0x8: {  	[smem:$0x3FA3] =	sst s0  }
0x9: {  	[smem:$0x3FA4] =	sst s1  }
0xa: {  	[smem:$0x3FA5] =	sst s2  }
0xb: {  	[smem:$0x3FA6] =	sst s3  }
0xc: {  	[smem:$0x3FA7] =	sst s4  }
0xd: {  	[smem:$0x3FA8] =	sst s5  }
0xe: {  	[smem:$0x3FA9] =	sst s6  }
0xf: {  	[smem:$0x3FAA] =	sst s7  }
0x10: {  	[smem:$0x3FAB] =	sst s8  }
0x11: {  	[smem:$0x3FAC] =	sst s9;
	s0 =	simm.s32 @!p0 $0x0  }
0x12: {  	s1 =	sld [smem:$0x3F92];
	s0 =	simm.s32 @p0 $0x1  }
0x13: {  	[smem:$0x3FAD] =	sst s0;
	s0 =	simm.s32 @!p1 $0x0  }
0x14: {  	s2 =	sld [smem:$0x3F91];
	s0 =	simm.s32 @p1 $0x1  }
0x15: {  	[smem:$0x3FAE] =	sst s0;
	s0 =	simm.s32 @!p2 $0x0  }
0x16: {  	s3 =	sld [smem:$0x3FDB];
	s0 =	simm.s32 @p2 $0x1  }
0x17: {  	s4 =	simm.s32 $0x1BF5;
	[smem:$0x3FB0] =	sst s0  }
0x18: {  	s0 =	sld [smem:$0x3F93];
	_ =	swait.ge [sflag:s4], $0x0  }
0x19: {  	s7 =	sld [smem:$0x3F94]  }
0x1a: {  	s8 =	sadd.s32 $0xFFFFE003, lr  }
0x1b: {  	s9 =	sadd.s32 $0xFFFFFEF7, lr;
	s5 =	simm.s32 $0xFFFFFFFF;
	p2 =	slt.u32 s8, $0xFFFFF086  }
0x1c: {  	p1 =	slt.u32 s9, $0xF7A;
	s5 =	simm.s32 @!p2 $0x0  }
0x1d: {  	s5 =	simm.s32 @p1 $0x1;
	p0 =	seq.s32 s7, s2  }
0x1e: {  	s7 =	smul.u32 @!p0 $0xF7A, s2;
	p2 =	seq.s32 @!p0 s5, $0x0  }
0x1f: {  	s9 =	smul.u32 $0xF7A, s1;
	s8 =	simm.s32 @!p0 $0x1BF5;
	p2 =	por !p2, p0  }
0x20: {  	[sflag:s8] =	ssyncset.s32 @!p0 $0xFFFFF086;
	s6 =	sadd.s32 @!p0 s3, s7;
	s7 =	simm.s32 @!p0 $0x108  }
0x21: {  	s3 =	sadd.s32 s3, s9;
	s6 =	sadd.s32 @!p0 $0x88, s6;
	s7 =	simm.s32 @p2 $0x1082  }
0x22: {  	[simem:s7], [sflag:s8] =	dma.local @!p0 [hbm:s6], $0xF7A  }
0x23: {  	s9 =	sor.u32 $0xD0000000, s2;
	s6 =	simm.s32 $0x108;
	_ =	swait.ge @!p0 [sflag:s8], $0x0  }
0x24: {  	s3 =	sadd.s32 $0x88, s3;
	s6 =	simm.s32 @!p1 $0x1082;
	[sflag:s4] =	ssyncset.s32 $0xFFFFF086  }
0x25: {  	[simem:s6], [sflag:s4] =	dma.local [hbm:s3], $0xF7A  }
0x26: {  	[smem:$0x3F94] =	sst s1;
	(tag) =	ssettag s2;
	_ =	strace s9  }
0x27: {  	s1 =	sld [smem:$0x3FA4]  }
0x28: {  	s2 =	sld [smem:$0x3FA5]  }
0x29: {  	s4 =	sld [smem:$0x3FA7]  }
0x2a: {  	p0 =	seq.s32 s5, $0x0;
	s5 =	sld [smem:$0x3FA8]  }
0x2b: {  	s6 =	sld [smem:$0x3FA9]  }
0x2c: {  	s7 =	sld [smem:$0x3FAA]  }
0x2d: {  	s3 =	simm.s32 $0x108;
	s8 =	sld [smem:$0x3FAB]  }
0x2e: {  	s3 =	simm.s32 @!p0 $0x1082;
	s9 =	sld [smem:$0x3FAC]  }
0x2f: {  	lr =	sadd.s32 s0, s3;
	s0 =	sld [smem:$0x3FA3]  }
0x30: {  	s3 =	sld [smem:$0x3FA6]  }
0x31: {  	[smem:$0x3FAF] =	sst s10  }
0x32: {  	s10 =	sld [smem:$0x3FAD];
	_ =	sdelay $0x3  }
0x33: {  	p0 =	seq.s32 s10, $0x1;
	s10 =	sld [smem:$0x3FAF];
	_ =	sdelay $0x3  }
0x34: {  	[smem:$0x3FAF] =	sst s10  }
0x35: {  	s10 =	sld [smem:$0x3FAE];
	_ =	sdelay $0x3  }
0x36: {  	p1 =	seq.s32 s10, $0x1;
	s10 =	sld [smem:$0x3FAF];
	_ =	sdelay $0x3  }
0x37: {  	[smem:$0x3FAF] =	sst s10  }
0x38: {  	s10 =	sld [smem:$0x3FB0]  }
0x39: {  	_ = 	snop;
	(pc) =	sbr.ind lr, $3  }
0x3a: {  	_ = 	snop  }
0x3b: {  	_ = 	snop  }
0x3c: {  	p2 =	seq.s32 s10, $0x1;
	s10 =	sld [smem:$0x3FAF]  }
0x3d: {  	_ =	shalt  }
0x3e: {  	_ =	shalt  }
0x3f: {  	_ =	shalt  }
0x40: {  	_ =	shalt  }
0x41: {  	_ =	shalt  }
0x42: {  	_ =	shalt  }
0x43: {  	_ =	shalt  }
0x44: {  	_ =	shalt  }
0x45: {  	_ =	shalt  }
0x46: {  	_ =	shalt  }
0x47: {  	_ =	shalt  }
0x48: {  	_ =	shalt  }
0x49: {  	_ =	shalt  }
0x4a: {  	_ =	shalt  }
0x4b: {  	_ =	shalt  }
0x4c: {  	_ =	shalt  }
0x4d: {  	_ =	shalt  }
0x4e: {  	_ =	shalt  }
0x4f: {  	_ =	shalt  }
0x50: {  	_ =	shalt  }
0x51: {  	_ =	shalt  }
0x52: {  	_ =	shalt  }
0x53: {  	_ =	shalt  }
0x54: {  	_ =	shalt  }
0x55: {  	_ =	shalt  }
0x56: {  	_ =	shalt  }
0x57: {  	_ =	shalt  }
0x58: {  	_ =	shalt  }
0x59: {  	_ =	shalt  }
0x5a: {  	_ =	shalt  }
0x5b: {  	_ =	shalt  }
0x5c: {  	_ =	shalt  }
0x5d: {  	_ =	shalt  }
0x5e: {  	_ =	shalt  }
0x5f: {  	_ =	shalt  }
0x60: {  	_ =	shalt  }
0x61: {  	_ =	shalt  }
0x62: {  	_ =	shalt  }
0x63: {  	_ =	shalt  }
0x64: {  	_ =	shalt  }
0x65: {  	_ =	shalt  }
0x66: {  	_ =	shalt  }
0x67: {  	_ =	shalt  }
0x68: {  	_ =	shalt  }
0x69: {  	_ =	shalt  }
0x6a: {  	_ =	shalt  }
0x6b: {  	_ =	shalt  }
0x6c: {  	_ =	shalt  }
0x6d: {  	_ =	shalt  }
0x6e: {  	_ =	shalt  }
0x6f: {  	_ =	shalt  }
0x70: {  	_ =	shalt  }
0x71: {  	_ =	shalt  }
0x72: {  	_ =	shalt  }
0x73: {  	_ =	shalt  }
0x74: {  	_ =	shalt  }
0x75: {  	_ =	shalt  }
0x76: {  	_ =	shalt  }
0x77: {  	_ =	shalt  }
0x78: {  	_ =	shalt  }
0x79: {  	_ =	shalt  }
0x7a: {  	_ =	shalt  }
0x7b: {  	_ =	shalt  }
0x7c: {  	_ =	shalt  }
0x7d: {  	_ =	shalt  }
0x7e: {  	_ =	shalt  }
0x7f: {  	_ =	shalt  }
0x80: {  	_ =	shalt  }
0x81: {  	_ =	shalt  }
0x82: {  	_ =	shalt  }
0x83: {  	_ =	shalt  }
0x84: {  	_ =	shalt  }
0x85: {  	_ =	shalt  }
0x86: {  	_ =	shalt  }
0x87: {  	_ =	shalt  }
.Lfunc_end0:
.L_simem_size_0:
called_computation.1_lowered:
.L_overlay_start_0:
0x88: {  	s2 =	sld [smem:$0x3FD9]  }
0x89: {  	s3 =	sld [smem:$0x3FFE];
	_ =	sdelay $0x1  }
0x8a: {  	s1 =	srdreg.scid  }
0x8b: {  	s0 =	sand.u32 $0x1, s1  }
0x8c: {  	s17 =	sshll.u32 s0, $0xA;
	s2 =	sadd.s32 s3, s2  }
0x8d: {  	s2 =	sadd.s32 s2, s17  }
0x8e: {  	[smem:$0x3FBB] =	sst s2  }
0x8f: {  	_ = 	snop  }
0x90: {  	s2 =	sld [smem:$0x3FC8]  }
0x91: {  	s18 =	sld [smem:$0x3FD0];
	(tm) =	ssettm $0x1  }
0x92: {  	s4 =	sld [smem:$0x3FFB];
	_ =	sdelay $0x3  }
0x93: {  	_ =	strace s4  }
0x94: {  	s4 =	sld [smem:$0x3FFC];
	_ =	sdelay $0x3  }
0x95: {  	_ =	strace s4  }
0x96: {  	s4 =	sld [smem:$0x3FFD];
	_ =	sdelay $0x3  }
0x97: {  	_ =	strace s4  }
0x98: {  	_ =	strace $0x8FFFFFFF  }
0x99: {  	s19 =	sld [smem:$0x3FDB];
	_ =	sdelay $0x1  }
0x9a: {  	s5 =	simm.s32 $_scs_section_size  }
0x9b: {  	s6 =	simm.s32 $_size__tile_overlayer_lowered;
	s7 =	simm.s32 $_tile_overlayer_lowered  }
0x9c: {  	s22 =	simm.s32 $0x1BFF;
	s21 =	sshll.u32 s7, $0x1;
	s4 =	sadd.s32 s5, s19  }
0x9d: {  	s8 =	simm.s32 $0x0;
	s20 =	sshll.u32 s6, $0x1;
	s6 =	sadd.s32 s21, s4  }
0x9e: {  	[timem:s8], [sflag:s22] =	dma.local [hbm:s6], s20  }
0x9f: {  	_ =	swait.ge [sflag:s22], s20  }
0xa0: {  	s5 =	ssub.s32 $0x0, s20;
	[sflag:s22] =	ssyncset.done $0x0  }
0xa1: {  	[sflag:s22] =	ssyncadd.s32 s5;
	_ =	sdelay $0x1  }
0xa2: {  	s23 =	simm.s32 $0x1B8B  }
0xa3: {  	_ =	swait.ge [sflag:s23], $0x1  }
0xa4: {  	[sflag:s23] =	ssyncset.done $0x0  }
0xa5: {  	s25 =	simm.s32 $0x1B8E;
	s24 =	sld [smem:$0x3FFE];
	[sflag:s23] =	ssyncadd.s32 $0xFFFFFFFF  }
0xa6: {  	s26 =	simm.s32 $execute0_lowered;
	[smem:$0x3FD2] =	sst s25  }
0xa7: {  	s6 =	sshll.u32 s26, $0x1;
	_ =	strace $0x80000049;
	[dreg:$0x1] =	wrdreg $0xFFFFFFFF  }
0xa8: {  	s28 =	simm.s32 $_size_execute0_lowered;
	s4 =	sadd.s32 s4, s6;
	[dreg:$0x0] =	wrdreg $0x0  }
0xa9: {  	s6 =	sshll.u32 s28, $0x1;
	[dreg:$0x2] =	wrdreg s4  }
0xaa: {  	[dreg:$0x3] =	wrdreg s6  }
0xab: {  	[dreg:$0x4] =	wrdreg $0xC0  }
0xac: {  	_ =	task [dreg:s8], $0x5FFFF  }
0xad: {  	[dreg:$0x1] =	wrdreg $0xFFFFFFFF  }
0xae: {  	[dreg:$0x0] =	wrdreg $0x60  }
0xaf: {  	[dreg:$0x2] =	wrdreg s18  }
0xb0: {  	[dreg:$0x3] =	wrdreg s2  }
0xb1: {  	[dreg:$0x4] =	wrdreg s24  }
0xb2: {  	[dreg:$0x5] =	wrdreg $0x81800  }
0xb3: {  	[dreg:$0x6] =	wrdreg $0x9  }
0xb4: {  	_ =	task.clear_ibuf [dreg:s8], $0x7FFFF;
	_ =	strace $0x90000049  }
0xb5: {  	s29 =	simm.s32 $0x9;
	_ =	strace $0x8000004B  }
0xb6: {  	_ =	swait.ge [sflag:s29], $0x1  }
0xb7: {  	[sflag:s29] =	ssyncadd.s32 $0xFFFFFFFF  }
0xb8: {  	_ =	strace $0x9000004B  }
0xb9: {  	_ =	sfence  }
0xba: {  	s30 =	sld [smem:$0x0];
	_ =	sdelay $0x2  }
0xbb: {  	s31 =	sshll.u32 s1, $0xD;
	s1 =	sshrl.u32 s1, $0x2  }
0xbc: {  	s3 =	sand.u32 $0x4000, s31;
	s1 =	sadd.s32 s1, s30  }
0xbd: {  	s0 =	sor.u32 s3, s0;
	s1 =	sshll.u32 s1, $0x11  }
0xbe: {  	s0 =	sor.u32 s1, s0  }
0xbf: {  	s0 =	sadd.s32 $0x8F2B, s0  }
0xc0: {  	[sflag:s0] =	ssyncadd.remote.s32 $0x1  }
0xc1: {  	_ =	sfence.sel $0xFFFF  }
0xc2: {  	[dreg:$0x0] =	wrdreg $0xFFFFFFFF;
	(pc) =	sbr.abs _section_cstart, $3  }
0xc3: {  	[dreg:$0x1] =	wrdreg $0xFFFFFFFF  }
0xc4: {  	_ =	task.clear_ibuf [dreg:s8], $0x2FFFF;
	_ =	strace $0x9FFFFFFF  }
0xc5: {  	(tm) =	ssettm $0x7FFFFFFF  }
tec
execute0_lowered:
.L_overlay_start_1:
0x0: {  	(tag) =	ssettag $0x1  }
0x1: {  	s1 =	rddreg [dreg:$0x0]  }
0x2: {  	s2 =	rddreg [dreg:$0x1]  }
0x3: {  	s0 =	rddreg [dreg:$0x2]  }
0x4: {  	s3 =	rddreg [dreg:$0x3];
	s5 =	simm.s32 $0x0;
	s4 =	srdreg.scid  }
0x5: {  	s24 =	stileid.u32;
	s28 =	simm.s32 $0x80;
	s29 =	simm.s32 $0x100  }
0x6: {  	s30 =	simm.s32 $0x4180;
	s31 =	simm.s32 $0x1;
	[smem:$0x7FF] =	sst s5  }
0x7: {  	s6 =	sand.u32 $0x1, s4;
	s10 =	smul.u32 $0x4E000, s24;
	s7 =	sadd.s32 $0x4C00, s0  }
0x8: {  	s17 =	smul.u32 $0x13800, s24;
	s8 =	sadd.s32 $0x5CC00, s0;
	s0 =	sadd.s32 $0xEA00, s0  }
0x9: {  	s15 =	sadd.s32 $0x138000, s3;
	s16 =	sadd.s32 $0x10, s2;
	p0 =	sne.s32 s24, $0xF  }
0xa: {  	_ =	strace $0x8000004A;
	s4 =	ssub.s32 $0x2, s6;
	s22 =	smul.u32 $0x138800, s6  }
0xb: {  	s9 =	sshrl.u32 s4, $0x1;
	s10 =	sshrl.u32 s10, $0x2;
	s18 =	sadd.s32 $0x4000, s17  }
0xc: {  	s19 =	sadd.s32 $0x8000, s17;
	s20 =	sadd.s32 $0xC000, s17;
	s21 =	sadd.s32 $0x10000, s17  }
0xd: {  	s4 =	ssub.s32 s4, s9;
	s9 =	sshll.u32 s24, $0x1;
	s10 =	sadd.s32 s10, s3  }
0xe: {  	s11 =	sadd.s32 s18, s3;
	s12 =	sadd.s32 s19, s3;
	s13 =	sadd.s32 s20, s3  }
0xf: {  	s14 =	sadd.s32 s21, s3;
	s17 =	sadd.s32 s17, s22;
	s18 =	sadd.s32 s22, s18  }
0x10: {  	s19 =	sadd.s32 s22, s19;
	s20 =	sadd.s32 s22, s20;
	s21 =	sadd.s32 s22, s21  }
0x11: {  	s23 =	sshrl.u32 s22, $0x3;
	s24 =	simm.s32 $0x180;
	s17 =	sshrl.u32 s17, $0x3  }
0x12: {  	s25 =	sshrl.u32 s18, $0x3;
	s26 =	sshrl.u32 s19, $0x3;
	s17 =	sadd.s32 s0, s17  }
0x13: {  	s19 =	sadd.s32 s0, s26;
	s26 =	sadd.s32 s0, s23;
	s23 =	smax.u32 s4, $0x1  }
.Ltmp0:
0x14: {  	[dreg:$0x5] =	wrdreg s17;
	s17 =	sadd.s32 s0, s25;
	(pc) =	sbr.rel .LBB2_1-.Ltmp0, $4  }
0x15: {  	[dreg:$0x7] =	wrdreg s19;
	s25 =	sshrl.u32 s21, $0x3;
	s22 =	sadd.s32 $0x27000, s26  }
0x16: {  	s26 =	simm.s32 $0x4;
	[dreg:$0x6] =	wrdreg s17;
	s17 =	sshrl.u32 s20, $0x3  }
0x17: {  	s21 =	sadd.s32 s0, s25;
	s25 =	simm.s32 $0x3;
	s17 =	sadd.s32 s0, s17  }
0x18: {  	v0 =	vimm.f32 $0.0e+00;
	s20 =	simm.s32 $0x0;
	s0 =	simm.s32 $0x2;
	[dreg:$0x8] =	wrdreg s17  }
.LBB2_9:
0x19: {  	s4 =	stileid.u32  }
0x1a: {  	[bflag:$0x0] =	sbarrier.arrive $0xFFFF;
	s4 =	sshll.u32 s4, $0x6  }
0x1b: {  	s17 =	sshrl.u32 s10, $0x3;
	s18 =	rddreg [dreg:$0x5];
	s4 =	sor.u32 $0x1C03, s4  }
0x1c: {  	[hbm:s18], [sflag:s4] =	dma.local [spmem:s17], $0x800  }
0x1d: {  	_ =	swait.ge [sflag:s25], $0x800  }
0x1e: {  	[sflag:s25] =	ssyncset.done $0x0  }
0x1f: {  	s18 =	sshrl.u32 s11, $0x3;
	s19 =	rddreg [dreg:$0x6];
	[sflag:s25] =	ssyncadd.s32 $0xFFFFF800  }
0x20: {  	[hbm:s19], [sflag:s4] =	dma.local [spmem:s18], $0x800  }
0x21: {  	_ =	swait.ge [sflag:s25], $0x800  }
0x22: {  	[sflag:s25] =	ssyncset.done $0x0  }
0x23: {  	s18 =	sshrl.u32 s12, $0x3;
	s19 =	rddreg [dreg:$0x7];
	[sflag:s25] =	ssyncadd.s32 $0xFFFFF800  }
0x24: {  	[hbm:s19], [sflag:s4] =	dma.local [spmem:s18], $0x800  }
0x25: {  	_ =	swait.ge [sflag:s25], $0x800  }
0x26: {  	[sflag:s25] =	ssyncset.done $0x0  }
0x27: {  	s18 =	sshrl.u32 s13, $0x3;
	s19 =	rddreg [dreg:$0x8];
	[sflag:s25] =	ssyncadd.s32 $0xFFFFF800  }
0x28: {  	[hbm:s19], [sflag:s4] =	dma.local [spmem:s18], $0x800  }
0x29: {  	_ =	swait.ge [sflag:s25], $0x800  }
0x2a: {  	[sflag:s25] =	ssyncset.done $0x0  }
0x2b: {  	s19 =	sshrl.u32 s14, $0x3;
	[sflag:s25] =	ssyncadd.s32 $0xFFFFF800  }
0x2c: {  	[hbm:s21], [sflag:s4] =	dma.local [spmem:s19], $0x700  }
0x2d: {  	_ =	swait.ge [sflag:s25], $0x700  }
0x2e: {  	s5 =	sadd.s32 $0x1, s5;
	[sflag:s25] =	ssyncset.done $0x0  }
0x2f: {  	p1 =	sne.s32 s5, s23;
	s17 =	sshrl.u32 @!p0 s15, $0x3;
	[sflag:s25] =	ssyncadd.s32 $0xFFFFF900  }
0x30: {  	[hbm:s22], [sflag:s4] =	dma.local @!p0 [spmem:s17], $0x100  }
.Ltmp1:
0x31: {  	_ = 	snop;
	(pc) =	sbr.rel @!p1 .LBB2_10-.Ltmp1, $4  }
0x32: {  	s4 =	simm.s32 @!p0 $0x3  }
0x33: {  	_ =	swait.ge @!p0 [sflag:s4], $0x100  }
0x34: {  	[sflag:s4] =	ssyncset.done @!p0 $0x0  }
0x35: {  	[sflag:s4] =	ssyncadd.s32 @!p0 $0xFFFFFF00  }
.LBB2_1:
0x36: {  	s4 =	simm.s32 $0x0;
	s17 =	simm.s32 $0x200  }
.LBB2_2:
0x37: {  	p1 =	sne.s32 s17, $0xFE00;
	[tilespmem:s4+$0x1F0] =	vst v0  }
0x38: {  	[tilespmem:s4+$0x180] =	vst v0  }
0x39: {  	[tilespmem:s4+$0x190] =	vst v0  }
.Ltmp2:
0x3a: {  	[tilespmem:s4+$0x1A0] =	vst v0;
	(pc) =	sbr.rel @p1 .LBB2_2-.Ltmp2, $4  }
0x3b: {  	[tilespmem:s4+$0x1B0] =	vst v0  }
0x3c: {  	[tilespmem:s4+$0x1C0] =	vst v0  }
0x3d: {  	[tilespmem:s4+$0x1D0] =	vst v0  }
0x3e: {  	[tilespmem:s4+$0x1E0] =	vst v0;
	s4 =	sshra.s32 s17, $0x2;
	s17 =	sadd.s32 $0x200, s17  }
0x3f: {  	[tilespmem:s4+$0x1F0] =	vst v0  }
0x40: {  	[tilespmem:s4+$0x180] =	vst v0  }
0x41: {  	[tilespmem:s4+$0x190] =	vst v0  }
0x42: {  	[tilespmem:s4+$0x1A0] =	vst v0  }
0x43: {  	[tilespmem:s4+$0x1B0] =	vst v0  }
0x44: {  	[tilespmem:s4+$0x1C0] =	vst v0  }
0x45: {  	[tilespmem:s4+$0x1D0] =	vst v0  }
0x46: {  	[tilespmem:s4+$0x1E0] =	vst v0  }
0x47: {  	[spmem:s10] =	stream.linear.scatter [tilespmem:s24], [sflag:$0x3], $0x4000, $0x38;
	[tilespmem:$0x1BA00] =	vst v63  }
0x48: {  	_ =	swait.ge [sflag:s25], $0x4000  }
0x49: {  	[sflag:s25] =	ssyncset.done $0x0  }
0x4a: {  	[sflag:s25] =	ssyncadd.s32 $0xFFFFC000  }
0x4b: {  	[spmem:s11] =	stream.linear.scatter [tilespmem:s24], [sflag:$0x3], $0x4000, $0x38;
	[tilespmem:$0x1BA00] =	vst v63  }
0x4c: {  	_ =	swait.ge [sflag:s25], $0x4000  }
0x4d: {  	[sflag:s25] =	ssyncset.done $0x0  }
0x4e: {  	[sflag:s25] =	ssyncadd.s32 $0xFFFFC000  }
0x4f: {  	[spmem:s12] =	stream.linear.scatter [tilespmem:s24], [sflag:$0x3], $0x4000, $0x38;
	[tilespmem:$0x1BA00] =	vst v63  }
0x50: {  	_ =	swait.ge [sflag:s25], $0x4000  }
0x51: {  	[sflag:s25] =	ssyncset.done $0x0  }
0x52: {  	[sflag:s25] =	ssyncadd.s32 $0xFFFFC000  }
0x53: {  	[spmem:s13] =	stream.linear.scatter [tilespmem:s24], [sflag:$0x3], $0x4000, $0x38;
	[tilespmem:$0x1BA00] =	vst v63  }
0x54: {  	_ =	swait.ge [sflag:s25], $0x4000  }
0x55: {  	[sflag:s25] =	ssyncset.done $0x0  }
0x56: {  	[sflag:s25] =	ssyncadd.s32 $0xFFFFC000  }
0x57: {  	[spmem:s14] =	stream.linear.scatter [tilespmem:s24], [sflag:$0x3], $0x3800, $0x38;
	[tilespmem:$0x1BA00] =	vst v63  }
0x58: {  	_ =	swait.ge [sflag:s25], $0x3800  }
0x59: {  	[sflag:s25] =	ssyncset.done $0x0  }
0x5a: {  	s4 =	simm.s32 @!p0 $0x180;
	[sflag:s25] =	ssyncadd.s32 $0xFFFFC800  }
0x5b: {  	[spmem:s15] =	stream.linear.scatter @!p0 [tilespmem:s4], [sflag:$0x3], $0x800, $0x38;
	[tilespmem:$0x1BA00] =	vst v63  }
0x5c: {  	s4 =	simm.s32 @!p0 $0x3  }
.Ltmp3:
0x5d: {  	_ =	swait.ge @!p0 [sflag:s4], $0x800;
	(pc) =	sbr.rel .LBB2_4-.Ltmp3, $4  }
0x5e: {  	[sflag:s4] =	ssyncset.done @!p0 $0x0  }
0x5f: {  	[sflag:s4] =	ssyncadd.s32 @!p0 $0xFFFFF800  }
0x60: {  	[bflag:$0x0] =	sbarrier.arrive $0xFFFF  }
0x61: {  	s4 =	simm.s32 $0x0  }
.LBB2_8:
0x62: {  	s4 =	sadd.s32 $0x1, s4  }
0x63: {  	p1 =	sne.s32 s4, $0x4F  }
.Ltmp4:
0x64: {  	_ = 	snop;
	(pc) =	sbr.rel @!p1 .LBB2_9-.Ltmp4, $1  }
0x65: {  	_ =	sdelay $0x3  }
.LBB2_4:
0x66: {  	s17 =	sshll.u32 s4, $0x5  }
0x67: {  	s17 =	sor.u32 s9, s17  }
0x68: {  	p1 =	sgt.u32 s17, $0x9C3  }
.Ltmp5:
0x69: {  	_ = 	snop;
	(pc) =	sbr.rel @p1 .LBB2_8-.Ltmp5, $1  }
0x6a: {  	_ =	sdelay $0x3  }
0x6b: {  	s17 =	sor.u32 s6, s17  }
0x6c: {  	s18 =	sshll.u32 s17, $0x5  }
0x6d: {  	s19 =	sadd.s32 s2, s18  }
0x6e: {  	[tilespmem:s20], [sflag:$0x4] =	stream.linear.gather [hbm4b:s19+s20], $0x80, $0x38;
	[tilespmem:$0x1BA00] =	vst v63  }
0x6f: {  	_ =	swait.ge [sflag:s26], $0x80  }
0x70: {  	[sflag:s26] =	ssyncset.done $0x0  }
0x71: {  	s18 =	sadd.s32 s18, s16;
	[sflag:s26] =	ssyncadd.s32 $0xFFFFFF80  }
0x72: {  	[tilespmem:s28], [sflag:$0x4] =	stream.linear.gather [hbm4b:s18+s20], $0x80, $0x38;
	[tilespmem:$0x1BA00] =	vst v63  }
0x73: {  	_ =	swait.ge [sflag:s26], $0x80  }
0x74: {  	s17 =	sshll.u32 s17, $0x4;
	[sflag:s26] =	ssyncset.done $0x0  }
0x75: {  	s17 =	sadd.s32 s7, s17;
	[sflag:s26] =	ssyncadd.s32 $0xFFFFFF80  }
0x76: {  	[tilespmem:s29], [sflag:$0x4] =	stream.linear.gather [hbm4b:s17+s20], $0x80, $0x38;
	[tilespmem:$0x1BA00] =	vst v63  }
0x77: {  	_ =	swait.ge [sflag:s26], $0x80  }
0x78: {  	[sflag:s26] =	ssyncset.done $0x0  }
0x79: {  	[sflag:s26] =	ssyncadd.s32 $0xFFFFFF80  }
0x7a: {  	[tilespmem:s24], [sflag:$0x1] =	stream.indirect.gather [hbm4b:s8+s28], $0x80, s29, s28, $0xb8;
	[tilespmem:$0x1BA00] =	vst v63  }
0x7b: {  	_ = 	snop  }
0x7c: {  	[tilespmem:s30], [sflag:$0x2] =	stream.indirect.gather [hbm4b:s1+s28], $0x80, s20, s28, $0xb8;
	[tilespmem:$0x1BA00] =	vst v63  }
0x7d: {  	_ =	swait.ge [sflag:s31], $0x4000  }
0x7e: {  	[sflag:s31] =	ssyncset.done $0x0  }
0x7f: {  	[sflag:s31] =	ssyncadd.s32 $0xFFFFC000  }
0x80: {  	_ =	swait.ge [sflag:s0], $0x4000  }
0x81: {  	[sflag:s0] =	ssyncset.done $0x0  }
0x82: {  	s17 =	simm.s32 $0x0;
	[sflag:s0] =	ssyncadd.s32 $0xFFFFC000  }
0x83: {  	v7 =	vld [tilespmem:s17+$0x4180]  }
0x84: {  	v12 =	vld [tilespmem:s17+$0x4190]  }
0x85: {  	v6 =	vld [tilespmem:s17+$0x41A0]  }
0x86: {  	v5 =	vld [tilespmem:s17+$0x41B0]  }
0x87: {  	v4 =	vld [tilespmem:s17+$0x41C0]  }
0x88: {  	v3 =	vld [tilespmem:s17+$0x41D0]  }
0x89: {  	v2 =	vld [tilespmem:s17+$0x41E0]  }
0x8a: {  	v1 =	vld [tilespmem:s17+$0x41F0]  }
0x8b: {  	v13 =	vld [tilespmem:s17+$0x180]  }
0x8c: {  	v14 =	vld [tilespmem:s17+$0x190]  }
0x8d: {  	v11 =	vld [tilespmem:s17+$0x1A0]  }
0x8e: {  	v10 =	vld [tilespmem:s17+$0x1B0]  }
0x8f: {  	v9 =	vld [tilespmem:s17+$0x1C0]  }
0x90: {  	v8 =	vld [tilespmem:s17+$0x1D0];
	v13 =	vadd.f32 v7, v13  }
0x91: {  	s18 =	simm.s32 $0x200;
	v12 =	vadd.f32 v12, v14;
	v7 =	vld [tilespmem:s17+$0x1E0]  }
.LBB2_6:
0x92: {  	s19 =	sshra.s32 s18, $0x2;
	p1 =	sne.s32 s18, $0xFE00;
	v13 =	vmax.f32 v13, $0.0e+00;
	v6 =	vadd.f32 v6, v11;
	v11 =	vld [tilespmem:s17+$0x1F0]  }
0x93: {  	v14 =	vld [tilespmem:s19+$0x4180];
	[tilespmem:s17+$0x180] =	vst v13;
	v12 =	vmax.f32 v12, $0.0e+00;
	v5 =	vadd.f32 v5, v10  }
0x94: {  	v15 =	vld [tilespmem:s19+$0x4190];
	[tilespmem:s17+$0x190] =	vst v12;
	v10 =	vmax.f32 v6, $0.0e+00;
	v4 =	vadd.f32 v4, v9  }
0x95: {  	v6 =	vld [tilespmem:s19+$0x41A0];
	[tilespmem:s17+$0x1A0] =	vst v10;
	v9 =	vmax.f32 v5, $0.0e+00;
	v3 =	vadd.f32 v3, v8  }
0x96: {  	v5 =	vld [tilespmem:s19+$0x41B0];
	[tilespmem:s17+$0x1B0] =	vst v9;
	v8 =	vmax.f32 v4, $0.0e+00;
	v2 =	vadd.f32 v2, v7  }
0x97: {  	v4 =	vld [tilespmem:s19+$0x41C0];
	[tilespmem:s17+$0x1C0] =	vst v8;
	v7 =	vmax.f32 v3, $0.0e+00;
	v1 =	vadd.f32 v1, v11  }
0x98: {  	v3 =	vld [tilespmem:s19+$0x41D0];
	[tilespmem:s17+$0x1D0] =	vst v7;
	v7 =	vmax.f32 v2, $0.0e+00  }
0x99: {  	v2 =	vld [tilespmem:s19+$0x41E0];
	[tilespmem:s17+$0x1E0] =	vst v7;
	v7 =	vmax.f32 v1, $0.0e+00  }
0x9a: {  	v1 =	vld [tilespmem:s19+$0x41F0];
	[tilespmem:s17+$0x1F0] =	vst v7;
	s17 =	smov.u32 s19  }
0x9b: {  	v7 =	vld [tilespmem:s17+$0x180]  }
0x9c: {  	v12 =	vld [tilespmem:s17+$0x190]  }
.Ltmp6:
0x9d: {  	v11 =	vld [tilespmem:s17+$0x1A0];
	(pc) =	sbr.rel @p1 .LBB2_6-.Ltmp6, $4  }
0x9e: {  	v10 =	vld [tilespmem:s17+$0x1B0]  }
0x9f: {  	v9 =	vld [tilespmem:s17+$0x1C0]  }
0xa0: {  	v13 =	vadd.f32 v14, v7;
	v8 =	vld [tilespmem:s17+$0x1D0]  }
0xa1: {  	s18 =	sadd.s32 $0x200, s18;
	v12 =	vadd.f32 v15, v12;
	v7 =	vld [tilespmem:s17+$0x1E0]  }
0xa2: {  	v13 =	vmax.f32 v13, $0.0e+00;
	v6 =	vadd.f32 v6, v11;
	v63 =	vld [tilespmem:s17+$0x1F0]  }
0xa3: {  	[tilespmem:s17+$0x180] =	vst v13;
	v12 =	vmax.f32 v12, $0.0e+00;
	v5 =	vadd.f32 v5, v10  }
0xa4: {  	[tilespmem:s17+$0x190] =	vst v12;
	v6 =	vmax.f32 v6, $0.0e+00;
	v4 =	vadd.f32 v4, v9  }
0xa5: {  	[tilespmem:s17+$0x1A0] =	vst v6;
	v5 =	vmax.f32 v5, $0.0e+00;
	v3 =	vadd.f32 v3, v8  }
0xa6: {  	[tilespmem:s17+$0x1B0] =	vst v5;
	v4 =	vmax.f32 v4, $0.0e+00;
	v2 =	vadd.f32 v2, v7  }
0xa7: {  	[tilespmem:s17+$0x1C0] =	vst v4;
	v3 =	vmax.f32 v3, $0.0e+00;
	v1 =	vadd.f32 v1, v63  }
0xa8: {  	[tilespmem:s17+$0x1D0] =	vst v3;
	v2 =	vmax.f32 v2, $0.0e+00  }
0xa9: {  	[tilespmem:s17+$0x1E0] =	vst v2;
	v1 =	vmax.f32 v1, $0.0e+00  }
.Ltmp7:
0xaa: {  	[tilespmem:s17+$0x1F0] =	vst v1;
	(pc) =	sbr.rel .LBB2_8-.Ltmp7, $4  }
0xab: {  	[spmem:s3] =	stream.indirect.scatter.add.f32 [tilespmem:s24], [sflag:$0x3], $0x80, s28, s28, $0xb8;
	[tilespmem:$0x1BA00] =	vst v63  }
0xac: {  	_ =	swait.ge [sflag:s25], $0x4000  }
0xad: {  	[sflag:s25] =	ssyncset.done $0x0  }
0xae: {  	[sflag:s25] =	ssyncadd.s32 $0xFFFFC000  }
.LBB2_10:
0xaf: {  	_ =	sfence.sel $0x180000  }
0xb0: {  	[bflag:$0x0] =	sbarrier.arrive $0xFFFF  }
0xb1: {  	_ =	strace $0x9000004A  }
0xb2: {  	s0 =	stileid.u32;
	[bflag:$0x2] =	sbarrier.arrive $0xFFFF  }
0xb3: {  	p0 =	sne.s32 s0, $0x0;
	s0 =	rddreg [dreg:$0x4]  }
0xb4: {  	s0 =	sadd.s32 @!p0 $0x100000, s0  }
0xb5: {  	[sflag:s0] =	ssyncadd.tile.s32 @!p0 $0x1;
	_ =	shalt  }
.Lfunc_end2:
_tile_overlayer_lowered:
.L_overlay_start_2:
0xb6: {  	(tag) =	ssettag $0x2  }
0xb7: {  	s0 =	rddreg [dreg:$0x0];
	s2 =	stileid.u32  }
0xb8: {  	s1 =	rddreg [dreg:$0x1];
	p0 =	sne.s32 s2, $0x0  }
0xb9: {  	s3 =	rddreg [dreg:$0x2];
	[bflag:$0x3] =	sbarrier.arrive $0xFFFF;
	s2 =	simm.s32 @!p0 $0x1C03  }
0xba: {  	[timem:s3], [sflag:s2] =	dma.local @!p0 [hbm:s0], s1  }
0xbb: {  	s0 =	simm.s32 @!p0 $0x3  }
0xbc: {  	_ =	swait.ge @!p0 [sflag:s0], s1  }
0xbd: {  	s1 =	ssub.s32 @!p0 $0x0, s1;
	[sflag:s0] =	ssyncset.done @!p0 $0x0  }
0xbe: {  	[sflag:s0] =	ssyncadd.s32 @!p0 s1  }
0xbf: {  	[bflag:$0x3] =	sbarrier.arrive $0xFFFF  }
0xc0: {  	_ =	shalt  }

// kernel: kernel.14.cloned.1.call-start
scs
__scs_entry_jumppad:
0x0: {  	(pc) =	sbr.rel $0x88, $3  }
0x1: {  	(tag) =	ssettag $0x0;
	lr =	simm.s32 $0x1  }
0x2: {  	[smem:$0x3F94] =	sst lr;
	_ =	strace $0xD0000000  }
0x3: {  	_ = 	snop  }
0x4: {  	_ = 	snop  }
0x5: {  	_ = 	snop  }
0x6: {  	_ = 	snop  }
0x7: {  	_ = 	snop  }
__scs_overlays_trampoline_lowered:
0x8: {  	[smem:$0x3FA3] =	sst s0  }
0x9: {  	[smem:$0x3FA4] =	sst s1  }
0xa: {  	[smem:$0x3FA5] =	sst s2  }
0xb: {  	[smem:$0x3FA6] =	sst s3  }
0xc: {  	[smem:$0x3FA7] =	sst s4  }
0xd: {  	[smem:$0x3FA8] =	sst s5  }
0xe: {  	[smem:$0x3FA9] =	sst s6  }
0xf: {  	[smem:$0x3FAA] =	sst s7  }
0x10: {  	[smem:$0x3FAB] =	sst s8  }
0x11: {  	[smem:$0x3FAC] =	sst s9;
	s0 =	simm.s32 @!p0 $0x0  }
0x12: {  	s1 =	sld [smem:$0x3F92];
	s0 =	simm.s32 @p0 $0x1  }
0x13: {  	[smem:$0x3FAD] =	sst s0;
	s0 =	simm.s32 @!p1 $0x0  }
0x14: {  	s2 =	sld [smem:$0x3F91];
	s0 =	simm.s32 @p1 $0x1  }
0x15: {  	[smem:$0x3FAE] =	sst s0;
	s0 =	simm.s32 @!p2 $0x0  }
0x16: {  	s3 =	sld [smem:$0x3FDB];
	s0 =	simm.s32 @p2 $0x1  }
0x17: {  	s4 =	simm.s32 $0x1BF5;
	[smem:$0x3FB0] =	sst s0  }
0x18: {  	s0 =	sld [smem:$0x3F93];
	_ =	swait.ge [sflag:s4], $0x0  }
0x19: {  	s7 =	sld [smem:$0x3F94]  }
0x1a: {  	s8 =	sadd.s32 $0xFFFFE003, lr  }
0x1b: {  	s9 =	sadd.s32 $0xFFFFFEF7, lr;
	s5 =	simm.s32 $0xFFFFFFFF;
	p2 =	slt.u32 s8, $0xFFFFF086  }
0x1c: {  	p1 =	slt.u32 s9, $0xF7A;
	s5 =	simm.s32 @!p2 $0x0  }
0x1d: {  	s5 =	simm.s32 @p1 $0x1;
	p0 =	seq.s32 s7, s2  }
0x1e: {  	s7 =	smul.u32 @!p0 $0xF7A, s2;
	p2 =	seq.s32 @!p0 s5, $0x0  }
0x1f: {  	s9 =	smul.u32 $0xF7A, s1;
	s8 =	simm.s32 @!p0 $0x1BF5;
	p2 =	por !p2, p0  }
0x20: {  	[sflag:s8] =	ssyncset.s32 @!p0 $0xFFFFF086;
	s6 =	sadd.s32 @!p0 s3, s7;
	s7 =	simm.s32 @!p0 $0x108  }
0x21: {  	s3 =	sadd.s32 s3, s9;
	s6 =	sadd.s32 @!p0 $0x88, s6;
	s7 =	simm.s32 @p2 $0x1082  }
0x22: {  	[simem:s7], [sflag:s8] =	dma.local @!p0 [hbm:s6], $0xF7A  }
0x23: {  	s9 =	sor.u32 $0xD0000000, s2;
	s6 =	simm.s32 $0x108;
	_ =	swait.ge @!p0 [sflag:s8], $0x0  }
0x24: {  	s3 =	sadd.s32 $0x88, s3;
	s6 =	simm.s32 @!p1 $0x1082;
	[sflag:s4] =	ssyncset.s32 $0xFFFFF086  }
0x25: {  	[simem:s6], [sflag:s4] =	dma.local [hbm:s3], $0xF7A  }
0x26: {  	[smem:$0x3F94] =	sst s1;
	(tag) =	ssettag s2;
	_ =	strace s9  }
0x27: {  	s1 =	sld [smem:$0x3FA4]  }
0x28: {  	s2 =	sld [smem:$0x3FA5]  }
0x29: {  	s4 =	sld [smem:$0x3FA7]  }
0x2a: {  	p0 =	seq.s32 s5, $0x0;
	s5 =	sld [smem:$0x3FA8]  }
0x2b: {  	s6 =	sld [smem:$0x3FA9]  }
0x2c: {  	s7 =	sld [smem:$0x3FAA]  }
0x2d: {  	s3 =	simm.s32 $0x108;
	s8 =	sld [smem:$0x3FAB]  }
0x2e: {  	s3 =	simm.s32 @!p0 $0x1082;
	s9 =	sld [smem:$0x3FAC]  }
0x2f: {  	lr =	sadd.s32 s0, s3;
	s0 =	sld [smem:$0x3FA3]  }
0x30: {  	s3 =	sld [smem:$0x3FA6]  }
0x31: {  	[smem:$0x3FAF] =	sst s10  }
0x32: {  	s10 =	sld [smem:$0x3FAD];
	_ =	sdelay $0x3  }
0x33: {  	p0 =	seq.s32 s10, $0x1;
	s10 =	sld [smem:$0x3FAF];
	_ =	sdelay $0x3  }
0x34: {  	[smem:$0x3FAF] =	sst s10  }
0x35: {  	s10 =	sld [smem:$0x3FAE];
	_ =	sdelay $0x3  }
0x36: {  	p1 =	seq.s32 s10, $0x1;
	s10 =	sld [smem:$0x3FAF];
	_ =	sdelay $0x3  }
0x37: {  	[smem:$0x3FAF] =	sst s10  }
0x38: {  	s10 =	sld [smem:$0x3FB0]  }
0x39: {  	_ = 	snop;
	(pc) =	sbr.ind lr, $3  }
0x3a: {  	_ = 	snop  }
0x3b: {  	_ = 	snop  }
0x3c: {  	p2 =	seq.s32 s10, $0x1;
	s10 =	sld [smem:$0x3FAF]  }
0x3d: {  	_ =	shalt  }
0x3e: {  	_ =	shalt  }
0x3f: {  	_ =	shalt  }
0x40: {  	_ =	shalt  }
0x41: {  	_ =	shalt  }
0x42: {  	_ =	shalt  }
0x43: {  	_ =	shalt  }
0x44: {  	_ =	shalt  }
0x45: {  	_ =	shalt  }
0x46: {  	_ =	shalt  }
0x47: {  	_ =	shalt  }
0x48: {  	_ =	shalt  }
0x49: {  	_ =	shalt  }
0x4a: {  	_ =	shalt  }
0x4b: {  	_ =	shalt  }
0x4c: {  	_ =	shalt  }
0x4d: {  	_ =	shalt  }
0x4e: {  	_ =	shalt  }
0x4f: {  	_ =	shalt  }
0x50: {  	_ =	shalt  }
0x51: {  	_ =	shalt  }
0x52: {  	_ =	shalt  }
0x53: {  	_ =	shalt  }
0x54: {  	_ =	shalt  }
0x55: {  	_ =	shalt  }
0x56: {  	_ =	shalt  }
0x57: {  	_ =	shalt  }
0x58: {  	_ =	shalt  }
0x59: {  	_ =	shalt  }
0x5a: {  	_ =	shalt  }
0x5b: {  	_ =	shalt  }
0x5c: {  	_ =	shalt  }
0x5d: {  	_ =	shalt  }
0x5e: {  	_ =	shalt  }
0x5f: {  	_ =	shalt  }
0x60: {  	_ =	shalt  }
0x61: {  	_ =	shalt  }
0x62: {  	_ =	shalt  }
0x63: {  	_ =	shalt  }
0x64: {  	_ =	shalt  }
0x65: {  	_ =	shalt  }
0x66: {  	_ =	shalt  }
0x67: {  	_ =	shalt  }
0x68: {  	_ =	shalt  }
0x69: {  	_ =	shalt  }
0x6a: {  	_ =	shalt  }
0x6b: {  	_ =	shalt  }
0x6c: {  	_ =	shalt  }
0x6d: {  	_ =	shalt  }
0x6e: {  	_ =	shalt  }
0x6f: {  	_ =	shalt  }
0x70: {  	_ =	shalt  }
0x71: {  	_ =	shalt  }
0x72: {  	_ =	shalt  }
0x73: {  	_ =	shalt  }
0x74: {  	_ =	shalt  }
0x75: {  	_ =	shalt  }
0x76: {  	_ =	shalt  }
0x77: {  	_ =	shalt  }
0x78: {  	_ =	shalt  }
0x79: {  	_ =	shalt  }
0x7a: {  	_ =	shalt  }
0x7b: {  	_ =	shalt  }
0x7c: {  	_ =	shalt  }
0x7d: {  	_ =	shalt  }
0x7e: {  	_ =	shalt  }
0x7f: {  	_ =	shalt  }
0x80: {  	_ =	shalt  }
0x81: {  	_ =	shalt  }
0x82: {  	_ =	shalt  }
0x83: {  	_ =	shalt  }
0x84: {  	_ =	shalt  }
0x85: {  	_ =	shalt  }
0x86: {  	_ =	shalt  }
0x87: {  	_ =	shalt  }
.Lfunc_end0:
.L_simem_size_0:
called_computation.2_lowered:
.L_overlay_start_0:
0x88: {  	s2 =	sld [smem:$0x3FD9]  }
0x89: {  	s3 =	sld [smem:$0x3FFE];
	_ =	sdelay $0x1  }
0x8a: {  	s1 =	srdreg.scid  }
0x8b: {  	s0 =	sand.u32 $0x1, s1  }
0x8c: {  	s17 =	sshll.u32 s0, $0xA;
	s2 =	sadd.s32 s3, s2  }
0x8d: {  	s2 =	sadd.s32 s2, s17  }
0x8e: {  	[smem:$0x3FBB] =	sst s2  }
0x8f: {  	_ = 	snop  }
0x90: {  	s2 =	sld [smem:$0x3FC8]  }
0x91: {  	s18 =	sld [smem:$0x3FD0];
	(tm) =	ssettm $0x1  }
0x92: {  	s4 =	sld [smem:$0x3FFB];
	_ =	sdelay $0x3  }
0x93: {  	_ =	strace s4  }
0x94: {  	s4 =	sld [smem:$0x3FFC];
	_ =	sdelay $0x3  }
0x95: {  	_ =	strace s4  }
0x96: {  	s4 =	sld [smem:$0x3FFD];
	_ =	sdelay $0x3  }
0x97: {  	_ =	strace s4  }
0x98: {  	_ =	strace $0x8FFFFFFF  }
0x99: {  	s19 =	sld [smem:$0x3FDB];
	_ =	sdelay $0x1  }
0x9a: {  	s5 =	simm.s32 $_scs_section_size  }
0x9b: {  	s6 =	simm.s32 $_size__tile_overlayer_lowered;
	s7 =	simm.s32 $_tile_overlayer_lowered  }
0x9c: {  	s22 =	simm.s32 $0x1BFF;
	s21 =	sshll.u32 s7, $0x1;
	s4 =	sadd.s32 s5, s19  }
0x9d: {  	s8 =	simm.s32 $0x0;
	s20 =	sshll.u32 s6, $0x1;
	s6 =	sadd.s32 s21, s4  }
0x9e: {  	[timem:s8], [sflag:s22] =	dma.local [hbm:s6], s20  }
0x9f: {  	_ =	swait.ge [sflag:s22], s20  }
0xa0: {  	s5 =	ssub.s32 $0x0, s20;
	[sflag:s22] =	ssyncset.done $0x0  }
0xa1: {  	[sflag:s22] =	ssyncadd.s32 s5;
	_ =	sdelay $0x1  }
0xa2: {  	s23 =	simm.s32 $0x1B8B  }
0xa3: {  	_ =	swait.ge [sflag:s23], $0x1  }
0xa4: {  	[sflag:s23] =	ssyncset.done $0x0  }
0xa5: {  	s25 =	simm.s32 $0x1B8E;
	s24 =	sld [smem:$0x3FFE];
	[sflag:s23] =	ssyncadd.s32 $0xFFFFFFFF  }
0xa6: {  	s26 =	simm.s32 $execute0_lowered;
	[smem:$0x3FD2] =	sst s25  }
0xa7: {  	s6 =	sshll.u32 s26, $0x1;
	_ =	strace $0x8000004C;
	[dreg:$0x1] =	wrdreg $0xFFFFFFFF  }
0xa8: {  	s28 =	simm.s32 $_size_execute0_lowered;
	s4 =	sadd.s32 s4, s6;
	[dreg:$0x0] =	wrdreg $0x0  }
0xa9: {  	s6 =	sshll.u32 s28, $0x1;
	[dreg:$0x2] =	wrdreg s4  }
0xaa: {  	[dreg:$0x3] =	wrdreg s6  }
0xab: {  	[dreg:$0x4] =	wrdreg $0xC0  }
0xac: {  	_ =	task [dreg:s8], $0x5FFFF  }
0xad: {  	[dreg:$0x1] =	wrdreg $0xFFFFFFFF  }
0xae: {  	[dreg:$0x0] =	wrdreg $0x60  }
0xaf: {  	[dreg:$0x2] =	wrdreg s18  }
0xb0: {  	[dreg:$0x3] =	wrdreg s2  }
0xb1: {  	[dreg:$0x4] =	wrdreg s24  }
0xb2: {  	[dreg:$0x5] =	wrdreg $0x81800  }
0xb3: {  	[dreg:$0x6] =	wrdreg $0x9  }
0xb4: {  	_ =	task.clear_ibuf [dreg:s8], $0x7FFFF;
	_ =	strace $0x9000004C  }
0xb5: {  	s29 =	simm.s32 $0x9;
	_ =	strace $0x8000004E  }
0xb6: {  	_ =	swait.ge [sflag:s29], $0x1  }
0xb7: {  	[sflag:s29] =	ssyncadd.s32 $0xFFFFFFFF  }
0xb8: {  	_ =	strace $0x9000004E  }
0xb9: {  	_ =	sfence  }
0xba: {  	s30 =	sld [smem:$0x0];
	_ =	sdelay $0x2  }
0xbb: {  	s31 =	sshll.u32 s1, $0xD;
	s1 =	sshrl.u32 s1, $0x2  }
0xbc: {  	s3 =	sand.u32 $0x4000, s31;
	s1 =	sadd.s32 s1, s30  }
0xbd: {  	s0 =	sor.u32 s3, s0;
	s1 =	sshll.u32 s1, $0x11  }
0xbe: {  	s0 =	sor.u32 s1, s0  }
0xbf: {  	s0 =	sadd.s32 $0x8F2B, s0  }
0xc0: {  	[sflag:s0] =	ssyncadd.remote.s32 $0x1  }
0xc1: {  	_ =	sfence.sel $0xFFFF  }
0xc2: {  	[dreg:$0x0] =	wrdreg $0xFFFFFFFF;
	(pc) =	sbr.abs _section_cstart, $3  }
0xc3: {  	[dreg:$0x1] =	wrdreg $0xFFFFFFFF  }
0xc4: {  	_ =	task.clear_ibuf [dreg:s8], $0x2FFFF;
	_ =	strace $0x9FFFFFFF  }
0xc5: {  	(tm) =	ssettm $0x7FFFFFFF  }
tec
execute0_lowered:
.L_overlay_start_1:
0x0: {  	(tag) =	ssettag $0x1  }
0x1: {  	s1 =	rddreg [dreg:$0x0]  }
0x2: {  	s2 =	rddreg [dreg:$0x1]  }
0x3: {  	s0 =	rddreg [dreg:$0x2]  }
0x4: {  	s3 =	rddreg [dreg:$0x3];
	s5 =	simm.s32 $0x0;
	s4 =	srdreg.scid  }
0x5: {  	s24 =	stileid.u32;
	s28 =	simm.s32 $0x80;
	s29 =	simm.s32 $0x100  }
0x6: {  	s30 =	simm.s32 $0x4180;
	s31 =	simm.s32 $0x1;
	[smem:$0x7FF] =	sst s5  }
0x7: {  	s6 =	sand.u32 $0x1, s4;
	s10 =	smul.u32 $0x4E000, s24;
	s7 =	sadd.s32 $0x4C00, s0  }
0x8: {  	s17 =	smul.u32 $0x13800, s24;
	s8 =	sadd.s32 $0x5D400, s0;
	s0 =	sadd.s32 $0xEA00, s0  }
0x9: {  	s15 =	sadd.s32 $0x138000, s3;
	s16 =	sadd.s32 $0x10, s2;
	p0 =	sne.s32 s24, $0xF  }
0xa: {  	_ =	strace $0x8000004D;
	s4 =	ssub.s32 $0x2, s6;
	s22 =	smul.u32 $0x138800, s6  }
0xb: {  	s9 =	sshrl.u32 s4, $0x1;
	s10 =	sshrl.u32 s10, $0x2;
	s18 =	sadd.s32 $0x4000, s17  }
0xc: {  	s19 =	sadd.s32 $0x8000, s17;
	s20 =	sadd.s32 $0xC000, s17;
	s21 =	sadd.s32 $0x10000, s17  }
0xd: {  	s4 =	ssub.s32 s4, s9;
	s9 =	sshll.u32 s24, $0x1;
	s10 =	sadd.s32 s10, s3  }
0xe: {  	s11 =	sadd.s32 s18, s3;
	s12 =	sadd.s32 s19, s3;
	s13 =	sadd.s32 s20, s3  }
0xf: {  	s14 =	sadd.s32 s21, s3;
	s17 =	sadd.s32 s17, s22;
	s18 =	sadd.s32 s22, s18  }
0x10: {  	s19 =	sadd.s32 s22, s19;
	s20 =	sadd.s32 s22, s20;
	s21 =	sadd.s32 s22, s21  }
0x11: {  	s23 =	sshrl.u32 s22, $0x3;
	s24 =	simm.s32 $0x180;
	s17 =	sshrl.u32 s17, $0x3  }
0x12: {  	s25 =	sshrl.u32 s18, $0x3;
	s26 =	sshrl.u32 s19, $0x3;
	s17 =	sadd.s32 s0, s17  }
0x13: {  	s19 =	sadd.s32 s0, s26;
	s26 =	sadd.s32 s0, s23;
	s23 =	smax.u32 s4, $0x1  }
.Ltmp0:
0x14: {  	[dreg:$0x5] =	wrdreg s17;
	s17 =	sadd.s32 s0, s25;
	(pc) =	sbr.rel .LBB2_1-.Ltmp0, $4  }
0x15: {  	[dreg:$0x7] =	wrdreg s19;
	s25 =	sshrl.u32 s21, $0x3;
	s22 =	sadd.s32 $0x27000, s26  }
0x16: {  	s26 =	simm.s32 $0x4;
	[dreg:$0x6] =	wrdreg s17;
	s17 =	sshrl.u32 s20, $0x3  }
0x17: {  	s21 =	sadd.s32 s0, s25;
	s25 =	simm.s32 $0x3;
	s17 =	sadd.s32 s0, s17  }
0x18: {  	v0 =	vimm.f32 $0.0e+00;
	s20 =	simm.s32 $0x0;
	s0 =	simm.s32 $0x2;
	[dreg:$0x8] =	wrdreg s17  }
.LBB2_9:
0x19: {  	s4 =	stileid.u32  }
0x1a: {  	[bflag:$0x0] =	sbarrier.arrive $0xFFFF;
	s4 =	sshll.u32 s4, $0x6  }
0x1b: {  	s17 =	sshrl.u32 s10, $0x3;
	s18 =	rddreg [dreg:$0x5];
	s4 =	sor.u32 $0x1C03, s4  }
0x1c: {  	[hbm:s18], [sflag:s4] =	dma.local [spmem:s17], $0x800  }
0x1d: {  	_ =	swait.ge [sflag:s25], $0x800  }
0x1e: {  	[sflag:s25] =	ssyncset.done $0x0  }
0x1f: {  	s18 =	sshrl.u32 s11, $0x3;
	s19 =	rddreg [dreg:$0x6];
	[sflag:s25] =	ssyncadd.s32 $0xFFFFF800  }
0x20: {  	[hbm:s19], [sflag:s4] =	dma.local [spmem:s18], $0x800  }
0x21: {  	_ =	swait.ge [sflag:s25], $0x800  }
0x22: {  	[sflag:s25] =	ssyncset.done $0x0  }
0x23: {  	s18 =	sshrl.u32 s12, $0x3;
	s19 =	rddreg [dreg:$0x7];
	[sflag:s25] =	ssyncadd.s32 $0xFFFFF800  }
0x24: {  	[hbm:s19], [sflag:s4] =	dma.local [spmem:s18], $0x800  }
0x25: {  	_ =	swait.ge [sflag:s25], $0x800  }
0x26: {  	[sflag:s25] =	ssyncset.done $0x0  }
0x27: {  	s18 =	sshrl.u32 s13, $0x3;
	s19 =	rddreg [dreg:$0x8];
	[sflag:s25] =	ssyncadd.s32 $0xFFFFF800  }
0x28: {  	[hbm:s19], [sflag:s4] =	dma.local [spmem:s18], $0x800  }
0x29: {  	_ =	swait.ge [sflag:s25], $0x800  }
0x2a: {  	[sflag:s25] =	ssyncset.done $0x0  }
0x2b: {  	s19 =	sshrl.u32 s14, $0x3;
	[sflag:s25] =	ssyncadd.s32 $0xFFFFF800  }
0x2c: {  	[hbm:s21], [sflag:s4] =	dma.local [spmem:s19], $0x700  }
0x2d: {  	_ =	swait.ge [sflag:s25], $0x700  }
0x2e: {  	s5 =	sadd.s32 $0x1, s5;
	[sflag:s25] =	ssyncset.done $0x0  }
0x2f: {  	p1 =	sne.s32 s5, s23;
	s17 =	sshrl.u32 @!p0 s15, $0x3;
	[sflag:s25] =	ssyncadd.s32 $0xFFFFF900  }
0x30: {  	[hbm:s22], [sflag:s4] =	dma.local @!p0 [spmem:s17], $0x100  }
.Ltmp1:
0x31: {  	_ = 	snop;
	(pc) =	sbr.rel @!p1 .LBB2_10-.Ltmp1, $4  }
0x32: {  	s4 =	simm.s32 @!p0 $0x3  }
0x33: {  	_ =	swait.ge @!p0 [sflag:s4], $0x100  }
0x34: {  	[sflag:s4] =	ssyncset.done @!p0 $0x0  }
0x35: {  	[sflag:s4] =	ssyncadd.s32 @!p0 $0xFFFFFF00  }
.LBB2_1:
0x36: {  	s4 =	simm.s32 $0x0;
	s17 =	simm.s32 $0x200  }
.LBB2_2:
0x37: {  	p1 =	sne.s32 s17, $0xFE00;
	[tilespmem:s4+$0x1F0] =	vst v0  }
0x38: {  	[tilespmem:s4+$0x180] =	vst v0  }
0x39: {  	[tilespmem:s4+$0x190] =	vst v0  }
.Ltmp2:
0x3a: {  	[tilespmem:s4+$0x1A0] =	vst v0;
	(pc) =	sbr.rel @p1 .LBB2_2-.Ltmp2, $4  }
0x3b: {  	[tilespmem:s4+$0x1B0] =	vst v0  }
0x3c: {  	[tilespmem:s4+$0x1C0] =	vst v0  }
0x3d: {  	[tilespmem:s4+$0x1D0] =	vst v0  }
0x3e: {  	[tilespmem:s4+$0x1E0] =	vst v0;
	s4 =	sshra.s32 s17, $0x2;
	s17 =	sadd.s32 $0x200, s17  }
0x3f: {  	[tilespmem:s4+$0x1F0] =	vst v0  }
0x40: {  	[tilespmem:s4+$0x180] =	vst v0  }
0x41: {  	[tilespmem:s4+$0x190] =	vst v0  }
0x42: {  	[tilespmem:s4+$0x1A0] =	vst v0  }
0x43: {  	[tilespmem:s4+$0x1B0] =	vst v0  }
0x44: {  	[tilespmem:s4+$0x1C0] =	vst v0  }
0x45: {  	[tilespmem:s4+$0x1D0] =	vst v0  }
0x46: {  	[tilespmem:s4+$0x1E0] =	vst v0  }
0x47: {  	[spmem:s10] =	stream.linear.scatter [tilespmem:s24], [sflag:$0x3], $0x4000, $0x38;
	[tilespmem:$0x1BA00] =	vst v63  }
0x48: {  	_ =	swait.ge [sflag:s25], $0x4000  }
0x49: {  	[sflag:s25] =	ssyncset.done $0x0  }
0x4a: {  	[sflag:s25] =	ssyncadd.s32 $0xFFFFC000  }
0x4b: {  	[spmem:s11] =	stream.linear.scatter [tilespmem:s24], [sflag:$0x3], $0x4000, $0x38;
	[tilespmem:$0x1BA00] =	vst v63  }
0x4c: {  	_ =	swait.ge [sflag:s25], $0x4000  }
0x4d: {  	[sflag:s25] =	ssyncset.done $0x0  }
0x4e: {  	[sflag:s25] =	ssyncadd.s32 $0xFFFFC000  }
0x4f: {  	[spmem:s12] =	stream.linear.scatter [tilespmem:s24], [sflag:$0x3], $0x4000, $0x38;
	[tilespmem:$0x1BA00] =	vst v63  }
0x50: {  	_ =	swait.ge [sflag:s25], $0x4000  }
0x51: {  	[sflag:s25] =	ssyncset.done $0x0  }
0x52: {  	[sflag:s25] =	ssyncadd.s32 $0xFFFFC000  }
0x53: {  	[spmem:s13] =	stream.linear.scatter [tilespmem:s24], [sflag:$0x3], $0x4000, $0x38;
	[tilespmem:$0x1BA00] =	vst v63  }
0x54: {  	_ =	swait.ge [sflag:s25], $0x4000  }
0x55: {  	[sflag:s25] =	ssyncset.done $0x0  }
0x56: {  	[sflag:s25] =	ssyncadd.s32 $0xFFFFC000  }
0x57: {  	[spmem:s14] =	stream.linear.scatter [tilespmem:s24], [sflag:$0x3], $0x3800, $0x38;
	[tilespmem:$0x1BA00] =	vst v63  }
0x58: {  	_ =	swait.ge [sflag:s25], $0x3800  }
0x59: {  	[sflag:s25] =	ssyncset.done $0x0  }
0x5a: {  	s4 =	simm.s32 @!p0 $0x180;
	[sflag:s25] =	ssyncadd.s32 $0xFFFFC800  }
0x5b: {  	[spmem:s15] =	stream.linear.scatter @!p0 [tilespmem:s4], [sflag:$0x3], $0x800, $0x38;
	[tilespmem:$0x1BA00] =	vst v63  }
0x5c: {  	s4 =	simm.s32 @!p0 $0x3  }
.Ltmp3:
0x5d: {  	_ =	swait.ge @!p0 [sflag:s4], $0x800;
	(pc) =	sbr.rel .LBB2_4-.Ltmp3, $4  }
0x5e: {  	[sflag:s4] =	ssyncset.done @!p0 $0x0  }
0x5f: {  	[sflag:s4] =	ssyncadd.s32 @!p0 $0xFFFFF800  }
0x60: {  	[bflag:$0x0] =	sbarrier.arrive $0xFFFF  }
0x61: {  	s4 =	simm.s32 $0x0  }
.LBB2_8:
0x62: {  	s4 =	sadd.s32 $0x1, s4  }
0x63: {  	p1 =	sne.s32 s4, $0x4F  }
.Ltmp4:
0x64: {  	_ = 	snop;
	(pc) =	sbr.rel @!p1 .LBB2_9-.Ltmp4, $1  }
0x65: {  	_ =	sdelay $0x3  }
.LBB2_4:
0x66: {  	s17 =	sshll.u32 s4, $0x5  }
0x67: {  	s17 =	sor.u32 s9, s17  }
0x68: {  	p1 =	sgt.u32 s17, $0x9C3  }
.Ltmp5:
0x69: {  	_ = 	snop;
	(pc) =	sbr.rel @p1 .LBB2_8-.Ltmp5, $1  }
0x6a: {  	_ =	sdelay $0x3  }
0x6b: {  	s17 =	sor.u32 s6, s17  }
0x6c: {  	s18 =	sshll.u32 s17, $0x5  }
0x6d: {  	s19 =	sadd.s32 s2, s18  }
0x6e: {  	[tilespmem:s20], [sflag:$0x4] =	stream.linear.gather [hbm4b:s19+s20], $0x80, $0x38;
	[tilespmem:$0x1BA00] =	vst v63  }
0x6f: {  	_ =	swait.ge [sflag:s26], $0x80  }
0x70: {  	[sflag:s26] =	ssyncset.done $0x0  }
0x71: {  	s18 =	sadd.s32 s18, s16;
	[sflag:s26] =	ssyncadd.s32 $0xFFFFFF80  }
0x72: {  	[tilespmem:s28], [sflag:$0x4] =	stream.linear.gather [hbm4b:s18+s20], $0x80, $0x38;
	[tilespmem:$0x1BA00] =	vst v63  }
0x73: {  	_ =	swait.ge [sflag:s26], $0x80  }
0x74: {  	s17 =	sshll.u32 s17, $0x4;
	[sflag:s26] =	ssyncset.done $0x0  }
0x75: {  	s17 =	sadd.s32 s7, s17;
	[sflag:s26] =	ssyncadd.s32 $0xFFFFFF80  }
0x76: {  	[tilespmem:s29], [sflag:$0x4] =	stream.linear.gather [hbm4b:s17+s20], $0x80, $0x38;
	[tilespmem:$0x1BA00] =	vst v63  }
0x77: {  	_ =	swait.ge [sflag:s26], $0x80  }
0x78: {  	[sflag:s26] =	ssyncset.done $0x0  }
0x79: {  	[sflag:s26] =	ssyncadd.s32 $0xFFFFFF80  }
0x7a: {  	[tilespmem:s24], [sflag:$0x1] =	stream.indirect.gather [hbm4b:s8+s28], $0x80, s29, s28, $0xb8;
	[tilespmem:$0x1BA00] =	vst v63  }
0x7b: {  	_ = 	snop  }
0x7c: {  	[tilespmem:s30], [sflag:$0x2] =	stream.indirect.gather [hbm4b:s1+s28], $0x80, s20, s28, $0xb8;
	[tilespmem:$0x1BA00] =	vst v63  }
0x7d: {  	_ =	swait.ge [sflag:s31], $0x4000  }
0x7e: {  	[sflag:s31] =	ssyncset.done $0x0  }
0x7f: {  	[sflag:s31] =	ssyncadd.s32 $0xFFFFC000  }
0x80: {  	_ =	swait.ge [sflag:s0], $0x4000  }
0x81: {  	[sflag:s0] =	ssyncset.done $0x0  }
0x82: {  	s17 =	simm.s32 $0x0;
	[sflag:s0] =	ssyncadd.s32 $0xFFFFC000  }
0x83: {  	v7 =	vld [tilespmem:s17+$0x4180]  }
0x84: {  	v12 =	vld [tilespmem:s17+$0x4190]  }
0x85: {  	v6 =	vld [tilespmem:s17+$0x41A0]  }
0x86: {  	v5 =	vld [tilespmem:s17+$0x41B0]  }
0x87: {  	v4 =	vld [tilespmem:s17+$0x41C0]  }
0x88: {  	v3 =	vld [tilespmem:s17+$0x41D0]  }
0x89: {  	v2 =	vld [tilespmem:s17+$0x41E0]  }
0x8a: {  	v1 =	vld [tilespmem:s17+$0x41F0]  }
0x8b: {  	v13 =	vld [tilespmem:s17+$0x180]  }
0x8c: {  	v14 =	vld [tilespmem:s17+$0x190]  }
0x8d: {  	v11 =	vld [tilespmem:s17+$0x1A0]  }
0x8e: {  	v10 =	vld [tilespmem:s17+$0x1B0]  }
0x8f: {  	v9 =	vld [tilespmem:s17+$0x1C0]  }
0x90: {  	v8 =	vld [tilespmem:s17+$0x1D0];
	v13 =	vadd.f32 v7, v13  }
0x91: {  	s18 =	simm.s32 $0x200;
	v12 =	vadd.f32 v12, v14;
	v7 =	vld [tilespmem:s17+$0x1E0]  }
.LBB2_6:
0x92: {  	s19 =	sshra.s32 s18, $0x2;
	p1 =	sne.s32 s18, $0xFE00;
	v13 =	vmax.f32 v13, $0.0e+00;
	v6 =	vadd.f32 v6, v11;
	v11 =	vld [tilespmem:s17+$0x1F0]  }
0x93: {  	v14 =	vld [tilespmem:s19+$0x4180];
	[tilespmem:s17+$0x180] =	vst v13;
	v12 =	vmax.f32 v12, $0.0e+00;
	v5 =	vadd.f32 v5, v10  }
0x94: {  	v15 =	vld [tilespmem:s19+$0x4190];
	[tilespmem:s17+$0x190] =	vst v12;
	v10 =	vmax.f32 v6, $0.0e+00;
	v4 =	vadd.f32 v4, v9  }
0x95: {  	v6 =	vld [tilespmem:s19+$0x41A0];
	[tilespmem:s17+$0x1A0] =	vst v10;
	v9 =	vmax.f32 v5, $0.0e+00;
	v3 =	vadd.f32 v3, v8  }
0x96: {  	v5 =	vld [tilespmem:s19+$0x41B0];
	[tilespmem:s17+$0x1B0] =	vst v9;
	v8 =	vmax.f32 v4, $0.0e+00;
	v2 =	vadd.f32 v2, v7  }
0x97: {  	v4 =	vld [tilespmem:s19+$0x41C0];
	[tilespmem:s17+$0x1C0] =	vst v8;
	v7 =	vmax.f32 v3, $0.0e+00;
	v1 =	vadd.f32 v1, v11  }
0x98: {  	v3 =	vld [tilespmem:s19+$0x41D0];
	[tilespmem:s17+$0x1D0] =	vst v7;
	v7 =	vmax.f32 v2, $0.0e+00  }
0x99: {  	v2 =	vld [tilespmem:s19+$0x41E0];
	[tilespmem:s17+$0x1E0] =	vst v7;
	v7 =	vmax.f32 v1, $0.0e+00  }
0x9a: {  	v1 =	vld [tilespmem:s19+$0x41F0];
	[tilespmem:s17+$0x1F0] =	vst v7;
	s17 =	smov.u32 s19  }
0x9b: {  	v7 =	vld [tilespmem:s17+$0x180]  }
0x9c: {  	v12 =	vld [tilespmem:s17+$0x190]  }
.Ltmp6:
0x9d: {  	v11 =	vld [tilespmem:s17+$0x1A0];
	(pc) =	sbr.rel @p1 .LBB2_6-.Ltmp6, $4  }
0x9e: {  	v10 =	vld [tilespmem:s17+$0x1B0]  }
0x9f: {  	v9 =	vld [tilespmem:s17+$0x1C0]  }
0xa0: {  	v13 =	vadd.f32 v14, v7;
	v8 =	vld [tilespmem:s17+$0x1D0]  }
0xa1: {  	s18 =	sadd.s32 $0x200, s18;
	v12 =	vadd.f32 v15, v12;
	v7 =	vld [tilespmem:s17+$0x1E0]  }
0xa2: {  	v13 =	vmax.f32 v13, $0.0e+00;
	v6 =	vadd.f32 v6, v11;
	v63 =	vld [tilespmem:s17+$0x1F0]  }
0xa3: {  	[tilespmem:s17+$0x180] =	vst v13;
	v12 =	vmax.f32 v12, $0.0e+00;
	v5 =	vadd.f32 v5, v10  }
0xa4: {  	[tilespmem:s17+$0x190] =	vst v12;
	v6 =	vmax.f32 v6, $0.0e+00;
	v4 =	vadd.f32 v4, v9  }
0xa5: {  	[tilespmem:s17+$0x1A0] =	vst v6;
	v5 =	vmax.f32 v5, $0.0e+00;
	v3 =	vadd.f32 v3, v8  }
0xa6: {  	[tilespmem:s17+$0x1B0] =	vst v5;
	v4 =	vmax.f32 v4, $0.0e+00;
	v2 =	vadd.f32 v2, v7  }
0xa7: {  	[tilespmem:s17+$0x1C0] =	vst v4;
	v3 =	vmax.f32 v3, $0.0e+00;
	v1 =	vadd.f32 v1, v63  }
0xa8: {  	[tilespmem:s17+$0x1D0] =	vst v3;
	v2 =	vmax.f32 v2, $0.0e+00  }
0xa9: {  	[tilespmem:s17+$0x1E0] =	vst v2;
	v1 =	vmax.f32 v1, $0.0e+00  }
.Ltmp7:
0xaa: {  	[tilespmem:s17+$0x1F0] =	vst v1;
	(pc) =	sbr.rel .LBB2_8-.Ltmp7, $4  }
0xab: {  	[spmem:s3] =	stream.indirect.scatter.add.f32 [tilespmem:s24], [sflag:$0x3], $0x80, s28, s28, $0xb8;
	[tilespmem:$0x1BA00] =	vst v63  }
0xac: {  	_ =	swait.ge [sflag:s25], $0x4000  }
0xad: {  	[sflag:s25] =	ssyncset.done $0x0  }
0xae: {  	[sflag:s25] =	ssyncadd.s32 $0xFFFFC000  }
.LBB2_10:
0xaf: {  	_ =	sfence.sel $0x180000  }
0xb0: {  	[bflag:$0x0] =	sbarrier.arrive $0xFFFF  }
0xb1: {  	_ =	strace $0x9000004D  }
0xb2: {  	s0 =	stileid.u32;
	[bflag:$0x2] =	sbarrier.arrive $0xFFFF  }
0xb3: {  	p0 =	sne.s32 s0, $0x0;
	s0 =	rddreg [dreg:$0x4]  }
0xb4: {  	s0 =	sadd.s32 @!p0 $0x100000, s0  }
0xb5: {  	[sflag:s0] =	ssyncadd.tile.s32 @!p0 $0x1;
	_ =	shalt  }
.Lfunc_end2:
_tile_overlayer_lowered:
.L_overlay_start_2:
0xb6: {  	(tag) =	ssettag $0x2  }
0xb7: {  	s0 =	rddreg [dreg:$0x0];
	s2 =	stileid.u32  }
0xb8: {  	s1 =	rddreg [dreg:$0x1];
	p0 =	sne.s32 s2, $0x0  }
0xb9: {  	s3 =	rddreg [dreg:$0x2];
	[bflag:$0x3] =	sbarrier.arrive $0xFFFF;
	s2 =	simm.s32 @!p0 $0x1C03  }
0xba: {  	[timem:s3], [sflag:s2] =	dma.local @!p0 [hbm:s0], s1  }
0xbb: {  	s0 =	simm.s32 @!p0 $0x3  }
0xbc: {  	_ =	swait.ge @!p0 [sflag:s0], s1  }
0xbd: {  	s1 =	ssub.s32 @!p0 $0x0, s1;
	[sflag:s0] =	ssyncset.done @!p0 $0x0  }
0xbe: {  	[sflag:s0] =	ssyncadd.s32 @!p0 s1  }
0xbf: {  	[bflag:$0x3] =	sbarrier.arrive $0xFFFF  }
0xc0: {  	_ =	shalt  }

// kernel: kernel.8.cloned.1.call-start
scs
__scs_entry_jumppad:
0x0: {  	(pc) =	sbr.rel $0x88, $3  }
0x1: {  	(tag) =	ssettag $0x0;
	lr =	simm.s32 $0x1  }
0x2: {  	[smem:$0x3F94] =	sst lr;
	_ =	strace $0xD0000000  }
0x3: {  	_ = 	snop  }
0x4: {  	_ = 	snop  }
0x5: {  	_ = 	snop  }
0x6: {  	_ = 	snop  }
0x7: {  	_ = 	snop  }
__scs_overlays_trampoline_lowered:
0x8: {  	[smem:$0x3FA3] =	sst s0  }
0x9: {  	[smem:$0x3FA4] =	sst s1  }
0xa: {  	[smem:$0x3FA5] =	sst s2  }
0xb: {  	[smem:$0x3FA6] =	sst s3  }
0xc: {  	[smem:$0x3FA7] =	sst s4  }
0xd: {  	[smem:$0x3FA8] =	sst s5  }
0xe: {  	[smem:$0x3FA9] =	sst s6  }
0xf: {  	[smem:$0x3FAA] =	sst s7  }
0x10: {  	[smem:$0x3FAB] =	sst s8  }
0x11: {  	[smem:$0x3FAC] =	sst s9;
	s0 =	simm.s32 @!p0 $0x0  }
0x12: {  	s1 =	sld [smem:$0x3F92];
	s0 =	simm.s32 @p0 $0x1  }
0x13: {  	[smem:$0x3FAD] =	sst s0;
	s0 =	simm.s32 @!p1 $0x0  }
0x14: {  	s2 =	sld [smem:$0x3F91];
	s0 =	simm.s32 @p1 $0x1  }
0x15: {  	[smem:$0x3FAE] =	sst s0;
	s0 =	simm.s32 @!p2 $0x0  }
0x16: {  	s3 =	sld [smem:$0x3FDB];
	s0 =	simm.s32 @p2 $0x1  }
0x17: {  	s4 =	simm.s32 $0x1BF5;
	[smem:$0x3FB0] =	sst s0  }
0x18: {  	s0 =	sld [smem:$0x3F93];
	_ =	swait.ge [sflag:s4], $0x0  }
0x19: {  	s7 =	sld [smem:$0x3F94]  }
0x1a: {  	s8 =	sadd.s32 $0xFFFFE003, lr  }
0x1b: {  	s9 =	sadd.s32 $0xFFFFFEF7, lr;
	s5 =	simm.s32 $0xFFFFFFFF;
	p2 =	slt.u32 s8, $0xFFFFF086  }
0x1c: {  	p1 =	slt.u32 s9, $0xF7A;
	s5 =	simm.s32 @!p2 $0x0  }
0x1d: {  	s5 =	simm.s32 @p1 $0x1;
	p0 =	seq.s32 s7, s2  }
0x1e: {  	s7 =	smul.u32 @!p0 $0xF7A, s2;
	p2 =	seq.s32 @!p0 s5, $0x0  }
0x1f: {  	s9 =	smul.u32 $0xF7A, s1;
	s8 =	simm.s32 @!p0 $0x1BF5;
	p2 =	por !p2, p0  }
0x20: {  	[sflag:s8] =	ssyncset.s32 @!p0 $0xFFFFF086;
	s6 =	sadd.s32 @!p0 s3, s7;
	s7 =	simm.s32 @!p0 $0x108  }
0x21: {  	s3 =	sadd.s32 s3, s9;
	s6 =	sadd.s32 @!p0 $0x88, s6;
	s7 =	simm.s32 @p2 $0x1082  }
0x22: {  	[simem:s7], [sflag:s8] =	dma.local @!p0 [hbm:s6], $0xF7A  }
0x23: {  	s9 =	sor.u32 $0xD0000000, s2;
	s6 =	simm.s32 $0x108;
	_ =	swait.ge @!p0 [sflag:s8], $0x0  }
0x24: {  	s3 =	sadd.s32 $0x88, s3;
	s6 =	simm.s32 @!p1 $0x1082;
	[sflag:s4] =	ssyncset.s32 $0xFFFFF086  }
0x25: {  	[simem:s6], [sflag:s4] =	dma.local [hbm:s3], $0xF7A  }
0x26: {  	[smem:$0x3F94] =	sst s1;
	(tag) =	ssettag s2;
	_ =	strace s9  }
0x27: {  	s1 =	sld [smem:$0x3FA4]  }
0x28: {  	s2 =	sld [smem:$0x3FA5]  }
0x29: {  	s4 =	sld [smem:$0x3FA7]  }
0x2a: {  	p0 =	seq.s32 s5, $0x0;
	s5 =	sld [smem:$0x3FA8]  }
0x2b: {  	s6 =	sld [smem:$0x3FA9]  }
0x2c: {  	s7 =	sld [smem:$0x3FAA]  }
0x2d: {  	s3 =	simm.s32 $0x108;
	s8 =	sld [smem:$0x3FAB]  }
0x2e: {  	s3 =	simm.s32 @!p0 $0x1082;
	s9 =	sld [smem:$0x3FAC]  }
0x2f: {  	lr =	sadd.s32 s0, s3;
	s0 =	sld [smem:$0x3FA3]  }
0x30: {  	s3 =	sld [smem:$0x3FA6]  }
0x31: {  	[smem:$0x3FAF] =	sst s10  }
0x32: {  	s10 =	sld [smem:$0x3FAD];
	_ =	sdelay $0x3  }
0x33: {  	p0 =	seq.s32 s10, $0x1;
	s10 =	sld [smem:$0x3FAF];
	_ =	sdelay $0x3  }
0x34: {  	[smem:$0x3FAF] =	sst s10  }
0x35: {  	s10 =	sld [smem:$0x3FAE];
	_ =	sdelay $0x3  }
0x36: {  	p1 =	seq.s32 s10, $0x1;
	s10 =	sld [smem:$0x3FAF];
	_ =	sdelay $0x3  }
0x37: {  	[smem:$0x3FAF] =	sst s10  }
0x38: {  	s10 =	sld [smem:$0x3FB0]  }
0x39: {  	_ = 	snop;
	(pc) =	sbr.ind lr, $3  }
0x3a: {  	_ = 	snop  }
0x3b: {  	_ = 	snop  }
0x3c: {  	p2 =	seq.s32 s10, $0x1;
	s10 =	sld [smem:$0x3FAF]  }
0x3d: {  	_ =	shalt  }
0x3e: {  	_ =	shalt  }
0x3f: {  	_ =	shalt  }
0x40: {  	_ =	shalt  }
0x41: {  	_ =	shalt  }
0x42: {  	_ =	shalt  }
0x43: {  	_ =	shalt  }
0x44: {  	_ =	shalt  }
0x45: {  	_ =	shalt  }
0x46: {  	_ =	shalt  }
0x47: {  	_ =	shalt  }
0x48: {  	_ =	shalt  }
0x49: {  	_ =	shalt  }
0x4a: {  	_ =	shalt  }
0x4b: {  	_ =	shalt  }
0x4c: {  	_ =	shalt  }
0x4d: {  	_ =	shalt  }
0x4e: {  	_ =	shalt  }
0x4f: {  	_ =	shalt  }
0x50: {  	_ =	shalt  }
0x51: {  	_ =	shalt  }
0x52: {  	_ =	shalt  }
0x53: {  	_ =	shalt  }
0x54: {  	_ =	shalt  }
0x55: {  	_ =	shalt  }
0x56: {  	_ =	shalt  }
0x57: {  	_ =	shalt  }
0x58: {  	_ =	shalt  }
0x59: {  	_ =	shalt  }
0x5a: {  	_ =	shalt  }
0x5b: {  	_ =	shalt  }
0x5c: {  	_ =	shalt  }
0x5d: {  	_ =	shalt  }
0x5e: {  	_ =	shalt  }
0x5f: {  	_ =	shalt  }
0x60: {  	_ =	shalt  }
0x61: {  	_ =	shalt  }
0x62: {  	_ =	shalt  }
0x63: {  	_ =	shalt  }
0x64: {  	_ =	shalt  }
0x65: {  	_ =	shalt  }
0x66: {  	_ =	shalt  }
0x67: {  	_ =	shalt  }
0x68: {  	_ =	shalt  }
0x69: {  	_ =	shalt  }
0x6a: {  	_ =	shalt  }
0x6b: {  	_ =	shalt  }
0x6c: {  	_ =	shalt  }
0x6d: {  	_ =	shalt  }
0x6e: {  	_ =	shalt  }
0x6f: {  	_ =	shalt  }
0x70: {  	_ =	shalt  }
0x71: {  	_ =	shalt  }
0x72: {  	_ =	shalt  }
0x73: {  	_ =	shalt  }
0x74: {  	_ =	shalt  }
0x75: {  	_ =	shalt  }
0x76: {  	_ =	shalt  }
0x77: {  	_ =	shalt  }
0x78: {  	_ =	shalt  }
0x79: {  	_ =	shalt  }
0x7a: {  	_ =	shalt  }
0x7b: {  	_ =	shalt  }
0x7c: {  	_ =	shalt  }
0x7d: {  	_ =	shalt  }
0x7e: {  	_ =	shalt  }
0x7f: {  	_ =	shalt  }
0x80: {  	_ =	shalt  }
0x81: {  	_ =	shalt  }
0x82: {  	_ =	shalt  }
0x83: {  	_ =	shalt  }
0x84: {  	_ =	shalt  }
0x85: {  	_ =	shalt  }
0x86: {  	_ =	shalt  }
0x87: {  	_ =	shalt  }
.Lfunc_end0:
.L_simem_size_0:
called_computation_lowered:
.L_overlay_start_0:
0x88: {  	s2 =	sld [smem:$0x3FD9]  }
0x89: {  	s3 =	sld [smem:$0x3FFE];
	_ =	sdelay $0x1  }
0x8a: {  	s1 =	srdreg.scid  }
0x8b: {  	s0 =	sand.u32 $0x1, s1  }
0x8c: {  	s17 =	sshll.u32 s0, $0xA;
	s2 =	sadd.s32 s3, s2  }
0x8d: {  	s2 =	sadd.s32 s2, s17  }
0x8e: {  	[smem:$0x3FBB] =	sst s2  }
0x8f: {  	_ = 	snop  }
0x90: {  	s2 =	sld [smem:$0x3FC9]  }
0x91: {  	s18 =	sld [smem:$0x3FC8]  }
0x92: {  	s4 =	sld [smem:$0x3FD0];
	(tm) =	ssettm $0x1  }
0x93: {  	s5 =	sld [smem:$0x3FFB];
	_ =	sdelay $0x3  }
0x94: {  	_ =	strace s5  }
0x95: {  	s5 =	sld [smem:$0x3FFC];
	_ =	sdelay $0x3  }
0x96: {  	_ =	strace s5  }
0x97: {  	s5 =	sld [smem:$0x3FFD];
	_ =	sdelay $0x3  }
0x98: {  	_ =	strace s5  }
0x99: {  	_ =	strace $0x8FFFFFFF  }
0x9a: {  	s19 =	sld [smem:$0x3FDB];
	_ =	sdelay $0x1  }
0x9b: {  	s6 =	simm.s32 $_scs_section_size  }
0x9c: {  	s7 =	simm.s32 $_size__tile_overlayer_lowered;
	s8 =	simm.s32 $_tile_overlayer_lowered  }
0x9d: {  	s22 =	simm.s32 $0x1BFF;
	s21 =	sshll.u32 s8, $0x1;
	s5 =	sadd.s32 s6, s19  }
0x9e: {  	s9 =	simm.s32 $0x0;
	s20 =	sshll.u32 s7, $0x1;
	s7 =	sadd.s32 s21, s5  }
0x9f: {  	[timem:s9], [sflag:s22] =	dma.local [hbm:s7], s20  }
0xa0: {  	_ =	swait.ge [sflag:s22], s20  }
0xa1: {  	s6 =	ssub.s32 $0x0, s20;
	[sflag:s22] =	ssyncset.done $0x0  }
0xa2: {  	[sflag:s22] =	ssyncadd.s32 s6;
	_ =	sdelay $0x1  }
0xa3: {  	s23 =	simm.s32 $0x1B8B  }
0xa4: {  	_ =	swait.ge [sflag:s23], $0x1  }
0xa5: {  	[sflag:s23] =	ssyncset.done $0x0  }
0xa6: {  	s25 =	simm.s32 $0x1B8E;
	s24 =	sld [smem:$0x3FFE];
	[sflag:s23] =	ssyncadd.s32 $0xFFFFFFFF  }
0xa7: {  	s26 =	simm.s32 $execute0_lowered;
	[smem:$0x3FD2] =	sst s25  }
0xa8: {  	s7 =	sshll.u32 s26, $0x1;
	_ =	strace $0x80000046;
	[dreg:$0x1] =	wrdreg $0xFFFFFFFF  }
0xa9: {  	s28 =	simm.s32 $_size_execute0_lowered;
	s5 =	sadd.s32 s5, s7;
	[dreg:$0x0] =	wrdreg $0x0  }
0xaa: {  	s7 =	sshll.u32 s28, $0x1;
	[dreg:$0x2] =	wrdreg s5  }
0xab: {  	[dreg:$0x3] =	wrdreg s7  }
0xac: {  	[dreg:$0x4] =	wrdreg $0xC0  }
0xad: {  	_ =	task [dreg:s9], $0x5FFFF  }
0xae: {  	[dreg:$0x1] =	wrdreg $0xFFFFFFFF  }
0xaf: {  	[dreg:$0x0] =	wrdreg $0x60  }
0xb0: {  	[dreg:$0x2] =	wrdreg s2  }
0xb1: {  	[dreg:$0x3] =	wrdreg s18  }
0xb2: {  	[dreg:$0x4] =	wrdreg s24  }
0xb3: {  	[dreg:$0x5] =	wrdreg s4  }
0xb4: {  	[dreg:$0x6] =	wrdreg $0x81800  }
0xb5: {  	[dreg:$0x7] =	wrdreg $0x9  }
0xb6: {  	_ =	task.clear_ibuf [dreg:s9], $0x8FFFF;
	_ =	strace $0x90000046  }
0xb7: {  	s29 =	simm.s32 $0x9;
	_ =	strace $0x80000048  }
0xb8: {  	_ =	swait.ge [sflag:s29], $0x1  }
0xb9: {  	[sflag:s29] =	ssyncadd.s32 $0xFFFFFFFF  }
0xba: {  	_ =	strace $0x90000048  }
0xbb: {  	_ =	sfence  }
0xbc: {  	s30 =	sld [smem:$0x0];
	_ =	sdelay $0x2  }
0xbd: {  	s31 =	sshll.u32 s1, $0xD;
	s1 =	sshrl.u32 s1, $0x2  }
0xbe: {  	s3 =	sand.u32 $0x4000, s31;
	s1 =	sadd.s32 s1, s30  }
0xbf: {  	s0 =	sor.u32 s3, s0;
	s1 =	sshll.u32 s1, $0x11  }
0xc0: {  	s0 =	sor.u32 s1, s0  }
0xc1: {  	s0 =	sadd.s32 $0x8F2B, s0  }
0xc2: {  	[sflag:s0] =	ssyncadd.remote.s32 $0x1  }
0xc3: {  	_ =	sfence.sel $0xFFFF  }
0xc4: {  	[dreg:$0x0] =	wrdreg $0xFFFFFFFF;
	(pc) =	sbr.abs _section_cstart, $3  }
0xc5: {  	[dreg:$0x1] =	wrdreg $0xFFFFFFFF  }
0xc6: {  	_ =	task.clear_ibuf [dreg:s9], $0x2FFFF;
	_ =	strace $0x9FFFFFFF  }
0xc7: {  	(tm) =	ssettm $0x7FFFFFFF  }
tec
execute0_lowered:
.L_overlay_start_1:
0x0: {  	(tag) =	ssettag $0x1  }
0x1: {  	s1 =	rddreg [dreg:$0x0]  }
0x2: {  	s2 =	rddreg [dreg:$0x1]  }
0x3: {  	s0 =	rddreg [dreg:$0x2]  }
0x4: {  	s3 =	rddreg [dreg:$0x3]  }
0x5: {  	s4 =	rddreg [dreg:$0x4];
	s5 =	srdreg.scid  }
0x6: {  	s6 =	simm.s32 $0x0;
	s24 =	stileid.u32;
	s28 =	simm.s32 $0x80  }
0x7: {  	s29 =	simm.s32 $0x100;
	s30 =	simm.s32 $0x4180;
	s31 =	simm.s32 $0x1  }
0x8: {  	s7 =	sand.u32 $0x1, s5;
	[smem:$0x7FF] =	sst s6;
	s10 =	smul.u32 $0x4E000, s24  }
0x9: {  	s17 =	smul.u32 $0x13800, s24;
	s8 =	sadd.s32 $0x4C00, s0;
	s0 =	sadd.s32 $0xEA00, s0  }
0xa: {  	s15 =	sadd.s32 $0x138000, s4;
	s16 =	sadd.s32 $0x10, s2;
	p0 =	sne.s32 s24, $0xF  }
0xb: {  	s5 =	ssub.s32 $0x2, s7;
	_ =	strace $0x80000047;
	s22 =	smul.u32 $0x138800, s7  }
0xc: {  	s9 =	sshrl.u32 s5, $0x1;
	s10 =	sshrl.u32 s10, $0x2;
	s18 =	sadd.s32 $0x4000, s17  }
0xd: {  	s19 =	sadd.s32 $0x8000, s17;
	s20 =	sadd.s32 $0xC000, s17;
	s21 =	sadd.s32 $0x10000, s17  }
0xe: {  	s5 =	ssub.s32 s5, s9;
	s9 =	sshll.u32 s24, $0x1;
	s10 =	sadd.s32 s10, s4  }
0xf: {  	s11 =	sadd.s32 s18, s4;
	s12 =	sadd.s32 s19, s4;
	s13 =	sadd.s32 s20, s4  }
0x10: {  	s14 =	sadd.s32 s21, s4;
	s17 =	sadd.s32 s17, s22;
	s18 =	sadd.s32 s22, s18  }
0x11: {  	s19 =	sadd.s32 s22, s19;
	s20 =	sadd.s32 s22, s20;
	s21 =	sadd.s32 s22, s21  }
0x12: {  	s23 =	sshrl.u32 s22, $0x3;
	s24 =	simm.s32 $0x180;
	s17 =	sshrl.u32 s17, $0x3  }
0x13: {  	s25 =	sshrl.u32 s18, $0x3;
	s26 =	sshrl.u32 s19, $0x3;
	s17 =	sadd.s32 s0, s17  }
0x14: {  	s19 =	sadd.s32 s0, s26;
	s26 =	sadd.s32 s0, s23;
	s23 =	smax.u32 s5, $0x1  }
.Ltmp0:
0x15: {  	[dreg:$0x6] =	wrdreg s17;
	s17 =	sadd.s32 s0, s25;
	(pc) =	sbr.rel .LBB2_1-.Ltmp0, $4  }
0x16: {  	[dreg:$0x8] =	wrdreg s19;
	s25 =	sshrl.u32 s21, $0x3;
	s22 =	sadd.s32 $0x27000, s26  }
0x17: {  	s26 =	simm.s32 $0x4;
	[dreg:$0x7] =	wrdreg s17;
	s17 =	sshrl.u32 s20, $0x3  }
0x18: {  	s21 =	sadd.s32 s0, s25;
	s25 =	simm.s32 $0x3;
	s17 =	sadd.s32 s0, s17  }
0x19: {  	v0 =	vimm.f32 $0.0e+00;
	s20 =	simm.s32 $0x0;
	s0 =	simm.s32 $0x2;
	[dreg:$0x9] =	wrdreg s17  }
.LBB2_9:
0x1a: {  	s5 =	stileid.u32  }
0x1b: {  	[bflag:$0x0] =	sbarrier.arrive $0xFFFF;
	s5 =	sshll.u32 s5, $0x6  }
0x1c: {  	s17 =	sshrl.u32 s10, $0x3;
	s18 =	rddreg [dreg:$0x6];
	s5 =	sor.u32 $0x1C03, s5  }
0x1d: {  	[hbm:s18], [sflag:s5] =	dma.local [spmem:s17], $0x800  }
0x1e: {  	_ =	swait.ge [sflag:s25], $0x800  }
0x1f: {  	[sflag:s25] =	ssyncset.done $0x0  }
0x20: {  	s18 =	sshrl.u32 s11, $0x3;
	s19 =	rddreg [dreg:$0x7];
	[sflag:s25] =	ssyncadd.s32 $0xFFFFF800  }
0x21: {  	[hbm:s19], [sflag:s5] =	dma.local [spmem:s18], $0x800  }
0x22: {  	_ =	swait.ge [sflag:s25], $0x800  }
0x23: {  	[sflag:s25] =	ssyncset.done $0x0  }
0x24: {  	s18 =	sshrl.u32 s12, $0x3;
	s19 =	rddreg [dreg:$0x8];
	[sflag:s25] =	ssyncadd.s32 $0xFFFFF800  }
0x25: {  	[hbm:s19], [sflag:s5] =	dma.local [spmem:s18], $0x800  }
0x26: {  	_ =	swait.ge [sflag:s25], $0x800  }
0x27: {  	[sflag:s25] =	ssyncset.done $0x0  }
0x28: {  	s18 =	sshrl.u32 s13, $0x3;
	s19 =	rddreg [dreg:$0x9];
	[sflag:s25] =	ssyncadd.s32 $0xFFFFF800  }
0x29: {  	[hbm:s19], [sflag:s5] =	dma.local [spmem:s18], $0x800  }
0x2a: {  	_ =	swait.ge [sflag:s25], $0x800  }
0x2b: {  	[sflag:s25] =	ssyncset.done $0x0  }
0x2c: {  	s19 =	sshrl.u32 s14, $0x3;
	[sflag:s25] =	ssyncadd.s32 $0xFFFFF800  }
0x2d: {  	[hbm:s21], [sflag:s5] =	dma.local [spmem:s19], $0x700  }
0x2e: {  	_ =	swait.ge [sflag:s25], $0x700  }
0x2f: {  	s6 =	sadd.s32 $0x1, s6;
	[sflag:s25] =	ssyncset.done $0x0  }
0x30: {  	p1 =	sne.s32 s6, s23;
	s17 =	sshrl.u32 @!p0 s15, $0x3;
	[sflag:s25] =	ssyncadd.s32 $0xFFFFF900  }
0x31: {  	[hbm:s22], [sflag:s5] =	dma.local @!p0 [spmem:s17], $0x100  }
.Ltmp1:
0x32: {  	_ = 	snop;
	(pc) =	sbr.rel @!p1 .LBB2_10-.Ltmp1, $4  }
0x33: {  	s5 =	simm.s32 @!p0 $0x3  }
0x34: {  	_ =	swait.ge @!p0 [sflag:s5], $0x100  }
0x35: {  	[sflag:s5] =	ssyncset.done @!p0 $0x0  }
0x36: {  	[sflag:s5] =	ssyncadd.s32 @!p0 $0xFFFFFF00  }
.LBB2_1:
0x37: {  	s5 =	simm.s32 $0x0;
	s17 =	simm.s32 $0x200  }
.LBB2_2:
0x38: {  	p1 =	sne.s32 s17, $0xFE00;
	[tilespmem:s5+$0x1F0] =	vst v0  }
0x39: {  	[tilespmem:s5+$0x180] =	vst v0  }
0x3a: {  	[tilespmem:s5+$0x190] =	vst v0  }
.Ltmp2:
0x3b: {  	[tilespmem:s5+$0x1A0] =	vst v0;
	(pc) =	sbr.rel @p1 .LBB2_2-.Ltmp2, $4  }
0x3c: {  	[tilespmem:s5+$0x1B0] =	vst v0  }
0x3d: {  	[tilespmem:s5+$0x1C0] =	vst v0  }
0x3e: {  	[tilespmem:s5+$0x1D0] =	vst v0  }
0x3f: {  	[tilespmem:s5+$0x1E0] =	vst v0;
	s5 =	sshra.s32 s17, $0x2;
	s17 =	sadd.s32 $0x200, s17  }
0x40: {  	[tilespmem:s5+$0x1F0] =	vst v0  }
0x41: {  	[tilespmem:s5+$0x180] =	vst v0  }
0x42: {  	[tilespmem:s5+$0x190] =	vst v0  }
0x43: {  	[tilespmem:s5+$0x1A0] =	vst v0  }
0x44: {  	[tilespmem:s5+$0x1B0] =	vst v0  }
0x45: {  	[tilespmem:s5+$0x1C0] =	vst v0  }
0x46: {  	[tilespmem:s5+$0x1D0] =	vst v0  }
0x47: {  	[tilespmem:s5+$0x1E0] =	vst v0  }
0x48: {  	[spmem:s10] =	stream.linear.scatter [tilespmem:s24], [sflag:$0x3], $0x4000, $0x38;
	[tilespmem:$0x1BA00] =	vst v63  }
0x49: {  	_ =	swait.ge [sflag:s25], $0x4000  }
0x4a: {  	[sflag:s25] =	ssyncset.done $0x0  }
0x4b: {  	[sflag:s25] =	ssyncadd.s32 $0xFFFFC000  }
0x4c: {  	[spmem:s11] =	stream.linear.scatter [tilespmem:s24], [sflag:$0x3], $0x4000, $0x38;
	[tilespmem:$0x1BA00] =	vst v63  }
0x4d: {  	_ =	swait.ge [sflag:s25], $0x4000  }
0x4e: {  	[sflag:s25] =	ssyncset.done $0x0  }
0x4f: {  	[sflag:s25] =	ssyncadd.s32 $0xFFFFC000  }
0x50: {  	[spmem:s12] =	stream.linear.scatter [tilespmem:s24], [sflag:$0x3], $0x4000, $0x38;
	[tilespmem:$0x1BA00] =	vst v63  }
0x51: {  	_ =	swait.ge [sflag:s25], $0x4000  }
0x52: {  	[sflag:s25] =	ssyncset.done $0x0  }
0x53: {  	[sflag:s25] =	ssyncadd.s32 $0xFFFFC000  }
0x54: {  	[spmem:s13] =	stream.linear.scatter [tilespmem:s24], [sflag:$0x3], $0x4000, $0x38;
	[tilespmem:$0x1BA00] =	vst v63  }
0x55: {  	_ =	swait.ge [sflag:s25], $0x4000  }
0x56: {  	[sflag:s25] =	ssyncset.done $0x0  }
0x57: {  	[sflag:s25] =	ssyncadd.s32 $0xFFFFC000  }
0x58: {  	[spmem:s14] =	stream.linear.scatter [tilespmem:s24], [sflag:$0x3], $0x3800, $0x38;
	[tilespmem:$0x1BA00] =	vst v63  }
0x59: {  	_ =	swait.ge [sflag:s25], $0x3800  }
0x5a: {  	[sflag:s25] =	ssyncset.done $0x0  }
0x5b: {  	s5 =	simm.s32 @!p0 $0x180;
	[sflag:s25] =	ssyncadd.s32 $0xFFFFC800  }
0x5c: {  	[spmem:s15] =	stream.linear.scatter @!p0 [tilespmem:s5], [sflag:$0x3], $0x800, $0x38;
	[tilespmem:$0x1BA00] =	vst v63  }
0x5d: {  	s5 =	simm.s32 @!p0 $0x3  }
.Ltmp3:
0x5e: {  	_ =	swait.ge @!p0 [sflag:s5], $0x800;
	(pc) =	sbr.rel .LBB2_4-.Ltmp3, $4  }
0x5f: {  	[sflag:s5] =	ssyncset.done @!p0 $0x0  }
0x60: {  	[sflag:s5] =	ssyncadd.s32 @!p0 $0xFFFFF800  }
0x61: {  	[bflag:$0x0] =	sbarrier.arrive $0xFFFF  }
0x62: {  	s5 =	simm.s32 $0x0  }
.LBB2_8:
0x63: {  	s5 =	sadd.s32 $0x1, s5  }
0x64: {  	p1 =	sne.s32 s5, $0x4F  }
.Ltmp4:
0x65: {  	_ = 	snop;
	(pc) =	sbr.rel @!p1 .LBB2_9-.Ltmp4, $1  }
0x66: {  	_ =	sdelay $0x3  }
.LBB2_4:
0x67: {  	s17 =	sshll.u32 s5, $0x5  }
0x68: {  	s17 =	sor.u32 s9, s17  }
0x69: {  	p1 =	sgt.u32 s17, $0x9C3  }
.Ltmp5:
0x6a: {  	_ = 	snop;
	(pc) =	sbr.rel @p1 .LBB2_8-.Ltmp5, $1  }
0x6b: {  	_ =	sdelay $0x3  }
0x6c: {  	s17 =	sor.u32 s7, s17  }
0x6d: {  	s18 =	sshll.u32 s17, $0x5  }
0x6e: {  	s19 =	sadd.s32 s2, s18  }
0x6f: {  	[tilespmem:s20], [sflag:$0x4] =	stream.linear.gather [hbm4b:s19+s20], $0x80, $0x38;
	[tilespmem:$0x1BA00] =	vst v63  }
0x70: {  	_ =	swait.ge [sflag:s26], $0x80  }
0x71: {  	[sflag:s26] =	ssyncset.done $0x0  }
0x72: {  	s18 =	sadd.s32 s18, s16;
	[sflag:s26] =	ssyncadd.s32 $0xFFFFFF80  }
0x73: {  	[tilespmem:s28], [sflag:$0x4] =	stream.linear.gather [hbm4b:s18+s20], $0x80, $0x38;
	[tilespmem:$0x1BA00] =	vst v63  }
0x74: {  	_ =	swait.ge [sflag:s26], $0x80  }
0x75: {  	s17 =	sshll.u32 s17, $0x4;
	[sflag:s26] =	ssyncset.done $0x0  }
0x76: {  	s17 =	sadd.s32 s8, s17;
	[sflag:s26] =	ssyncadd.s32 $0xFFFFFF80  }
0x77: {  	[tilespmem:s29], [sflag:$0x4] =	stream.linear.gather [hbm4b:s17+s20], $0x80, $0x38;
	[tilespmem:$0x1BA00] =	vst v63  }
0x78: {  	_ =	swait.ge [sflag:s26], $0x80  }
0x79: {  	[sflag:s26] =	ssyncset.done $0x0  }
0x7a: {  	[sflag:s26] =	ssyncadd.s32 $0xFFFFFF80  }
0x7b: {  	[tilespmem:s24], [sflag:$0x1] =	stream.indirect.gather [hbm4b:s3+s28], $0x80, s29, s28, $0xb8;
	[tilespmem:$0x1BA00] =	vst v63  }
0x7c: {  	_ = 	snop  }
0x7d: {  	[tilespmem:s30], [sflag:$0x2] =	stream.indirect.gather [hbm4b:s1+s28], $0x80, s20, s28, $0xb8;
	[tilespmem:$0x1BA00] =	vst v63  }
0x7e: {  	_ =	swait.ge [sflag:s31], $0x4000  }
0x7f: {  	[sflag:s31] =	ssyncset.done $0x0  }
0x80: {  	[sflag:s31] =	ssyncadd.s32 $0xFFFFC000  }
0x81: {  	_ =	swait.ge [sflag:s0], $0x4000  }
0x82: {  	[sflag:s0] =	ssyncset.done $0x0  }
0x83: {  	s17 =	simm.s32 $0x0;
	[sflag:s0] =	ssyncadd.s32 $0xFFFFC000  }
0x84: {  	v7 =	vld [tilespmem:s17+$0x4180]  }
0x85: {  	v12 =	vld [tilespmem:s17+$0x4190]  }
0x86: {  	v6 =	vld [tilespmem:s17+$0x41A0]  }
0x87: {  	v5 =	vld [tilespmem:s17+$0x41B0]  }
0x88: {  	v4 =	vld [tilespmem:s17+$0x41C0]  }
0x89: {  	v3 =	vld [tilespmem:s17+$0x41D0]  }
0x8a: {  	v2 =	vld [tilespmem:s17+$0x41E0]  }
0x8b: {  	v1 =	vld [tilespmem:s17+$0x41F0]  }
0x8c: {  	v13 =	vld [tilespmem:s17+$0x180]  }
0x8d: {  	v14 =	vld [tilespmem:s17+$0x190]  }
0x8e: {  	v11 =	vld [tilespmem:s17+$0x1A0]  }
0x8f: {  	v10 =	vld [tilespmem:s17+$0x1B0]  }
0x90: {  	v9 =	vld [tilespmem:s17+$0x1C0]  }
0x91: {  	v8 =	vld [tilespmem:s17+$0x1D0];
	v13 =	vadd.f32 v7, v13  }
0x92: {  	s18 =	simm.s32 $0x200;
	v12 =	vadd.f32 v12, v14;
	v7 =	vld [tilespmem:s17+$0x1E0]  }
.LBB2_6:
0x93: {  	s19 =	sshra.s32 s18, $0x2;
	p1 =	sne.s32 s18, $0xFE00;
	v13 =	vmax.f32 v13, $0.0e+00;
	v6 =	vadd.f32 v6, v11;
	v11 =	vld [tilespmem:s17+$0x1F0]  }
0x94: {  	v14 =	vld [tilespmem:s19+$0x4180];
	[tilespmem:s17+$0x180] =	vst v13;
	v12 =	vmax.f32 v12, $0.0e+00;
	v5 =	vadd.f32 v5, v10  }
0x95: {  	v15 =	vld [tilespmem:s19+$0x4190];
	[tilespmem:s17+$0x190] =	vst v12;
	v10 =	vmax.f32 v6, $0.0e+00;
	v4 =	vadd.f32 v4, v9  }
0x96: {  	v6 =	vld [tilespmem:s19+$0x41A0];
	[tilespmem:s17+$0x1A0] =	vst v10;
	v9 =	vmax.f32 v5, $0.0e+00;
	v3 =	vadd.f32 v3, v8  }
0x97: {  	v5 =	vld [tilespmem:s19+$0x41B0];
	[tilespmem:s17+$0x1B0] =	vst v9;
	v8 =	vmax.f32 v4, $0.0e+00;
	v2 =	vadd.f32 v2, v7  }
0x98: {  	v4 =	vld [tilespmem:s19+$0x41C0];
	[tilespmem:s17+$0x1C0] =	vst v8;
	v7 =	vmax.f32 v3, $0.0e+00;
	v1 =	vadd.f32 v1, v11  }
0x99: {  	v3 =	vld [tilespmem:s19+$0x41D0];
	[tilespmem:s17+$0x1D0] =	vst v7;
	v7 =	vmax.f32 v2, $0.0e+00  }
0x9a: {  	v2 =	vld [tilespmem:s19+$0x41E0];
	[tilespmem:s17+$0x1E0] =	vst v7;
	v7 =	vmax.f32 v1, $0.0e+00  }
0x9b: {  	v1 =	vld [tilespmem:s19+$0x41F0];
	[tilespmem:s17+$0x1F0] =	vst v7;
	s17 =	smov.u32 s19  }
0x9c: {  	v7 =	vld [tilespmem:s17+$0x180]  }
0x9d: {  	v12 =	vld [tilespmem:s17+$0x190]  }
.Ltmp6:
0x9e: {  	v11 =	vld [tilespmem:s17+$0x1A0];
	(pc) =	sbr.rel @p1 .LBB2_6-.Ltmp6, $4  }
0x9f: {  	v10 =	vld [tilespmem:s17+$0x1B0]  }
0xa0: {  	v9 =	vld [tilespmem:s17+$0x1C0]  }
0xa1: {  	v13 =	vadd.f32 v14, v7;
	v8 =	vld [tilespmem:s17+$0x1D0]  }
0xa2: {  	s18 =	sadd.s32 $0x200, s18;
	v12 =	vadd.f32 v15, v12;
	v7 =	vld [tilespmem:s17+$0x1E0]  }
0xa3: {  	v13 =	vmax.f32 v13, $0.0e+00;
	v6 =	vadd.f32 v6, v11;
	v63 =	vld [tilespmem:s17+$0x1F0]  }
0xa4: {  	[tilespmem:s17+$0x180] =	vst v13;
	v12 =	vmax.f32 v12, $0.0e+00;
	v5 =	vadd.f32 v5, v10  }
0xa5: {  	[tilespmem:s17+$0x190] =	vst v12;
	v6 =	vmax.f32 v6, $0.0e+00;
	v4 =	vadd.f32 v4, v9  }
0xa6: {  	[tilespmem:s17+$0x1A0] =	vst v6;
	v5 =	vmax.f32 v5, $0.0e+00;
	v3 =	vadd.f32 v3, v8  }
0xa7: {  	[tilespmem:s17+$0x1B0] =	vst v5;
	v4 =	vmax.f32 v4, $0.0e+00;
	v2 =	vadd.f32 v2, v7  }
0xa8: {  	[tilespmem:s17+$0x1C0] =	vst v4;
	v3 =	vmax.f32 v3, $0.0e+00;
	v1 =	vadd.f32 v1, v63  }
0xa9: {  	[tilespmem:s17+$0x1D0] =	vst v3;
	v2 =	vmax.f32 v2, $0.0e+00  }
0xaa: {  	[tilespmem:s17+$0x1E0] =	vst v2;
	v1 =	vmax.f32 v1, $0.0e+00  }
.Ltmp7:
0xab: {  	[tilespmem:s17+$0x1F0] =	vst v1;
	(pc) =	sbr.rel .LBB2_8-.Ltmp7, $4  }
0xac: {  	[spmem:s4] =	stream.indirect.scatter.add.f32 [tilespmem:s24], [sflag:$0x3], $0x80, s28, s28, $0xb8;
	[tilespmem:$0x1BA00] =	vst v63  }
0xad: {  	_ =	swait.ge [sflag:s25], $0x4000  }
0xae: {  	[sflag:s25] =	ssyncset.done $0x0  }
0xaf: {  	[sflag:s25] =	ssyncadd.s32 $0xFFFFC000  }
.LBB2_10:
0xb0: {  	_ =	sfence.sel $0x180000  }
0xb1: {  	[bflag:$0x0] =	sbarrier.arrive $0xFFFF  }
0xb2: {  	_ =	strace $0x90000047  }
0xb3: {  	s0 =	stileid.u32;
	[bflag:$0x2] =	sbarrier.arrive $0xFFFF  }
0xb4: {  	p0 =	sne.s32 s0, $0x0;
	s0 =	rddreg [dreg:$0x5]  }
0xb5: {  	s0 =	sadd.s32 @!p0 $0x100000, s0  }
0xb6: {  	[sflag:s0] =	ssyncadd.tile.s32 @!p0 $0x1;
	_ =	shalt  }
.Lfunc_end2:
_tile_overlayer_lowered:
.L_overlay_start_2:
0xb7: {  	(tag) =	ssettag $0x2  }
0xb8: {  	s0 =	rddreg [dreg:$0x0];
	s2 =	stileid.u32  }
0xb9: {  	s1 =	rddreg [dreg:$0x1];
	p0 =	sne.s32 s2, $0x0  }
0xba: {  	s3 =	rddreg [dreg:$0x2];
	[bflag:$0x3] =	sbarrier.arrive $0xFFFF;
	s2 =	simm.s32 @!p0 $0x1C03  }
0xbb: {  	[timem:s3], [sflag:s2] =	dma.local @!p0 [hbm:s0], s1  }
0xbc: {  	s0 =	simm.s32 @!p0 $0x3  }
0xbd: {  	_ =	swait.ge @!p0 [sflag:s0], s1  }
0xbe: {  	s1 =	ssub.s32 @!p0 $0x0, s1;
	[sflag:s0] =	ssyncset.done @!p0 $0x0  }
0xbf: {  	[sflag:s0] =	ssyncadd.s32 @!p0 s1  }
0xc0: {  	[bflag:$0x3] =	sbarrier.arrive $0xFFFF  }
0xc1: {  	_ =	shalt  }

</sc_bundles>
